<compile_context>
chip_gen: v7x
topology: tpu7x:2x2x1
jax: 0.10.2.dev20260603
libtpu: 0.0.44.dev20260713+nightly
codegen_flags: <defaults>
</compile_context>

<pallas_src>
import functools

import jax
import jax.numpy as jnp
from jax import lax
from jax.experimental import pallas as pl
from jax.experimental.pallas import tpu as pltpu
from jax.experimental.pallas import tpu_sc as plsc

N = 10000
E = 320000
NC = 2
NS = 16
NW = NC * NS
N_PAD = 10240
RPS = N_PAD // NS
EPW = E // NW
CHUNK = 125
NCHUNK = EPW // CHUNK

_mesh = lambda: plsc.VectorSubcoreMesh(
    core_axis_name="c", subcore_axis_name="s", num_cores=NC, num_subcores=NS)



@functools.cache
def _make_deg():
    return functools.partial(
        pl.kernel,
        out_type=jax.ShapeDtypeStruct((NW, N_PAD), jnp.float32),
        mesh=_mesh(),
        compiler_params=pltpu.CompilerParams(needs_layout_passes=False, use_tc_tiling_on_sc=False),
        scratch_types=[
            pltpu.VMEM((N_PAD,), jnp.float32),
            pltpu.VMEM((EPW,), jnp.int32),
        ],
    )(_deg_body)


def _deg_body(dst_hbm, out_hbm, hist_v, didx_v):
    c = lax.axis_index("c")
    s = lax.axis_index("s")
    wid = c * NS + s

    def zstep(k, _):
        hist_v[pl.ds(k * 16, 16)] = jnp.zeros((16,), jnp.float32)
        return ()

    lax.fori_loop(0, N_PAD // 16, zstep, ())
    pltpu.sync_copy(dst_hbm.at[wid], didx_v)
    ones = jnp.ones((16,), jnp.float32)

    def step(k, _):
        idx = didx_v[pl.ds(k * 16, 16)]
        plsc.addupdate_scatter(hist_v, [idx], ones)
        return ()

    lax.fori_loop(0, EPW // 16, step, ())
    pltpu.sync_copy(hist_v, out_hbm.at[wid])


NBUF = 8


@functools.cache
def _make_prop(D):
    @functools.partial(
        pl.kernel,
        out_type=jax.ShapeDtypeStruct((NC, N_PAD, D), jnp.float32),
        mesh=_mesh(),
        compiler_params=pltpu.CompilerParams(needs_layout_passes=False, use_tc_tiling_on_sc=False),
        scratch_types=[
            pltpu.VMEM_SHARED((N_PAD, D), jnp.float32),
            pltpu.VMEM((NCHUNK, CHUNK), jnp.int32),
            pltpu.VMEM((NCHUNK, CHUNK), jnp.int32),
        ]
        + [pltpu.VMEM((CHUNK, D), jnp.float32)] * NBUF
        + [pltpu.SemaphoreType.DMA] * (2 * NBUF),
    )
    def _prop(src_hbm, dst_hbm, table_hbm, out_hbm,
              acc_sh, sidx_v, didx_v, *bufs):
        rows = bufs[:NBUF]
        sem_g = bufs[NBUF:2 * NBUF]
        sem_s = bufs[2 * NBUF:]
        c = lax.axis_index("c")
        s = lax.axis_index("s")
        wid = c * NS + s
        r0 = s * RPS
        pltpu.sync_copy(table_hbm.at[pl.ds(r0, RPS)], acc_sh.at[pl.ds(r0, RPS)])
        pltpu.sync_copy(src_hbm.at[wid], sidx_v)
        pltpu.sync_copy(dst_hbm.at[wid], didx_v)
        plsc.subcore_barrier()

        for b in range(NBUF):
            pltpu.async_copy(table_hbm.at[sidx_v.at[b]], rows[b], sem_g[b])

        def step(g, _):
            base = g * NBUF
            for b in range(NBUF):
                j = base + b
                pltpu.make_async_copy(table_hbm.at[sidx_v.at[j]], rows[b], sem_g[b]).wait()
                pltpu.async_copy(rows[b], acc_sh.at[didx_v.at[j]], sem_s[b], add=True)

                @pl.when(j + NBUF < NCHUNK)
                def _():
                    pltpu.make_async_copy(rows[b], acc_sh.at[didx_v.at[j]], sem_s[b]).wait()
                    pltpu.async_copy(table_hbm.at[sidx_v.at[j + NBUF]], rows[b], sem_g[b])

            return ()

        lax.fori_loop(0, NCHUNK // NBUF, step, ())
        for b in range(NBUF):
            j = NCHUNK - NBUF + b
            pltpu.make_async_copy(rows[b], acc_sh.at[didx_v.at[j]], sem_s[b]).wait()
        plsc.subcore_barrier()
        pltpu.sync_copy(acc_sh.at[pl.ds(r0, RPS)], out_hbm.at[c, pl.ds(r0, RPS)])

    return _prop



def _mm1_body(x_ref, w1_ref, h_ref):
    h = jnp.dot(x_ref[...], w1_ref[...], preferred_element_type=jnp.float32)
    h_ref[...] = jnp.concatenate(
        [h, jnp.zeros((N_PAD - N, h.shape[1]), jnp.float32)], axis=0)


def _dense1_body(degt_ref, h_ref, dis_ref, h1p_ref):
    deg = jnp.sum(degt_ref[...], axis=1, keepdims=True) + 1.0
    dis = lax.rsqrt(deg)
    dis_ref[...] = dis
    h1p_ref[...] = h_ref[...] * dis


def _dense2_body(parts_ref, h1p_ref, dis_ref, w2_ref, b1_ref, h2p_ref):
    acc = parts_ref[0] + parts_ref[1] - h1p_ref[...]
    dis = dis_ref[...]
    h1 = jnp.maximum(dis * acc + b1_ref[...], 0.0)
    h2p_ref[...] = jnp.dot(h1, w2_ref[...], preferred_element_type=jnp.float32) * dis


def _dense3_body(parts_ref, h2p_ref, dis_ref, w3_ref, b2_ref, b3_ref, out_ref):
    acc = parts_ref[0] + parts_ref[1] - h2p_ref[...]
    dis = dis_ref[...]
    h2 = jnp.maximum(dis * acc + b2_ref[...], 0.0)
    out_ref[...] = jnp.dot(h2, w3_ref[...], preferred_element_type=jnp.float32) + b3_ref[...]


def _mm1(x, W1):
    return pl.pallas_call(
        _mm1_body,
        out_shape=jax.ShapeDtypeStruct((N_PAD, 64), jnp.float32),
    )(x, W1)


def _dense1(degt, h):
    return pl.pallas_call(
        _dense1_body,
        out_shape=(jax.ShapeDtypeStruct((N_PAD, 1), jnp.float32),
                   jax.ShapeDtypeStruct((N_PAD, 64), jnp.float32)),
    )(degt, h)


def _dense2(parts, h1p, dis, W2, b1):
    return pl.pallas_call(
        _dense2_body,
        out_shape=jax.ShapeDtypeStruct((N_PAD, 32), jnp.float32),
    )(parts, h1p, dis, W2, b1)


def _dense3(parts, h2p, dis, W3, b2, b3):
    return pl.pallas_call(
        _dense3_body,
        out_shape=jax.ShapeDtypeStruct((N_PAD, 1), jnp.float32),
    )(parts, h2p, dis, W3, b2, b3)



def kernel(x, edge_index, W1, b1, W2, b2, W3, b3):
    ei = edge_index.astype(jnp.int32)
    src = ei[0].reshape(NW, NCHUNK, CHUNK)
    dst = ei[1].reshape(NW, NCHUNK, CHUNK)
    dst_flat = ei[1].reshape(NW, EPW)

    deg_parts = _make_deg()(dst_flat)
    h = _mm1(x, W1)
    dis, h1p = _dense1(deg_parts.T, h)
    parts1 = _make_prop(64)(src, dst, h1p)
    h2p = _dense2(parts1, h1p, dis, W2, b1.reshape(1, -1))
    parts2 = _make_prop(32)(src, dst, h2p)
    out = _dense3(parts2, h2p, dis, W3, b2.reshape(1, -1), b3.reshape(1, 1))
    return out[:N]

# --- scband reference (transcript-rebuilt; emitter-appended) ---
"""Pipeline reference for scband-gnn-4844723110524 (READ-ONLY COPY).

The authoritative reference and input builder live on the scoring server;
editing this copy changes nothing except your own understanding.
"""

import jax, jax.numpy as jnp
import numpy as np

N_NODES = 10000
N_EDGES = 320000
D_IN = 128
D_H1 = 64
D_H2 = 32
D_OUT = 1


def setup_inputs(seed: int = 0) -> dict:
    key = jax.random.key(seed)
    k1, k2, k3, k4, k5 = jax.random.split(key, 5)
    x = jax.random.normal(k1, (N_NODES, D_IN), dtype=jnp.float32)
    edge_index = jax.random.randint(k2, (2, N_EDGES), 0, N_NODES, dtype=jnp.int64)
    W1 = jax.random.normal(k3, (D_IN, D_H1), dtype=jnp.float32) * (1.0 / np.sqrt(D_IN))
    b1 = jnp.zeros((D_H1,), dtype=jnp.float32)
    W2 = jax.random.normal(k4, (D_H1, D_H2), dtype=jnp.float32) * (1.0 / np.sqrt(D_H1))
    b2 = jnp.zeros((D_H2,), dtype=jnp.float32)
    W3 = jax.random.normal(k5, (D_H2, D_OUT), dtype=jnp.float32) * (1.0 / np.sqrt(D_H2))
    b3 = jnp.zeros((D_OUT,), dtype=jnp.float32)
    return {"x": x, "edge_index": edge_index, "W1": W1, "b1": b1, "W2": W2, "b2": b2, "W3": W3, "b3": b3}


def gcn_conv(x, edge_index, W, b, num_nodes):
    # PyG GCNConv: x' = D^-1/2 (A + I) D^-1/2 (X W) + b, with self-loops added
    loop = jnp.arange(num_nodes, dtype=edge_index.dtype)
    src = jnp.concatenate([edge_index[0], loop])
    dst = jnp.concatenate([edge_index[1], loop])
    deg = jnp.zeros((num_nodes,), dtype=jnp.float32).at[dst].add(1.0)
    deg_inv_sqrt = jnp.where(deg > 0, jax.lax.rsqrt(deg), 0.0)
    norm = deg_inv_sqrt[src] * deg_inv_sqrt[dst]
    h = x @ W
    msg = jnp.take(h, src, axis=0) * norm[:, None]
    out = jnp.zeros((num_nodes, W.shape[1]), dtype=jnp.float32).at[dst].add(msg)
    return out + b


def reference(x, edge_index, W1, b1, W2, b2, W3, b3):
    num_nodes = x.shape[0]
    h = gcn_conv(x, edge_index, W1, b1, num_nodes)
    h = jax.nn.relu(h)
    h = gcn_conv(h, edge_index, W2, b2, num_nodes)
    h = jax.nn.relu(h)
    out = h @ W3 + b3
    return out

if __name__ == "__main__":
    import jax
    _d = setup_inputs()
    print(jax.jit(kernel)(*tuple(_d.values())))

</pallas_src>

<mosaic_0001>
#map = affine_map<(d0, d1) -> (0, 0)>
module attributes {stable_mosaic.version = 14 : i64} {
  func.func @_deg_body(%arg0: i32, %arg1: i32, %arg2: memref<32x10000xi32, #tpu.memory_space<hbm>>, %arg3: memref<32x10240xf32, #tpu.memory_space<hbm>>, %arg4: memref<10240xf32, #tpu.memory_space<vmem>>, %arg5: memref<10000xi32, #tpu.memory_space<vmem>>) attributes {dimension_semantics = [#tpu.dimension_semantics<core_parallel>, #tpu.dimension_semantics<subcore_parallel>], iteration_bounds = array<i64: 2, 16>, scalar_prefetch = 0 : i64, scratch_operands = 2 : i64, tpu.core_type = #tpu.core_type<sc_vector_subcore>, window_params = [{transform_indices = #map}, {transform_indices = #map}]} {
    %mul3A = arith.constant 16 : i32
    %mul3A_0 = arith.muli %arg0, %mul3A : i32
    %add3A = arith.addi %mul3A_0, %arg1 : i32
    %scan3A = arith.constant 0 : i32
    %scan3A_1 = arith.constant 640 : i32
    %scan3A_2 = arith.addi %scan3A, %scan3A_1 : i32
    %scan3A_3 = arith.constant 1 : i32
    scf.for %scan3A_11 = %scan3A to %scan3A_2 step %scan3A_3  : i32 {
      %broadcast_in_dim3A_12 = arith.constant 0.000000e+00 : f32
      %broadcast_in_dim3A_13 = vector.broadcast %broadcast_in_dim3A_12 : f32 to vector<16xf32>
      %mul3A_14 = arith.constant 16 : i32
      %mul3A_15 = arith.muli %scan3A_11, %mul3A_14 : i32
      %swap3A = arith.index_cast %mul3A_15 : i32 to index
      %swap3A_16 = tpu.vector_load %arg4[%swap3A] {strides = array<i32>} : memref<10240xf32, #tpu.memory_space<vmem>>, vector<16xf32>,
      tpu.vector_store %arg4[%swap3A], %broadcast_in_dim3A_13 {strides = array<i32>} : memref<10240xf32, #tpu.memory_space<vmem>>, vector<16xf32>,
    }
    %scan3A_4 = arith.constant 640 : i32
    "tpu.region"() ({
      %run_scoped3A = tpu.sem_alloc : memref<!tpu.dma_semaphore, #tpu.memory_space<semaphore_mem>>
      %dma_start3A = arith.constant 0 : i32
      %dma_start3A_11 = tpu.memref_slice %arg2[%add3A, %dma_start3A] : memref<32x10000xi32, #tpu.memory_space<hbm>> -> memref<1x10000xi32, #tpu.memory_space<hbm>>
      %dma_start3A_12 = tpu.memref_squeeze %dma_start3A_11 : memref<1x10000xi32, #tpu.memory_space<hbm>> -> memref<10000xi32, #tpu.memory_space<hbm>>
      %dma_start3A_13 = arith.constant 0 : i32
      %dma_start3A_14 = tpu.memref_slice %arg2[%add3A, %dma_start3A_13] : memref<32x10000xi32, #tpu.memory_space<hbm>> -> memref<1x10000xi32, #tpu.memory_space<hbm>>
      %dma_start3A_15 = tpu.memref_squeeze %dma_start3A_14 : memref<1x10000xi32, #tpu.memory_space<hbm>> -> memref<10000xi32, #tpu.memory_space<hbm>>
      tpu.enqueue_dma source(%dma_start3A_15 : memref<10000xi32, #tpu.memory_space<hbm>>) target(%arg5 : memref<10000xi32, #tpu.memory_space<vmem>>) target_semaphore(%run_scoped3A : memref<!tpu.dma_semaphore, #tpu.memory_space<semaphore_mem>>)
      %dma_wait3A = arith.constant 0 : i32
      %dma_wait3A_16 = tpu.memref_slice %arg2[%add3A, %dma_wait3A] : memref<32x10000xi32, #tpu.memory_space<hbm>> -> memref<1x10000xi32, #tpu.memory_space<hbm>>
      %dma_wait3A_17 = tpu.memref_squeeze %dma_wait3A_16 : memref<1x10000xi32, #tpu.memory_space<hbm>> -> memref<10000xi32, #tpu.memory_space<hbm>>
      %dma_wait3A_18 = arith.constant 0 : i32
      %dma_wait3A_19 = tpu.memref_slice %arg2[%add3A, %dma_wait3A_18] : memref<32x10000xi32, #tpu.memory_space<hbm>> -> memref<1x10000xi32, #tpu.memory_space<hbm>>
      %dma_wait3A_20 = tpu.memref_squeeze %dma_wait3A_19 : memref<1x10000xi32, #tpu.memory_space<hbm>> -> memref<10000xi32, #tpu.memory_space<hbm>>
      tpu.wait_dma2 semaphore(%run_scoped3A : memref<!tpu.dma_semaphore, #tpu.memory_space<semaphore_mem>>) src(%dma_wait3A_20 : memref<10000xi32, #tpu.memory_space<hbm>>) dst(%arg5 : memref<10000xi32, #tpu.memory_space<vmem>>)
      tpu.yield
    }) : () -> ()
    %broadcast_in_dim3A = arith.constant 1.000000e+00 : f32
    %broadcast_in_dim3A_5 = vector.broadcast %broadcast_in_dim3A : f32 to vector<16xf32>
    %scan3A_6 = arith.constant 0 : i32
    %scan3A_7 = arith.constant 625 : i32
    %scan3A_8 = arith.addi %scan3A_6, %scan3A_7 : i32
    %scan3A_9 = arith.constant 1 : i32
    scf.for %scan3A_11 = %scan3A_6 to %scan3A_8 step %scan3A_9  : i32 {
      %mul3A_12 = arith.constant 16 : i32
      %mul3A_13 = arith.muli %scan3A_11, %mul3A_12 : i32
      %get3A = arith.index_cast %mul3A_13 : i32 to index
      %get3A_14 = tpu.vector_load %arg5[%get3A] {strides = array<i32>} : memref<10000xi32, #tpu.memory_space<vmem>>, vector<16xi32>,
      tpu.vector_store_idx %arg4[%get3A_14], %broadcast_in_dim3A_5 {add = true} : memref<10240xf32, #tpu.memory_space<vmem>>[vector<16xi32>], vector<16xf32>,
    }
    %scan3A_10 = arith.constant 625 : i32
    "tpu.region"() ({
      %run_scoped3A = tpu.sem_alloc : memref<!tpu.dma_semaphore, #tpu.memory_space<semaphore_mem>>
      %dma_start3A = arith.constant 0 : i32
      %dma_start3A_11 = tpu.memref_slice %arg3[%add3A, %dma_start3A] : memref<32x10240xf32, #tpu.memory_space<hbm>> -> memref<1x10240xf32, #tpu.memory_space<hbm>>
      %dma_start3A_12 = tpu.memref_squeeze %dma_start3A_11 : memref<1x10240xf32, #tpu.memory_space<hbm>> -> memref<10240xf32, #tpu.memory_space<hbm>>
      %dma_start3A_13 = arith.constant 0 : i32
      %dma_start3A_14 = tpu.memref_slice %arg3[%add3A, %dma_start3A_13] : memref<32x10240xf32, #tpu.memory_space<hbm>> -> memref<1x10240xf32, #tpu.memory_space<hbm>>
      %dma_start3A_15 = tpu.memref_squeeze %dma_start3A_14 : memref<1x10240xf32, #tpu.memory_space<hbm>> -> memref<10240xf32, #tpu.memory_space<hbm>>
      tpu.enqueue_dma source(%arg4 : memref<10240xf32, #tpu.memory_space<vmem>>) target(%dma_start3A_15 : memref<10240xf32, #tpu.memory_space<hbm>>) target_semaphore(%run_scoped3A : memref<!tpu.dma_semaphore, #tpu.memory_space<semaphore_mem>>)
      %dma_wait3A = arith.constant 0 : i32
      %dma_wait3A_16 = tpu.memref_slice %arg3[%add3A, %dma_wait3A] : memref<32x10240xf32, #tpu.memory_space<hbm>> -> memref<1x10240xf32, #tpu.memory_space<hbm>>
      %dma_wait3A_17 = tpu.memref_squeeze %dma_wait3A_16 : memref<1x10240xf32, #tpu.memory_space<hbm>> -> memref<10240xf32, #tpu.memory_space<hbm>>
      %dma_wait3A_18 = arith.constant 0 : i32
      %dma_wait3A_19 = tpu.memref_slice %arg3[%add3A, %dma_wait3A_18] : memref<32x10240xf32, #tpu.memory_space<hbm>> -> memref<1x10240xf32, #tpu.memory_space<hbm>>
      %dma_wait3A_20 = tpu.memref_squeeze %dma_wait3A_19 : memref<1x10240xf32, #tpu.memory_space<hbm>> -> memref<10240xf32, #tpu.memory_space<hbm>>
      tpu.wait_dma2 semaphore(%run_scoped3A : memref<!tpu.dma_semaphore, #tpu.memory_space<semaphore_mem>>) src(%arg4 : memref<10240xf32, #tpu.memory_space<vmem>>) dst(%dma_wait3A_20 : memref<10240xf32, #tpu.memory_space<hbm>>)
      tpu.yield
    }) : () -> ()
    return
  }
}

#map = affine_map<(d0, d1) -> (0, 0, 0)>
#map1 = affine_map<(d0, d1) -> (0, 0)>
module attributes {stable_mosaic.version = 14 : i64} {
  func.func @_prop(%arg0: i32, %arg1: i32, %arg2: memref<32x80x125xi32, #tpu.memory_space<hbm>>, %arg3: memref<32x80x125xi32, #tpu.memory_space<hbm>>, %arg4: memref<10240x32xf32, #tpu.memory_space<hbm>>, %arg5: memref<2x10240x32xf32, #tpu.memory_space<hbm>>, %arg6: memref<10240x32xf32, #tpu.memory_space<vmem_shared>>, %arg7: memref<80x125xi32, #tpu.memory_space<vmem>>, %arg8: memref<80x125xi32, #tpu.memory_space<vmem>>, %arg9: memref<125x32xf32, #tpu.memory_space<vmem>>, %arg10: memref<125x32xf32, #tpu.memory_space<vmem>>, %arg11: memref<125x32xf32, #tpu.memory_space<vmem>>, %arg12: memref<125x32xf32, #tpu.memory_space<vmem>>, %arg13: memref<125x32xf32, #tpu.memory_space<vmem>>, %arg14: memref<125x32xf32, #tpu.memory_space<vmem>>, %arg15: memref<125x32xf32, #tpu.memory_space<vmem>>, %arg16: memref<125x32xf32, #tpu.memory_space<vmem>>, %arg17: memref<!tpu.dma_semaphore, #tpu.memory_space<semaphore_mem>>, %arg18: memref<!tpu.dma_semaphore, #tpu.memory_space<semaphore_mem>>, %arg19: memref<!tpu.dma_semaphore, #tpu.memory_space<semaphore_mem>>, %arg20: memref<!tpu.dma_semaphore, #tpu.memory_space<semaphore_mem>>, %arg21: memref<!tpu.dma_semaphore, #tpu.memory_space<semaphore_mem>>, %arg22: memref<!tpu.dma_semaphore, #tpu.memory_space<semaphore_mem>>, %arg23: memref<!tpu.dma_semaphore, #tpu.memory_space<semaphore_mem>>, %arg24: memref<!tpu.dma_semaphore, #tpu.memory_space<semaphore_mem>>, %arg25: memref<!tpu.dma_semaphore, #tpu.memory_space<semaphore_mem>>, %arg26: memref<!tpu.dma_semaphore, #tpu.memory_space<semaphore_mem>>, %arg27: memref<!tpu.dma_semaphore, #tpu.memory_space<semaphore_mem>>, %arg28: memref<!tpu.dma_semaphore, #tpu.memory_space<semaphore_mem>>, %arg29: memref<!tpu.dma_semaphore, #tpu.memory_space<semaphore_mem>>, %arg30: memref<!tpu.dma_semaphore, #tpu.memory_space<semaphore_mem>>, %arg31: memref<!tpu.dma_semaphore, #tpu.memory_space<semaphore_mem>>, %arg32: memref<!tpu.dma_semaphore, #tpu.memory_space<semaphore_mem>>) attributes {dimension_semantics = [#tpu.dimension_semantics<core_parallel>, #tpu.dimension_semantics<subcore_parallel>], iteration_bounds = array<i64: 2, 16>, scalar_prefetch = 0 : i64, scratch_operands = 27 : i64, tpu.core_type = #tpu.core_type<sc_vector_subcore>, window_params = [{transform_indices = #map}, {transform_indices = #map}, {transform_indices = #map1}, {transform_indices = #map}]} {
    %mul3A = arith.constant 16 : i32
    %mul3A_0 = arith.muli %arg0, %mul3A : i32
    %add3A = arith.addi %mul3A_0, %arg1 : i32
    %mul3A_1 = arith.constant 640 : i32
    %mul3A_2 = arith.muli %arg1, %mul3A_1 : i32
    "tpu.region"() ({
      %run_scoped3A = tpu.sem_alloc : memref<!tpu.dma_semaphore, #tpu.memory_space<semaphore_mem>>
      %dma_start3A_118 = arith.constant 0 : i32
      %dma_start3A_119 = tpu.memref_slice %arg6[%mul3A_2, %dma_start3A_118] : memref<10240x32xf32, #tpu.memory_space<vmem_shared>> -> memref<640x32xf32, #tpu.memory_space<vmem_shared>>
      %dma_start3A_120 = arith.constant 0 : i32
      %dma_start3A_121 = tpu.memref_slice %arg4[%mul3A_2, %dma_start3A_120] : memref<10240x32xf32, #tpu.memory_space<hbm>> -> memref<640x32xf32, #tpu.memory_space<hbm>>
      tpu.enqueue_dma source(%dma_start3A_121 : memref<640x32xf32, #tpu.memory_space<hbm>>) target(%dma_start3A_119 : memref<640x32xf32, #tpu.memory_space<vmem_shared>>) target_semaphore(%run_scoped3A : memref<!tpu.dma_semaphore, #tpu.memory_space<semaphore_mem>>)
      %dma_wait3A_122 = arith.constant 0 : i32
      %dma_wait3A_123 = tpu.memref_slice %arg6[%mul3A_2, %dma_wait3A_122] : memref<10240x32xf32, #tpu.memory_space<vmem_shared>> -> memref<640x32xf32, #tpu.memory_space<vmem_shared>>
      %dma_wait3A_124 = arith.constant 0 : i32
      %dma_wait3A_125 = tpu.memref_slice %arg4[%mul3A_2, %dma_wait3A_124] : memref<10240x32xf32, #tpu.memory_space<hbm>> -> memref<640x32xf32, #tpu.memory_space<hbm>>
      tpu.wait_dma2 semaphore(%run_scoped3A : memref<!tpu.dma_semaphore, #tpu.memory_space<semaphore_mem>>) src(%dma_wait3A_125 : memref<640x32xf32, #tpu.memory_space<hbm>>) dst(%dma_wait3A_123 : memref<640x32xf32, #tpu.memory_space<vmem_shared>>)
      tpu.yield
    }) : () -> ()
    "tpu.region"() ({
      %run_scoped3A = tpu.sem_alloc : memref<!tpu.dma_semaphore, #tpu.memory_space<semaphore_mem>>
      %dma_start3A_118 = arith.constant 0 : i32
      %dma_start3A_119 = arith.constant 0 : i32
      %dma_start3A_120 = tpu.memref_slice %arg2[%add3A, %dma_start3A_118, %dma_start3A_119] : memref<32x80x125xi32, #tpu.memory_space<hbm>> -> memref<1x80x125xi32, #tpu.memory_space<hbm>>
      %dma_start3A_121 = tpu.memref_squeeze %dma_start3A_120 : memref<1x80x125xi32, #tpu.memory_space<hbm>> -> memref<80x125xi32, #tpu.memory_space<hbm>>
      %dma_start3A_122 = arith.constant 0 : i32
      %dma_start3A_123 = arith.constant 0 : i32
      %dma_start3A_124 = tpu.memref_slice %arg2[%add3A, %dma_start3A_122, %dma_start3A_123] : memref<32x80x125xi32, #tpu.memory_space<hbm>> -> memref<1x80x125xi32, #tpu.memory_space<hbm>>
      %dma_start3A_125 = tpu.memref_squeeze %dma_start3A_124 : memref<1x80x125xi32, #tpu.memory_space<hbm>> -> memref<80x125xi32, #tpu.memory_space<hbm>>
      tpu.enqueue_dma source(%dma_start3A_125 : memref<80x125xi32, #tpu.memory_space<hbm>>) target(%arg7 : memref<80x125xi32, #tpu.memory_space<vmem>>) target_semaphore(%run_scoped3A : memref<!tpu.dma_semaphore, #tpu.memory_space<semaphore_mem>>)
      %dma_wait3A_126 = arith.constant 0 : i32
      %dma_wait3A_127 = arith.constant 0 : i32
      %dma_wait3A_128 = tpu.memref_slice %arg2[%add3A, %dma_wait3A_126, %dma_wait3A_127] : memref<32x80x125xi32, #tpu.memory_space<hbm>> -> memref<1x80x125xi32, #tpu.memory_space<hbm>>
      %dma_wait3A_129 = tpu.memref_squeeze %dma_wait3A_128 : memref<1x80x125xi32, #tpu.memory_space<hbm>> -> memref<80x125xi32, #tpu.memory_space<hbm>>
      %dma_wait3A_130 = arith.constant 0 : i32
      %dma_wait3A_131 = arith.constant 0 : i32
      %dma_wait3A_132 = tpu.memref_slice %arg2[%add3A, %dma_wait3A_130, %dma_wait3A_131] : memref<32x80x125xi32, #tpu.memory_space<hbm>> -> memref<1x80x125xi32, #tpu.memory_space<hbm>>
      %dma_wait3A_133 = tpu.memref_squeeze %dma_wait3A_132 : memref<1x80x125xi32, #tpu.memory_space<hbm>> -> memref<80x125xi32, #tpu.memory_space<hbm>>
      tpu.wait_dma2 semaphore(%run_scoped3A : memref<!tpu.dma_semaphore, #tpu.memory_space<semaphore_mem>>) src(%dma_wait3A_133 : memref<80x125xi32, #tpu.memory_space<hbm>>) dst(%arg7 : memref<80x125xi32, #tpu.memory_space<vmem>>)
      tpu.yield
    }) : () -> ()
    "tpu.region"() ({
      %run_scoped3A = tpu.sem_alloc : memref<!tpu.dma_semaphore, #tpu.memory_space<semaphore_mem>>
      %dma_start3A_118 = arith.constant 0 : i32
      %dma_start3A_119 = arith.constant 0 : i32
      %dma_start3A_120 = tpu.memref_slice %arg3[%add3A, %dma_start3A_118, %dma_start3A_119] : memref<32x80x125xi32, #tpu.memory_space<hbm>> -> memref<1x80x125xi32, #tpu.memory_space<hbm>>
      %dma_start3A_121 = tpu.memref_squeeze %dma_start3A_120 : memref<1x80x125xi32, #tpu.memory_space<hbm>> -> memref<80x125xi32, #tpu.memory_space<hbm>>
      %dma_start3A_122 = arith.constant 0 : i32
      %dma_start3A_123 = arith.constant 0 : i32
      %dma_start3A_124 = tpu.memref_slice %arg3[%add3A, %dma_start3A_122, %dma_start3A_123] : memref<32x80x125xi32, #tpu.memory_space<hbm>> -> memref<1x80x125xi32, #tpu.memory_space<hbm>>
      %dma_start3A_125 = tpu.memref_squeeze %dma_start3A_124 : memref<1x80x125xi32, #tpu.memory_space<hbm>> -> memref<80x125xi32, #tpu.memory_space<hbm>>
      tpu.enqueue_dma source(%dma_start3A_125 : memref<80x125xi32, #tpu.memory_space<hbm>>) target(%arg8 : memref<80x125xi32, #tpu.memory_space<vmem>>) target_semaphore(%run_scoped3A : memref<!tpu.dma_semaphore, #tpu.memory_space<semaphore_mem>>)
      %dma_wait3A_126 = arith.constant 0 : i32
      %dma_wait3A_127 = arith.constant 0 : i32
      %dma_wait3A_128 = tpu.memref_slice %arg3[%add3A, %dma_wait3A_126, %dma_wait3A_127] : memref<32x80x125xi32, #tpu.memory_space<hbm>> -> memref<1x80x125xi32, #tpu.memory_space<hbm>>
      %dma_wait3A_129 = tpu.memref_squeeze %dma_wait3A_128 : memref<1x80x125xi32, #tpu.memory_space<hbm>> -> memref<80x125xi32, #tpu.memory_space<hbm>>
      %dma_wait3A_130 = arith.constant 0 : i32
      %dma_wait3A_131 = arith.constant 0 : i32
      %dma_wait3A_132 = tpu.memref_slice %arg3[%add3A, %dma_wait3A_130, %dma_wait3A_131] : memref<32x80x125xi32, #tpu.memory_space<hbm>> -> memref<1x80x125xi32, #tpu.memory_space<hbm>>
      %dma_wait3A_133 = tpu.memref_squeeze %dma_wait3A_132 : memref<1x80x125xi32, #tpu.memory_space<hbm>> -> memref<80x125xi32, #tpu.memory_space<hbm>>
      tpu.wait_dma2 semaphore(%run_scoped3A : memref<!tpu.dma_semaphore, #tpu.memory_space<semaphore_mem>>) src(%dma_wait3A_133 : memref<80x125xi32, #tpu.memory_space<hbm>>) dst(%arg8 : memref<80x125xi32, #tpu.memory_space<vmem>>)
      tpu.yield
    }) : () -> ()
    %barrier3A = arith.constant 0 : index
    tpu.barrier barrier_id(%barrier3A)
    %dma_start3A = arith.constant 0 : i32
    %dma_start3A_3 = arith.constant 0 : i32
    %dma_start3A_4 = tpu.memref_slice %arg7[%dma_start3A, %dma_start3A_3] : memref<80x125xi32, #tpu.memory_space<vmem>> -> memref<1x125xi32, #tpu.memory_space<vmem>>
    %dma_start3A_5 = tpu.memref_squeeze %dma_start3A_4 : memref<1x125xi32, #tpu.memory_space<vmem>> -> memref<125xi32, #tpu.memory_space<vmem>>
    %dma_start3A_6 = arith.constant 0 : i32
    %dma_start3A_7 = arith.constant 0 : i32
    %dma_start3A_8 = tpu.memref_slice %arg4[%dma_start3A_6, %dma_start3A_7] : memref<10240x32xf32, #tpu.memory_space<hbm>> -> memref<10240x32xf32, #tpu.memory_space<hbm>>
    tpu.enqueue_indirect_dma source(%dma_start3A_8 : memref<10240x32xf32, #tpu.memory_space<hbm>>) target(%arg9 : memref<125x32xf32, #tpu.memory_space<vmem>>) offsets(%dma_start3A_5 : memref<125xi32, #tpu.memory_space<vmem>>) semaphore(%arg17 : memref<!tpu.dma_semaphore, #tpu.memory_space<semaphore_mem>>)
    %dma_start3A_9 = arith.constant 1 : i32
    %dma_start3A_10 = arith.constant 0 : i32
    %dma_start3A_11 = tpu.memref_slice %arg7[%dma_start3A_9, %dma_start3A_10] : memref<80x125xi32, #tpu.memory_space<vmem>> -> memref<1x125xi32, #tpu.memory_space<vmem>>
    %dma_start3A_12 = tpu.memref_squeeze %dma_start3A_11 : memref<1x125xi32, #tpu.memory_space<vmem>> -> memref<125xi32, #tpu.memory_space<vmem>>
    %dma_start3A_13 = arith.constant 0 : i32
    %dma_start3A_14 = arith.constant 0 : i32
    %dma_start3A_15 = tpu.memref_slice %arg4[%dma_start3A_13, %dma_start3A_14] : memref<10240x32xf32, #tpu.memory_space<hbm>> -> memref<10240x32xf32, #tpu.memory_space<hbm>>
    tpu.enqueue_indirect_dma source(%dma_start3A_15 : memref<10240x32xf32, #tpu.memory_space<hbm>>) target(%arg10 : memref<125x32xf32, #tpu.memory_space<vmem>>) offsets(%dma_start3A_12 : memref<125xi32, #tpu.memory_space<vmem>>) semaphore(%arg18 : memref<!tpu.dma_semaphore, #tpu.memory_space<semaphore_mem>>)
    %dma_start3A_16 = arith.constant 2 : i32
    %dma_start3A_17 = arith.constant 0 : i32
    %dma_start3A_18 = tpu.memref_slice %arg7[%dma_start3A_16, %dma_start3A_17] : memref<80x125xi32, #tpu.memory_space<vmem>> -> memref<1x125xi32, #tpu.memory_space<vmem>>
    %dma_start3A_19 = tpu.memref_squeeze %dma_start3A_18 : memref<1x125xi32, #tpu.memory_space<vmem>> -> memref<125xi32, #tpu.memory_space<vmem>>
    %dma_start3A_20 = arith.constant 0 : i32
    %dma_start3A_21 = arith.constant 0 : i32
    %dma_start3A_22 = tpu.memref_slice %arg4[%dma_start3A_20, %dma_start3A_21] : memref<10240x32xf32, #tpu.memory_space<hbm>> -> memref<10240x32xf32, #tpu.memory_space<hbm>>
    tpu.enqueue_indirect_dma source(%dma_start3A_22 : memref<10240x32xf32, #tpu.memory_space<hbm>>) target(%arg11 : memref<125x32xf32, #tpu.memory_space<vmem>>) offsets(%dma_start3A_19 : memref<125xi32, #tpu.memory_space<vmem>>) semaphore(%arg19 : memref<!tpu.dma_semaphore, #tpu.memory_space<semaphore_mem>>)
    %dma_start3A_23 = arith.constant 3 : i32
    %dma_start3A_24 = arith.constant 0 : i32
    %dma_start3A_25 = tpu.memref_slice %arg7[%dma_start3A_23, %dma_start3A_24] : memref<80x125xi32, #tpu.memory_space<vmem>> -> memref<1x125xi32, #tpu.memory_space<vmem>>
    %dma_start3A_26 = tpu.memref_squeeze %dma_start3A_25 : memref<1x125xi32, #tpu.memory_space<vmem>> -> memref<125xi32, #tpu.memory_space<vmem>>
    %dma_start3A_27 = arith.constant 0 : i32
    %dma_start3A_28 = arith.constant 0 : i32
    %dma_start3A_29 = tpu.memref_slice %arg4[%dma_start3A_27, %dma_start3A_28] : memref<10240x32xf32, #tpu.memory_space<hbm>> -> memref<10240x32xf32, #tpu.memory_space<hbm>>
    tpu.enqueue_indirect_dma source(%dma_start3A_29 : memref<10240x32xf32, #tpu.memory_space<hbm>>) target(%arg12 : memref<125x32xf32, #tpu.memory_space<vmem>>) offsets(%dma_start3A_26 : memref<125xi32, #tpu.memory_space<vmem>>) semaphore(%arg20 : memref<!tpu.dma_semaphore, #tpu.memory_space<semaphore_mem>>)
    %dma_start3A_30 = arith.constant 4 : i32
    %dma_start3A_31 = arith.constant 0 : i32
    %dma_start3A_32 = tpu.memref_slice %arg7[%dma_start3A_30, %dma_start3A_31] : memref<80x125xi32, #tpu.memory_space<vmem>> -> memref<1x125xi32, #tpu.memory_space<vmem>>
    %dma_start3A_33 = tpu.memref_squeeze %dma_start3A_32 : memref<1x125xi32, #tpu.memory_space<vmem>> -> memref<125xi32, #tpu.memory_space<vmem>>
    %dma_start3A_34 = arith.constant 0 : i32
    %dma_start3A_35 = arith.constant 0 : i32
    %dma_start3A_36 = tpu.memref_slice %arg4[%dma_start3A_34, %dma_start3A_35] : memref<10240x32xf32, #tpu.memory_space<hbm>> -> memref<10240x32xf32, #tpu.memory_space<hbm>>
    tpu.enqueue_indirect_dma source(%dma_start3A_36 : memref<10240x32xf32, #tpu.memory_space<hbm>>) target(%arg13 : memref<125x32xf32, #tpu.memory_space<vmem>>) offsets(%dma_start3A_33 : memref<125xi32, #tpu.memory_space<vmem>>) semaphore(%arg21 : memref<!tpu.dma_semaphore, #tpu.memory_space<semaphore_mem>>)
    %dma_start3A_37 = arith.constant 5 : i32
    %dma_start3A_38 = arith.constant 0 : i32
    %dma_start3A_39 = tpu.memref_slice %arg7[%dma_start3A_37, %dma_start3A_38] : memref<80x125xi32, #tpu.memory_space<vmem>> -> memref<1x125xi32, #tpu.memory_space<vmem>>
    %dma_start3A_40 = tpu.memref_squeeze %dma_start3A_39 : memref<1x125xi32, #tpu.memory_space<vmem>> -> memref<125xi32, #tpu.memory_space<vmem>>
    %dma_start3A_41 = arith.constant 0 : i32
    %dma_start3A_42 = arith.constant 0 : i32
    %dma_start3A_43 = tpu.memref_slice %arg4[%dma_start3A_41, %dma_start3A_42] : memref<10240x32xf32, #tpu.memory_space<hbm>> -> memref<10240x32xf32, #tpu.memory_space<hbm>>
    tpu.enqueue_indirect_dma source(%dma_start3A_43 : memref<10240x32xf32, #tpu.memory_space<hbm>>) target(%arg14 : memref<125x32xf32, #tpu.memory_space<vmem>>) offsets(%dma_start3A_40 : memref<125xi32, #tpu.memory_space<vmem>>) semaphore(%arg22 : memref<!tpu.dma_semaphore, #tpu.memory_space<semaphore_mem>>)
    %dma_start3A_44 = arith.constant 6 : i32
    %dma_start3A_45 = arith.constant 0 : i32
    %dma_start3A_46 = tpu.memref_slice %arg7[%dma_start3A_44, %dma_start3A_45] : memref<80x125xi32, #tpu.memory_space<vmem>> -> memref<1x125xi32, #tpu.memory_space<vmem>>
    %dma_start3A_47 = tpu.memref_squeeze %dma_start3A_46 : memref<1x125xi32, #tpu.memory_space<vmem>> -> memref<125xi32, #tpu.memory_space<vmem>>
    %dma_start3A_48 = arith.constant 0 : i32
    %dma_start3A_49 = arith.constant 0 : i32
    %dma_start3A_50 = tpu.memref_slice %arg4[%dma_start3A_48, %dma_start3A_49] : memref<10240x32xf32, #tpu.memory_space<hbm>> -> memref<10240x32xf32, #tpu.memory_space<hbm>>
    tpu.enqueue_indirect_dma source(%dma_start3A_50 : memref<10240x32xf32, #tpu.memory_space<hbm>>) target(%arg15 : memref<125x32xf32, #tpu.memory_space<vmem>>) offsets(%dma_start3A_47 : memref<125xi32, #tpu.memory_space<vmem>>) semaphore(%arg23 : memref<!tpu.dma_semaphore, #tpu.memory_space<semaphore_mem>>)
    %dma_start3A_51 = arith.constant 7 : i32
    %dma_start3A_52 = arith.constant 0 : i32
    %dma_start3A_53 = tpu.memref_slice %arg7[%dma_start3A_51, %dma_start3A_52] : memref<80x125xi32, #tpu.memory_space<vmem>> -> memref<1x125xi32, #tpu.memory_space<vmem>>
    %dma_start3A_54 = tpu.memref_squeeze %dma_start3A_53 : memref<1x125xi32, #tpu.memory_space<vmem>> -> memref<125xi32, #tpu.memory_space<vmem>>
    %dma_start3A_55 = arith.constant 0 : i32
    %dma_start3A_56 = arith.constant 0 : i32
    %dma_start3A_57 = tpu.memref_slice %arg4[%dma_start3A_55, %dma_start3A_56] : memref<10240x32xf32, #tpu.memory_space<hbm>> -> memref<10240x32xf32, #tpu.memory_space<hbm>>
    tpu.enqueue_indirect_dma source(%dma_start3A_57 : memref<10240x32xf32, #tpu.memory_space<hbm>>) target(%arg16 : memref<125x32xf32, #tpu.memory_space<vmem>>) offsets(%dma_start3A_54 : memref<125xi32, #tpu.memory_space<vmem>>) semaphore(%arg24 : memref<!tpu.dma_semaphore, #tpu.memory_space<semaphore_mem>>)
    %scan3A = arith.constant 0 : i32
    %scan3A_58 = arith.constant 10 : i32
    %scan3A_59 = arith.addi %scan3A, %scan3A_58 : i32
    %scan3A_60 = arith.constant 1 : i32
    scf.for %scan3A_118 = %scan3A to %scan3A_59 step %scan3A_60  : i32 {
      %mul3A_119 = arith.constant 8 : i32
      %mul3A_120 = arith.muli %scan3A_118, %mul3A_119 : i32
      %add3A_121 = arith.constant 0 : i32
      %add3A_122 = arith.addi %mul3A_120, %add3A_121 : i32
      %dma_wait3A_123 = arith.constant 0 : i32
      %dma_wait3A_124 = tpu.memref_slice %arg7[%add3A_122, %dma_wait3A_123] : memref<80x125xi32, #tpu.memory_space<vmem>> -> memref<1x125xi32, #tpu.memory_space<vmem>>
      %dma_wait3A_125 = tpu.memref_squeeze %dma_wait3A_124 : memref<1x125xi32, #tpu.memory_space<vmem>> -> memref<125xi32, #tpu.memory_space<vmem>>
      %dma_wait3A_126 = arith.constant 0 : i32
      %dma_wait3A_127 = arith.constant 0 : i32
      %dma_wait3A_128 = tpu.memref_slice %arg4[%dma_wait3A_126, %dma_wait3A_127] : memref<10240x32xf32, #tpu.memory_space<hbm>> -> memref<10240x32xf32, #tpu.memory_space<hbm>>
      tpu.wait_indirect_dma semaphore(%arg17 : memref<!tpu.dma_semaphore, #tpu.memory_space<semaphore_mem>>) src(%dma_wait3A_128 : memref<10240x32xf32, #tpu.memory_space<hbm>>) dst(%arg9 : memref<125x32xf32, #tpu.memory_space<vmem>>)
      %dma_start3A_129 = arith.constant 0 : i32
      %dma_start3A_130 = tpu.memref_slice %arg8[%add3A_122, %dma_start3A_129] : memref<80x125xi32, #tpu.memory_space<vmem>> -> memref<1x125xi32, #tpu.memory_space<vmem>>
      %dma_start3A_131 = tpu.memref_squeeze %dma_start3A_130 : memref<1x125xi32, #tpu.memory_space<vmem>> -> memref<125xi32, #tpu.memory_space<vmem>>
      %dma_start3A_132 = arith.constant 0 : i32
      %dma_start3A_133 = arith.constant 0 : i32
      %dma_start3A_134 = tpu.memref_slice %arg6[%dma_start3A_132, %dma_start3A_133] : memref<10240x32xf32, #tpu.memory_space<vmem_shared>> -> memref<10240x32xf32, #tpu.memory_space<vmem_shared>>
      tpu.enqueue_indirect_dma source(%arg9 : memref<125x32xf32, #tpu.memory_space<vmem>>) target(%dma_start3A_134 : memref<10240x32xf32, #tpu.memory_space<vmem_shared>>) offsets(%dma_start3A_131 : memref<125xi32, #tpu.memory_space<vmem>>) semaphore(%arg25 : memref<!tpu.dma_semaphore, #tpu.memory_space<semaphore_mem>>) {add = true}
      %add3A_135 = arith.constant 8 : i32
      %add3A_136 = arith.addi %add3A_122, %add3A_135 : i32
      %lt3A = arith.constant 80 : i32
      %lt3A_137 = arith.cmpi slt, %add3A_136, %lt3A : i32
      %convert_element_type3A = arith.extui %lt3A_137 : i1 to i32
      %cond3A = arith.constant 0 : i32
      %cond3A_138 = arith.cmpi ne, %convert_element_type3A, %cond3A : i32
      scf.if %cond3A_138 {
        %dma_wait3A_286 = arith.constant 0 : i32
        %dma_wait3A_287 = tpu.memref_slice %arg8[%add3A_122, %dma_wait3A_286] : memref<80x125xi32, #tpu.memory_space<vmem>> -> memref<1x125xi32, #tpu.memory_space<vmem>>
        %dma_wait3A_288 = tpu.memref_squeeze %dma_wait3A_287 : memref<1x125xi32, #tpu.memory_space<vmem>> -> memref<125xi32, #tpu.memory_space<vmem>>
        %dma_wait3A_289 = arith.constant 0 : i32
        %dma_wait3A_290 = arith.constant 0 : i32
        %dma_wait3A_291 = tpu.memref_slice %arg6[%dma_wait3A_289, %dma_wait3A_290] : memref<10240x32xf32, #tpu.memory_space<vmem_shared>> -> memref<10240x32xf32, #tpu.memory_space<vmem_shared>>
        tpu.wait_indirect_dma semaphore(%arg25 : memref<!tpu.dma_semaphore, #tpu.memory_space<semaphore_mem>>) src(%arg9 : memref<125x32xf32, #tpu.memory_space<vmem>>) dst(%dma_wait3A_291 : memref<10240x32xf32, #tpu.memory_space<vmem_shared>>)
        %add3A_292 = arith.constant 8 : i32
        %add3A_293 = arith.addi %add3A_122, %add3A_292 : i32
        %dma_start3A_294 = arith.constant 0 : i32
        %dma_start3A_295 = tpu.memref_slice %arg7[%add3A_293, %dma_start3A_294] : memref<80x125xi32, #tpu.memory_space<vmem>> -> memref<1x125xi32, #tpu.memory_space<vmem>>
        %dma_start3A_296 = tpu.memref_squeeze %dma_start3A_295 : memref<1x125xi32, #tpu.memory_space<vmem>> -> memref<125xi32, #tpu.memory_space<vmem>>
        %dma_start3A_297 = arith.constant 0 : i32
        %dma_start3A_298 = arith.constant 0 : i32
        %dma_start3A_299 = tpu.memref_slice %arg4[%dma_start3A_297, %dma_start3A_298] : memref<10240x32xf32, #tpu.memory_space<hbm>> -> memref<10240x32xf32, #tpu.memory_space<hbm>>
        tpu.enqueue_indirect_dma source(%dma_start3A_299 : memref<10240x32xf32, #tpu.memory_space<hbm>>) target(%arg9 : memref<125x32xf32, #tpu.memory_space<vmem>>) offsets(%dma_start3A_296 : memref<125xi32, #tpu.memory_space<vmem>>) semaphore(%arg17 : memref<!tpu.dma_semaphore, #tpu.memory_space<semaphore_mem>>)
      } else {
      }
      %add3A_139 = arith.constant 1 : i32
      %add3A_140 = arith.addi %mul3A_120, %add3A_139 : i32
      %dma_wait3A_141 = arith.constant 0 : i32
      %dma_wait3A_142 = tpu.memref_slice %arg7[%add3A_140, %dma_wait3A_141] : memref<80x125xi32, #tpu.memory_space<vmem>> -> memref<1x125xi32, #tpu.memory_space<vmem>>
      %dma_wait3A_143 = tpu.memref_squeeze %dma_wait3A_142 : memref<1x125xi32, #tpu.memory_space<vmem>> -> memref<125xi32, #tpu.memory_space<vmem>>
      %dma_wait3A_144 = arith.constant 0 : i32
      %dma_wait3A_145 = arith.constant 0 : i32
      %dma_wait3A_146 = tpu.memref_slice %arg4[%dma_wait3A_144, %dma_wait3A_145] : memref<10240x32xf32, #tpu.memory_space<hbm>> -> memref<10240x32xf32, #tpu.memory_space<hbm>>
      tpu.wait_indirect_dma semaphore(%arg18 : memref<!tpu.dma_semaphore, #tpu.memory_space<semaphore_mem>>) src(%dma_wait3A_146 : memref<10240x32xf32, #tpu.memory_space<hbm>>) dst(%arg10 : memref<125x32xf32, #tpu.memory_space<vmem>>)
      %dma_start3A_147 = arith.constant 0 : i32
      %dma_start3A_148 = tpu.memref_slice %arg8[%add3A_140, %dma_start3A_147] : memref<80x125xi32, #tpu.memory_space<vmem>> -> memref<1x125xi32, #tpu.memory_space<vmem>>
      %dma_start3A_149 = tpu.memref_squeeze %dma_start3A_148 : memref<1x125xi32, #tpu.memory_space<vmem>> -> memref<125xi32, #tpu.memory_space<vmem>>
      %dma_start3A_150 = arith.constant 0 : i32
      %dma_start3A_151 = arith.constant 0 : i32
      %dma_start3A_152 = tpu.memref_slice %arg6[%dma_start3A_150, %dma_start3A_151] : memref<10240x32xf32, #tpu.memory_space<vmem_shared>> -> memref<10240x32xf32, #tpu.memory_space<vmem_shared>>
      tpu.enqueue_indirect_dma source(%arg10 : memref<125x32xf32, #tpu.memory_space<vmem>>) target(%dma_start3A_152 : memref<10240x32xf32, #tpu.memory_space<vmem_shared>>) offsets(%dma_start3A_149 : memref<125xi32, #tpu.memory_space<vmem>>) semaphore(%arg26 : memref<!tpu.dma_semaphore, #tpu.memory_space<semaphore_mem>>) {add = true}
      %add3A_153 = arith.constant 8 : i32
      %add3A_154 = arith.addi %add3A_140, %add3A_153 : i32
      %lt3A_155 = arith.constant 80 : i32
      %lt3A_156 = arith.cmpi slt, %add3A_154, %lt3A_155 : i32
      %convert_element_type3A_157 = arith.extui %lt3A_156 : i1 to i32
      %cond3A_158 = arith.constant 0 : i32
      %cond3A_159 = arith.cmpi ne, %convert_element_type3A_157, %cond3A_158 : i32
      scf.if %cond3A_159 {
        %dma_wait3A_286 = arith.constant 0 : i32
        %dma_wait3A_287 = tpu.memref_slice %arg8[%add3A_140, %dma_wait3A_286] : memref<80x125xi32, #tpu.memory_space<vmem>> -> memref<1x125xi32, #tpu.memory_space<vmem>>
        %dma_wait3A_288 = tpu.memref_squeeze %dma_wait3A_287 : memref<1x125xi32, #tpu.memory_space<vmem>> -> memref<125xi32, #tpu.memory_space<vmem>>
        %dma_wait3A_289 = arith.constant 0 : i32
        %dma_wait3A_290 = arith.constant 0 : i32
        %dma_wait3A_291 = tpu.memref_slice %arg6[%dma_wait3A_289, %dma_wait3A_290] : memref<10240x32xf32, #tpu.memory_space<vmem_shared>> -> memref<10240x32xf32, #tpu.memory_space<vmem_shared>>
        tpu.wait_indirect_dma semaphore(%arg26 : memref<!tpu.dma_semaphore, #tpu.memory_space<semaphore_mem>>) src(%arg10 : memref<125x32xf32, #tpu.memory_space<vmem>>) dst(%dma_wait3A_291 : memref<10240x32xf32, #tpu.memory_space<vmem_shared>>)
        %add3A_292 = arith.constant 8 : i32
        %add3A_293 = arith.addi %add3A_140, %add3A_292 : i32
        %dma_start3A_294 = arith.constant 0 : i32
        %dma_start3A_295 = tpu.memref_slice %arg7[%add3A_293, %dma_start3A_294] : memref<80x125xi32, #tpu.memory_space<vmem>> -> memref<1x125xi32, #tpu.memory_space<vmem>>
        %dma_start3A_296 = tpu.memref_squeeze %dma_start3A_295 : memref<1x125xi32, #tpu.memory_space<vmem>> -> memref<125xi32, #tpu.memory_space<vmem>>
        %dma_start3A_297 = arith.constant 0 : i32
        %dma_start3A_298 = arith.constant 0 : i32
        %dma_start3A_299 = tpu.memref_slice %arg4[%dma_start3A_297, %dma_start3A_298] : memref<10240x32xf32, #tpu.memory_space<hbm>> -> memref<10240x32xf32, #tpu.memory_space<hbm>>
        tpu.enqueue_indirect_dma source(%dma_start3A_299 : memref<10240x32xf32, #tpu.memory_space<hbm>>) target(%arg10 : memref<125x32xf32, #tpu.memory_space<vmem>>) offsets(%dma_start3A_296 : memref<125xi32, #tpu.memory_space<vmem>>) semaphore(%arg18 : memref<!tpu.dma_semaphore, #tpu.memory_space<semaphore_mem>>)
      } else {
      }
      %add3A_160 = arith.constant 2 : i32
      %add3A_161 = arith.addi %mul3A_120, %add3A_160 : i32
      %dma_wait3A_162 = arith.constant 0 : i32
      %dma_wait3A_163 = tpu.memref_slice %arg7[%add3A_161, %dma_wait3A_162] : memref<80x125xi32, #tpu.memory_space<vmem>> -> memref<1x125xi32, #tpu.memory_space<vmem>>
      %dma_wait3A_164 = tpu.memref_squeeze %dma_wait3A_163 : memref<1x125xi32, #tpu.memory_space<vmem>> -> memref<125xi32, #tpu.memory_space<vmem>>
      %dma_wait3A_165 = arith.constant 0 : i32
      %dma_wait3A_166 = arith.constant 0 : i32
      %dma_wait3A_167 = tpu.memref_slice %arg4[%dma_wait3A_165, %dma_wait3A_166] : memref<10240x32xf32, #tpu.memory_space<hbm>> -> memref<10240x32xf32, #tpu.memory_space<hbm>>
      tpu.wait_indirect_dma semaphore(%arg19 : memref<!tpu.dma_semaphore, #tpu.memory_space<semaphore_mem>>) src(%dma_wait3A_167 : memref<10240x32xf32, #tpu.memory_space<hbm>>) dst(%arg11 : memref<125x32xf32, #tpu.memory_space<vmem>>)
      %dma_start3A_168 = arith.constant 0 : i32
      %dma_start3A_169 = tpu.memref_slice %arg8[%add3A_161, %dma_start3A_168] : memref<80x125xi32, #tpu.memory_space<vmem>> -> memref<1x125xi32, #tpu.memory_space<vmem>>
      %dma_start3A_170 = tpu.memref_squeeze %dma_start3A_169 : memref<1x125xi32, #tpu.memory_space<vmem>> -> memref<125xi32, #tpu.memory_space<vmem>>
      %dma_start3A_171 = arith.constant 0 : i32
      %dma_start3A_172 = arith.constant 0 : i32
      %dma_start3A_173 = tpu.memref_slice %arg6[%dma_start3A_171, %dma_start3A_172] : memref<10240x32xf32, #tpu.memory_space<vmem_shared>> -> memref<10240x32xf32, #tpu.memory_space<vmem_shared>>
      tpu.enqueue_indirect_dma source(%arg11 : memref<125x32xf32, #tpu.memory_space<vmem>>) target(%dma_start3A_173 : memref<10240x32xf32, #tpu.memory_space<vmem_shared>>) offsets(%dma_start3A_170 : memref<125xi32, #tpu.memory_space<vmem>>) semaphore(%arg27 : memref<!tpu.dma_semaphore, #tpu.memory_space<semaphore_mem>>) {add = true}
      %add3A_174 = arith.constant 8 : i32
      %add3A_175 = arith.addi %add3A_161, %add3A_174 : i32
      %lt3A_176 = arith.constant 80 : i32
      %lt3A_177 = arith.cmpi slt, %add3A_175, %lt3A_176 : i32
      %convert_element_type3A_178 = arith.extui %lt3A_177 : i1 to i32
      %cond3A_179 = arith.constant 0 : i32
      %cond3A_180 = arith.cmpi ne, %convert_element_type3A_178, %cond3A_179 : i32
      scf.if %cond3A_180 {
        %dma_wait3A_286 = arith.constant 0 : i32
        %dma_wait3A_287 = tpu.memref_slice %arg8[%add3A_161, %dma_wait3A_286] : memref<80x125xi32, #tpu.memory_space<vmem>> -> memref<1x125xi32, #tpu.memory_space<vmem>>
        %dma_wait3A_288 = tpu.memref_squeeze %dma_wait3A_287 : memref<1x125xi32, #tpu.memory_space<vmem>> -> memref<125xi32, #tpu.memory_space<vmem>>
        %dma_wait3A_289 = arith.constant 0 : i32
        %dma_wait3A_290 = arith.constant 0 : i32
        %dma_wait3A_291 = tpu.memref_slice %arg6[%dma_wait3A_289, %dma_wait3A_290] : memref<10240x32xf32, #tpu.memory_space<vmem_shared>> -> memref<10240x32xf32, #tpu.memory_space<vmem_shared>>
        tpu.wait_indirect_dma semaphore(%arg27 : memref<!tpu.dma_semaphore, #tpu.memory_space<semaphore_mem>>) src(%arg11 : memref<125x32xf32, #tpu.memory_space<vmem>>) dst(%dma_wait3A_291 : memref<10240x32xf32, #tpu.memory_space<vmem_shared>>)
        %add3A_292 = arith.constant 8 : i32
        %add3A_293 = arith.addi %add3A_161, %add3A_292 : i32
        %dma_start3A_294 = arith.constant 0 : i32
        %dma_start3A_295 = tpu.memref_slice %arg7[%add3A_293, %dma_start3A_294] : memref<80x125xi32, #tpu.memory_space<vmem>> -> memref<1x125xi32, #tpu.memory_space<vmem>>
        %dma_start3A_296 = tpu.memref_squeeze %dma_start3A_295 : memref<1x125xi32, #tpu.memory_space<vmem>> -> memref<125xi32, #tpu.memory_space<vmem>>
        %dma_start3A_297 = arith.constant 0 : i32
        %dma_start3A_298 = arith.constant 0 : i32
        %dma_start3A_299 = tpu.memref_slice %arg4[%dma_start3A_297, %dma_start3A_298] : memref<10240x32xf32, #tpu.memory_space<hbm>> -> memref<10240x32xf32, #tpu.memory_space<hbm>>
        tpu.enqueue_indirect_dma source(%dma_start3A_299 : memref<10240x32xf32, #tpu.memory_space<hbm>>) target(%arg11 : memref<125x32xf32, #tpu.memory_space<vmem>>) offsets(%dma_start3A_296 : memref<125xi32, #tpu.memory_space<vmem>>) semaphore(%arg19 : memref<!tpu.dma_semaphore, #tpu.memory_space<semaphore_mem>>)
      } else {
      }
      %add3A_181 = arith.constant 3 : i32
      %add3A_182 = arith.addi %mul3A_120, %add3A_181 : i32
      %dma_wait3A_183 = arith.constant 0 : i32
      %dma_wait3A_184 = tpu.memref_slice %arg7[%add3A_182, %dma_wait3A_183] : memref<80x125xi32, #tpu.memory_space<vmem>> -> memref<1x125xi32, #tpu.memory_space<vmem>>
      %dma_wait3A_185 = tpu.memref_squeeze %dma_wait3A_184 : memref<1x125xi32, #tpu.memory_space<vmem>> -> memref<125xi32, #tpu.memory_space<vmem>>
      %dma_wait3A_186 = arith.constant 0 : i32
      %dma_wait3A_187 = arith.constant 0 : i32
      %dma_wait3A_188 = tpu.memref_slice %arg4[%dma_wait3A_186, %dma_wait3A_187] : memref<10240x32xf32, #tpu.memory_space<hbm>> -> memref<10240x32xf32, #tpu.memory_space<hbm>>
      tpu.wait_indirect_dma semaphore(%arg20 : memref<!tpu.dma_semaphore, #tpu.memory_space<semaphore_mem>>) src(%dma_wait3A_188 : memref<10240x32xf32, #tpu.memory_space<hbm>>) dst(%arg12 : memref<125x32xf32, #tpu.memory_space<vmem>>)
      %dma_start3A_189 = arith.constant 0 : i32
      %dma_start3A_190 = tpu.memref_slice %arg8[%add3A_182, %dma_start3A_189] : memref<80x125xi32, #tpu.memory_space<vmem>> -> memref<1x125xi32, #tpu.memory_space<vmem>>
      %dma_start3A_191 = tpu.memref_squeeze %dma_start3A_190 : memref<1x125xi32, #tpu.memory_space<vmem>> -> memref<125xi32, #tpu.memory_space<vmem>>
      %dma_start3A_192 = arith.constant 0 : i32
      %dma_start3A_193 = arith.constant 0 : i32
      %dma_start3A_194 = tpu.memref_slice %arg6[%dma_start3A_192, %dma_start3A_193] : memref<10240x32xf32, #tpu.memory_space<vmem_shared>> -> memref<10240x32xf32, #tpu.memory_space<vmem_shared>>
      tpu.enqueue_indirect_dma source(%arg12 : memref<125x32xf32, #tpu.memory_space<vmem>>) target(%dma_start3A_194 : memref<10240x32xf32, #tpu.memory_space<vmem_shared>>) offsets(%dma_start3A_191 : memref<125xi32, #tpu.memory_space<vmem>>) semaphore(%arg28 : memref<!tpu.dma_semaphore, #tpu.memory_space<semaphore_mem>>) {add = true}
      %add3A_195 = arith.constant 8 : i32
      %add3A_196 = arith.addi %add3A_182, %add3A_195 : i32
      %lt3A_197 = arith.constant 80 : i32
      %lt3A_198 = arith.cmpi slt, %add3A_196, %lt3A_197 : i32
      %convert_element_type3A_199 = arith.extui %lt3A_198 : i1 to i32
      %cond3A_200 = arith.constant 0 : i32
      %cond3A_201 = arith.cmpi ne, %convert_element_type3A_199, %cond3A_200 : i32
      scf.if %cond3A_201 {
        %dma_wait3A_286 = arith.constant 0 : i32
        %dma_wait3A_287 = tpu.memref_slice %arg8[%add3A_182, %dma_wait3A_286] : memref<80x125xi32, #tpu.memory_space<vmem>> -> memref<1x125xi32, #tpu.memory_space<vmem>>
        %dma_wait3A_288 = tpu.memref_squeeze %dma_wait3A_287 : memref<1x125xi32, #tpu.memory_space<vmem>> -> memref<125xi32, #tpu.memory_space<vmem>>
        %dma_wait3A_289 = arith.constant 0 : i32
        %dma_wait3A_290 = arith.constant 0 : i32
        %dma_wait3A_291 = tpu.memref_slice %arg6[%dma_wait3A_289, %dma_wait3A_290] : memref<10240x32xf32, #tpu.memory_space<vmem_shared>> -> memref<10240x32xf32, #tpu.memory_space<vmem_shared>>
        tpu.wait_indirect_dma semaphore(%arg28 : memref<!tpu.dma_semaphore, #tpu.memory_space<semaphore_mem>>) src(%arg12 : memref<125x32xf32, #tpu.memory_space<vmem>>) dst(%dma_wait3A_291 : memref<10240x32xf32, #tpu.memory_space<vmem_shared>>)
        %add3A_292 = arith.constant 8 : i32
        %add3A_293 = arith.addi %add3A_182, %add3A_292 : i32
        %dma_start3A_294 = arith.constant 0 : i32
        %dma_start3A_295 = tpu.memref_slice %arg7[%add3A_293, %dma_start3A_294] : memref<80x125xi32, #tpu.memory_space<vmem>> -> memref<1x125xi32, #tpu.memory_space<vmem>>
        %dma_start3A_296 = tpu.memref_squeeze %dma_start3A_295 : memref<1x125xi32, #tpu.memory_space<vmem>> -> memref<125xi32, #tpu.memory_space<vmem>>
        %dma_start3A_297 = arith.constant 0 : i32
        %dma_start3A_298 = arith.constant 0 : i32
        %dma_start3A_299 = tpu.memref_slice %arg4[%dma_start3A_297, %dma_start3A_298] : memref<10240x32xf32, #tpu.memory_space<hbm>> -> memref<10240x32xf32, #tpu.memory_space<hbm>>
        tpu.enqueue_indirect_dma source(%dma_start3A_299 : memref<10240x32xf32, #tpu.memory_space<hbm>>) target(%arg12 : memref<125x32xf32, #tpu.memory_space<vmem>>) offsets(%dma_start3A_296 : memref<125xi32, #tpu.memory_space<vmem>>) semaphore(%arg20 : memref<!tpu.dma_semaphore, #tpu.memory_space<semaphore_mem>>)
      } else {
      }
      %add3A_202 = arith.constant 4 : i32
      %add3A_203 = arith.addi %mul3A_120, %add3A_202 : i32
      %dma_wait3A_204 = arith.constant 0 : i32
      %dma_wait3A_205 = tpu.memref_slice %arg7[%add3A_203, %dma_wait3A_204] : memref<80x125xi32, #tpu.memory_space<vmem>> -> memref<1x125xi32, #tpu.memory_space<vmem>>
      %dma_wait3A_206 = tpu.memref_squeeze %dma_wait3A_205 : memref<1x125xi32, #tpu.memory_space<vmem>> -> memref<125xi32, #tpu.memory_space<vmem>>
      %dma_wait3A_207 = arith.constant 0 : i32
      %dma_wait3A_208 = arith.constant 0 : i32
      %dma_wait3A_209 = tpu.memref_slice %arg4[%dma_wait3A_207, %dma_wait3A_208] : memref<10240x32xf32, #tpu.memory_space<hbm>> -> memref<10240x32xf32, #tpu.memory_space<hbm>>
      tpu.wait_indirect_dma semaphore(%arg21 : memref<!tpu.dma_semaphore, #tpu.memory_space<semaphore_mem>>) src(%dma_wait3A_209 : memref<10240x32xf32, #tpu.memory_space<hbm>>) dst(%arg13 : memref<125x32xf32, #tpu.memory_space<vmem>>)
      %dma_start3A_210 = arith.constant 0 : i32
      %dma_start3A_211 = tpu.memref_slice %arg8[%add3A_203, %dma_start3A_210] : memref<80x125xi32, #tpu.memory_space<vmem>> -> memref<1x125xi32, #tpu.memory_space<vmem>>
      %dma_start3A_212 = tpu.memref_squeeze %dma_start3A_211 : memref<1x125xi32, #tpu.memory_space<vmem>> -> memref<125xi32, #tpu.memory_space<vmem>>
      %dma_start3A_213 = arith.constant 0 : i32
      %dma_start3A_214 = arith.constant 0 : i32
      %dma_start3A_215 = tpu.memref_slice %arg6[%dma_start3A_213, %dma_start3A_214] : memref<10240x32xf32, #tpu.memory_space<vmem_shared>> -> memref<10240x32xf32, #tpu.memory_space<vmem_shared>>
      tpu.enqueue_indirect_dma source(%arg13 : memref<125x32xf32, #tpu.memory_space<vmem>>) target(%dma_start3A_215 : memref<10240x32xf32, #tpu.memory_space<vmem_shared>>) offsets(%dma_start3A_212 : memref<125xi32, #tpu.memory_space<vmem>>) semaphore(%arg29 : memref<!tpu.dma_semaphore, #tpu.memory_space<semaphore_mem>>) {add = true}
      %add3A_216 = arith.constant 8 : i32
      %add3A_217 = arith.addi %add3A_203, %add3A_216 : i32
      %lt3A_218 = arith.constant 80 : i32
      %lt3A_219 = arith.cmpi slt, %add3A_217, %lt3A_218 : i32
      %convert_element_type3A_220 = arith.extui %lt3A_219 : i1 to i32
      %cond3A_221 = arith.constant 0 : i32
      %cond3A_222 = arith.cmpi ne, %convert_element_type3A_220, %cond3A_221 : i32
      scf.if %cond3A_222 {
        %dma_wait3A_286 = arith.constant 0 : i32
        %dma_wait3A_287 = tpu.memref_slice %arg8[%add3A_203, %dma_wait3A_286] : memref<80x125xi32, #tpu.memory_space<vmem>> -> memref<1x125xi32, #tpu.memory_space<vmem>>
        %dma_wait3A_288 = tpu.memref_squeeze %dma_wait3A_287 : memref<1x125xi32, #tpu.memory_space<vmem>> -> memref<125xi32, #tpu.memory_space<vmem>>
        %dma_wait3A_289 = arith.constant 0 : i32
        %dma_wait3A_290 = arith.constant 0 : i32
        %dma_wait3A_291 = tpu.memref_slice %arg6[%dma_wait3A_289, %dma_wait3A_290] : memref<10240x32xf32, #tpu.memory_space<vmem_shared>> -> memref<10240x32xf32, #tpu.memory_space<vmem_shared>>
        tpu.wait_indirect_dma semaphore(%arg29 : memref<!tpu.dma_semaphore, #tpu.memory_space<semaphore_mem>>) src(%arg13 : memref<125x32xf32, #tpu.memory_space<vmem>>) dst(%dma_wait3A_291 : memref<10240x32xf32, #tpu.memory_space<vmem_shared>>)
        %add3A_292 = arith.constant 8 : i32
        %add3A_293 = arith.addi %add3A_203, %add3A_292 : i32
        %dma_start3A_294 = arith.constant 0 : i32
        %dma_start3A_295 = tpu.memref_slice %arg7[%add3A_293, %dma_start3A_294] : memref<80x125xi32, #tpu.memory_space<vmem>> -> memref<1x125xi32, #tpu.memory_space<vmem>>
        %dma_start3A_296 = tpu.memref_squeeze %dma_start3A_295 : memref<1x125xi32, #tpu.memory_space<vmem>> -> memref<125xi32, #tpu.memory_space<vmem>>
        %dma_start3A_297 = arith.constant 0 : i32
        %dma_start3A_298 = arith.constant 0 : i32
        %dma_start3A_299 = tpu.memref_slice %arg4[%dma_start3A_297, %dma_start3A_298] : memref<10240x32xf32, #tpu.memory_space<hbm>> -> memref<10240x32xf32, #tpu.memory_space<hbm>>
        tpu.enqueue_indirect_dma source(%dma_start3A_299 : memref<10240x32xf32, #tpu.memory_space<hbm>>) target(%arg13 : memref<125x32xf32, #tpu.memory_space<vmem>>) offsets(%dma_start3A_296 : memref<125xi32, #tpu.memory_space<vmem>>) semaphore(%arg21 : memref<!tpu.dma_semaphore, #tpu.memory_space<semaphore_mem>>)
      } else {
      }
      %add3A_223 = arith.constant 5 : i32
      %add3A_224 = arith.addi %mul3A_120, %add3A_223 : i32
      %dma_wait3A_225 = arith.constant 0 : i32
      %dma_wait3A_226 = tpu.memref_slice %arg7[%add3A_224, %dma_wait3A_225] : memref<80x125xi32, #tpu.memory_space<vmem>> -> memref<1x125xi32, #tpu.memory_space<vmem>>
      %dma_wait3A_227 = tpu.memref_squeeze %dma_wait3A_226 : memref<1x125xi32, #tpu.memory_space<vmem>> -> memref<125xi32, #tpu.memory_space<vmem>>
      %dma_wait3A_228 = arith.constant 0 : i32
      %dma_wait3A_229 = arith.constant 0 : i32
      %dma_wait3A_230 = tpu.memref_slice %arg4[%dma_wait3A_228, %dma_wait3A_229] : memref<10240x32xf32, #tpu.memory_space<hbm>> -> memref<10240x32xf32, #tpu.memory_space<hbm>>
      tpu.wait_indirect_dma semaphore(%arg22 : memref<!tpu.dma_semaphore, #tpu.memory_space<semaphore_mem>>) src(%dma_wait3A_230 : memref<10240x32xf32, #tpu.memory_space<hbm>>) dst(%arg14 : memref<125x32xf32, #tpu.memory_space<vmem>>)
      %dma_start3A_231 = arith.constant 0 : i32
      %dma_start3A_232 = tpu.memref_slice %arg8[%add3A_224, %dma_start3A_231] : memref<80x125xi32, #tpu.memory_space<vmem>> -> memref<1x125xi32, #tpu.memory_space<vmem>>
      %dma_start3A_233 = tpu.memref_squeeze %dma_start3A_232 : memref<1x125xi32, #tpu.memory_space<vmem>> -> memref<125xi32, #tpu.memory_space<vmem>>
      %dma_start3A_234 = arith.constant 0 : i32
      %dma_start3A_235 = arith.constant 0 : i32
      %dma_start3A_236 = tpu.memref_slice %arg6[%dma_start3A_234, %dma_start3A_235] : memref<10240x32xf32, #tpu.memory_space<vmem_shared>> -> memref<10240x32xf32, #tpu.memory_space<vmem_shared>>
      tpu.enqueue_indirect_dma source(%arg14 : memref<125x32xf32, #tpu.memory_space<vmem>>) target(%dma_start3A_236 : memref<10240x32xf32, #tpu.memory_space<vmem_shared>>) offsets(%dma_start3A_233 : memref<125xi32, #tpu.memory_space<vmem>>) semaphore(%arg30 : memref<!tpu.dma_semaphore, #tpu.memory_space<semaphore_mem>>) {add = true}
      %add3A_237 = arith.constant 8 : i32
      %add3A_238 = arith.addi %add3A_224, %add3A_237 : i32
      %lt3A_239 = arith.constant 80 : i32
      %lt3A_240 = arith.cmpi slt, %add3A_238, %lt3A_239 : i32
      %convert_element_type3A_241 = arith.extui %lt3A_240 : i1 to i32
      %cond3A_242 = arith.constant 0 : i32
      %cond3A_243 = arith.cmpi ne, %convert_element_type3A_241, %cond3A_242 : i32
      scf.if %cond3A_243 {
        %dma_wait3A_286 = arith.constant 0 : i32
        %dma_wait3A_287 = tpu.memref_slice %arg8[%add3A_224, %dma_wait3A_286] : memref<80x125xi32, #tpu.memory_space<vmem>> -> memref<1x125xi32, #tpu.memory_space<vmem>>
        %dma_wait3A_288 = tpu.memref_squeeze %dma_wait3A_287 : memref<1x125xi32, #tpu.memory_space<vmem>> -> memref<125xi32, #tpu.memory_space<vmem>>
        %dma_wait3A_289 = arith.constant 0 : i32
        %dma_wait3A_290 = arith.constant 0 : i32
        %dma_wait3A_291 = tpu.memref_slice %arg6[%dma_wait3A_289, %dma_wait3A_290] : memref<10240x32xf32, #tpu.memory_space<vmem_shared>> -> memref<10240x32xf32, #tpu.memory_space<vmem_shared>>
        tpu.wait_indirect_dma semaphore(%arg30 : memref<!tpu.dma_semaphore, #tpu.memory_space<semaphore_mem>>) src(%arg14 : memref<125x32xf32, #tpu.memory_space<vmem>>) dst(%dma_wait3A_291 : memref<10240x32xf32, #tpu.memory_space<vmem_shared>>)
        %add3A_292 = arith.constant 8 : i32
        %add3A_293 = arith.addi %add3A_224, %add3A_292 : i32
        %dma_start3A_294 = arith.constant 0 : i32
        %dma_start3A_295 = tpu.memref_slice %arg7[%add3A_293, %dma_start3A_294] : memref<80x125xi32, #tpu.memory_space<vmem>> -> memref<1x125xi32, #tpu.memory_space<vmem>>
        %dma_start3A_296 = tpu.memref_squeeze %dma_start3A_295 : memref<1x125xi32, #tpu.memory_space<vmem>> -> memref<125xi32, #tpu.memory_space<vmem>>
        %dma_start3A_297 = arith.constant 0 : i32
        %dma_start3A_298 = arith.constant 0 : i32
        %dma_start3A_299 = tpu.memref_slice %arg4[%dma_start3A_297, %dma_start3A_298] : memref<10240x32xf32, #tpu.memory_space<hbm>> -> memref<10240x32xf32, #tpu.memory_space<hbm>>
        tpu.enqueue_indirect_dma source(%dma_start3A_299 : memref<10240x32xf32, #tpu.memory_space<hbm>>) target(%arg14 : memref<125x32xf32, #tpu.memory_space<vmem>>) offsets(%dma_start3A_296 : memref<125xi32, #tpu.memory_space<vmem>>) semaphore(%arg22 : memref<!tpu.dma_semaphore, #tpu.memory_space<semaphore_mem>>)
      } else {
      }
      %add3A_244 = arith.constant 6 : i32
      %add3A_245 = arith.addi %mul3A_120, %add3A_244 : i32
      %dma_wait3A_246 = arith.constant 0 : i32
      %dma_wait3A_247 = tpu.memref_slice %arg7[%add3A_245, %dma_wait3A_246] : memref<80x125xi32, #tpu.memory_space<vmem>> -> memref<1x125xi32, #tpu.memory_space<vmem>>
      %dma_wait3A_248 = tpu.memref_squeeze %dma_wait3A_247 : memref<1x125xi32, #tpu.memory_space<vmem>> -> memref<125xi32, #tpu.memory_space<vmem>>
      %dma_wait3A_249 = arith.constant 0 : i32
      %dma_wait3A_250 = arith.constant 0 : i32
      %dma_wait3A_251 = tpu.memref_slice %arg4[%dma_wait3A_249, %dma_wait3A_250] : memref<10240x32xf32, #tpu.memory_space<hbm>> -> memref<10240x32xf32, #tpu.memory_space<hbm>>
      tpu.wait_indirect_dma semaphore(%arg23 : memref<!tpu.dma_semaphore, #tpu.memory_space<semaphore_mem>>) src(%dma_wait3A_251 : memref<10240x32xf32, #tpu.memory_space<hbm>>) dst(%arg15 : memref<125x32xf32, #tpu.memory_space<vmem>>)
      %dma_start3A_252 = arith.constant 0 : i32
      %dma_start3A_253 = tpu.memref_slice %arg8[%add3A_245, %dma_start3A_252] : memref<80x125xi32, #tpu.memory_space<vmem>> -> memref<1x125xi32, #tpu.memory_space<vmem>>
      %dma_start3A_254 = tpu.memref_squeeze %dma_start3A_253 : memref<1x125xi32, #tpu.memory_space<vmem>> -> memref<125xi32, #tpu.memory_space<vmem>>
      %dma_start3A_255 = arith.constant 0 : i32
      %dma_start3A_256 = arith.constant 0 : i32
      %dma_start3A_257 = tpu.memref_slice %arg6[%dma_start3A_255, %dma_start3A_256] : memref<10240x32xf32, #tpu.memory_space<vmem_shared>> -> memref<10240x32xf32, #tpu.memory_space<vmem_shared>>
      tpu.enqueue_indirect_dma source(%arg15 : memref<125x32xf32, #tpu.memory_space<vmem>>) target(%dma_start3A_257 : memref<10240x32xf32, #tpu.memory_space<vmem_shared>>) offsets(%dma_start3A_254 : memref<125xi32, #tpu.memory_space<vmem>>) semaphore(%arg31 : memref<!tpu.dma_semaphore, #tpu.memory_space<semaphore_mem>>) {add = true}
      %add3A_258 = arith.constant 8 : i32
      %add3A_259 = arith.addi %add3A_245, %add3A_258 : i32
      %lt3A_260 = arith.constant 80 : i32
      %lt3A_261 = arith.cmpi slt, %add3A_259, %lt3A_260 : i32
      %convert_element_type3A_262 = arith.extui %lt3A_261 : i1 to i32
      %cond3A_263 = arith.constant 0 : i32
      %cond3A_264 = arith.cmpi ne, %convert_element_type3A_262, %cond3A_263 : i32
      scf.if %cond3A_264 {
        %dma_wait3A_286 = arith.constant 0 : i32
        %dma_wait3A_287 = tpu.memref_slice %arg8[%add3A_245, %dma_wait3A_286] : memref<80x125xi32, #tpu.memory_space<vmem>> -> memref<1x125xi32, #tpu.memory_space<vmem>>
        %dma_wait3A_288 = tpu.memref_squeeze %dma_wait3A_287 : memref<1x125xi32, #tpu.memory_space<vmem>> -> memref<125xi32, #tpu.memory_space<vmem>>
        %dma_wait3A_289 = arith.constant 0 : i32
        %dma_wait3A_290 = arith.constant 0 : i32
        %dma_wait3A_291 = tpu.memref_slice %arg6[%dma_wait3A_289, %dma_wait3A_290] : memref<10240x32xf32, #tpu.memory_space<vmem_shared>> -> memref<10240x32xf32, #tpu.memory_space<vmem_shared>>
        tpu.wait_indirect_dma semaphore(%arg31 : memref<!tpu.dma_semaphore, #tpu.memory_space<semaphore_mem>>) src(%arg15 : memref<125x32xf32, #tpu.memory_space<vmem>>) dst(%dma_wait3A_291 : memref<10240x32xf32, #tpu.memory_space<vmem_shared>>)
        %add3A_292 = arith.constant 8 : i32
        %add3A_293 = arith.addi %add3A_245, %add3A_292 : i32
        %dma_start3A_294 = arith.constant 0 : i32
        %dma_start3A_295 = tpu.memref_slice %arg7[%add3A_293, %dma_start3A_294] : memref<80x125xi32, #tpu.memory_space<vmem>> -> memref<1x125xi32, #tpu.memory_space<vmem>>
        %dma_start3A_296 = tpu.memref_squeeze %dma_start3A_295 : memref<1x125xi32, #tpu.memory_space<vmem>> -> memref<125xi32, #tpu.memory_space<vmem>>
        %dma_start3A_297 = arith.constant 0 : i32
        %dma_start3A_298 = arith.constant 0 : i32
        %dma_start3A_299 = tpu.memref_slice %arg4[%dma_start3A_297, %dma_start3A_298] : memref<10240x32xf32, #tpu.memory_space<hbm>> -> memref<10240x32xf32, #tpu.memory_space<hbm>>
        tpu.enqueue_indirect_dma source(%dma_start3A_299 : memref<10240x32xf32, #tpu.memory_space<hbm>>) target(%arg15 : memref<125x32xf32, #tpu.memory_space<vmem>>) offsets(%dma_start3A_296 : memref<125xi32, #tpu.memory_space<vmem>>) semaphore(%arg23 : memref<!tpu.dma_semaphore, #tpu.memory_space<semaphore_mem>>)
      } else {
      }
      %add3A_265 = arith.constant 7 : i32
      %add3A_266 = arith.addi %mul3A_120, %add3A_265 : i32
      %dma_wait3A_267 = arith.constant 0 : i32
      %dma_wait3A_268 = tpu.memref_slice %arg7[%add3A_266, %dma_wait3A_267] : memref<80x125xi32, #tpu.memory_space<vmem>> -> memref<1x125xi32, #tpu.memory_space<vmem>>
      %dma_wait3A_269 = tpu.memref_squeeze %dma_wait3A_268 : memref<1x125xi32, #tpu.memory_space<vmem>> -> memref<125xi32, #tpu.memory_space<vmem>>
      %dma_wait3A_270 = arith.constant 0 : i32
      %dma_wait3A_271 = arith.constant 0 : i32
      %dma_wait3A_272 = tpu.memref_slice %arg4[%dma_wait3A_270, %dma_wait3A_271] : memref<10240x32xf32, #tpu.memory_space<hbm>> -> memref<10240x32xf32, #tpu.memory_space<hbm>>
      tpu.wait_indirect_dma semaphore(%arg24 : memref<!tpu.dma_semaphore, #tpu.memory_space<semaphore_mem>>) src(%dma_wait3A_272 : memref<10240x32xf32, #tpu.memory_space<hbm>>) dst(%arg16 : memref<125x32xf32, #tpu.memory_space<vmem>>)
      %dma_start3A_273 = arith.constant 0 : i32
      %dma_start3A_274 = tpu.memref_slice %arg8[%add3A_266, %dma_start3A_273] : memref<80x125xi32, #tpu.memory_space<vmem>> -> memref<1x125xi32, #tpu.memory_space<vmem>>
      %dma_start3A_275 = tpu.memref_squeeze %dma_start3A_274 : memref<1x125xi32, #tpu.memory_space<vmem>> -> memref<125xi32, #tpu.memory_space<vmem>>
      %dma_start3A_276 = arith.constant 0 : i32
      %dma_start3A_277 = arith.constant 0 : i32
      %dma_start3A_278 = tpu.memref_slice %arg6[%dma_start3A_276, %dma_start3A_277] : memref<10240x32xf32, #tpu.memory_space<vmem_shared>> -> memref<10240x32xf32, #tpu.memory_space<vmem_shared>>
      tpu.enqueue_indirect_dma source(%arg16 : memref<125x32xf32, #tpu.memory_space<vmem>>) target(%dma_start3A_278 : memref<10240x32xf32, #tpu.memory_space<vmem_shared>>) offsets(%dma_start3A_275 : memref<125xi32, #tpu.memory_space<vmem>>) semaphore(%arg32 : memref<!tpu.dma_semaphore, #tpu.memory_space<semaphore_mem>>) {add = true}
      %add3A_279 = arith.constant 8 : i32
      %add3A_280 = arith.addi %add3A_266, %add3A_279 : i32
      %lt3A_281 = arith.constant 80 : i32
      %lt3A_282 = arith.cmpi slt, %add3A_280, %lt3A_281 : i32
      %convert_element_type3A_283 = arith.extui %lt3A_282 : i1 to i32
      %cond3A_284 = arith.constant 0 : i32
      %cond3A_285 = arith.cmpi ne, %convert_element_type3A_283, %cond3A_284 : i32
      scf.if %cond3A_285 {
        %dma_wait3A_286 = arith.constant 0 : i32
        %dma_wait3A_287 = tpu.memref_slice %arg8[%add3A_266, %dma_wait3A_286] : memref<80x125xi32, #tpu.memory_space<vmem>> -> memref<1x125xi32, #tpu.memory_space<vmem>>
        %dma_wait3A_288 = tpu.memref_squeeze %dma_wait3A_287 : memref<1x125xi32, #tpu.memory_space<vmem>> -> memref<125xi32, #tpu.memory_space<vmem>>
        %dma_wait3A_289 = arith.constant 0 : i32
        %dma_wait3A_290 = arith.constant 0 : i32
        %dma_wait3A_291 = tpu.memref_slice %arg6[%dma_wait3A_289, %dma_wait3A_290] : memref<10240x32xf32, #tpu.memory_space<vmem_shared>> -> memref<10240x32xf32, #tpu.memory_space<vmem_shared>>
        tpu.wait_indirect_dma semaphore(%arg32 : memref<!tpu.dma_semaphore, #tpu.memory_space<semaphore_mem>>) src(%arg16 : memref<125x32xf32, #tpu.memory_space<vmem>>) dst(%dma_wait3A_291 : memref<10240x32xf32, #tpu.memory_space<vmem_shared>>)
        %add3A_292 = arith.constant 8 : i32
        %add3A_293 = arith.addi %add3A_266, %add3A_292 : i32
        %dma_start3A_294 = arith.constant 0 : i32
        %dma_start3A_295 = tpu.memref_slice %arg7[%add3A_293, %dma_start3A_294] : memref<80x125xi32, #tpu.memory_space<vmem>> -> memref<1x125xi32, #tpu.memory_space<vmem>>
        %dma_start3A_296 = tpu.memref_squeeze %dma_start3A_295 : memref<1x125xi32, #tpu.memory_space<vmem>> -> memref<125xi32, #tpu.memory_space<vmem>>
        %dma_start3A_297 = arith.constant 0 : i32
        %dma_start3A_298 = arith.constant 0 : i32
        %dma_start3A_299 = tpu.memref_slice %arg4[%dma_start3A_297, %dma_start3A_298] : memref<10240x32xf32, #tpu.memory_space<hbm>> -> memref<10240x32xf32, #tpu.memory_space<hbm>>
        tpu.enqueue_indirect_dma source(%dma_start3A_299 : memref<10240x32xf32, #tpu.memory_space<hbm>>) target(%arg16 : memref<125x32xf32, #tpu.memory_space<vmem>>) offsets(%dma_start3A_296 : memref<125xi32, #tpu.memory_space<vmem>>) semaphore(%arg24 : memref<!tpu.dma_semaphore, #tpu.memory_space<semaphore_mem>>)
      } else {
      }
    }
    %scan3A_61 = arith.constant 10 : i32
    %dma_wait3A = arith.constant 72 : i32
    %dma_wait3A_62 = arith.constant 0 : i32
    %dma_wait3A_63 = tpu.memref_slice %arg8[%dma_wait3A, %dma_wait3A_62] : memref<80x125xi32, #tpu.memory_space<vmem>> -> memref<1x125xi32, #tpu.memory_space<vmem>>
    %dma_wait3A_64 = tpu.memref_squeeze %dma_wait3A_63 : memref<1x125xi32, #tpu.memory_space<vmem>> -> memref<125xi32, #tpu.memory_space<vmem>>
    %dma_wait3A_65 = arith.constant 0 : i32
    %dma_wait3A_66 = arith.constant 0 : i32
    %dma_wait3A_67 = tpu.memref_slice %arg6[%dma_wait3A_65, %dma_wait3A_66] : memref<10240x32xf32, #tpu.memory_space<vmem_shared>> -> memref<10240x32xf32, #tpu.memory_space<vmem_shared>>
    tpu.wait_indirect_dma semaphore(%arg25 : memref<!tpu.dma_semaphore, #tpu.memory_space<semaphore_mem>>) src(%arg9 : memref<125x32xf32, #tpu.memory_space<vmem>>) dst(%dma_wait3A_67 : memref<10240x32xf32, #tpu.memory_space<vmem_shared>>)
    %dma_wait3A_68 = arith.constant 73 : i32
    %dma_wait3A_69 = arith.constant 0 : i32
    %dma_wait3A_70 = tpu.memref_slice %arg8[%dma_wait3A_68, %dma_wait3A_69] : memref<80x125xi32, #tpu.memory_space<vmem>> -> memref<1x125xi32, #tpu.memory_space<vmem>>
    %dma_wait3A_71 = tpu.memref_squeeze %dma_wait3A_70 : memref<1x125xi32, #tpu.memory_space<vmem>> -> memref<125xi32, #tpu.memory_space<vmem>>
    %dma_wait3A_72 = arith.constant 0 : i32
    %dma_wait3A_73 = arith.constant 0 : i32
    %dma_wait3A_74 = tpu.memref_slice %arg6[%dma_wait3A_72, %dma_wait3A_73] : memref<10240x32xf32, #tpu.memory_space<vmem_shared>> -> memref<10240x32xf32, #tpu.memory_space<vmem_shared>>
    tpu.wait_indirect_dma semaphore(%arg26 : memref<!tpu.dma_semaphore, #tpu.memory_space<semaphore_mem>>) src(%arg10 : memref<125x32xf32, #tpu.memory_space<vmem>>) dst(%dma_wait3A_74 : memref<10240x32xf32, #tpu.memory_space<vmem_shared>>)
    %dma_wait3A_75 = arith.constant 74 : i32
    %dma_wait3A_76 = arith.constant 0 : i32
    %dma_wait3A_77 = tpu.memref_slice %arg8[%dma_wait3A_75, %dma_wait3A_76] : memref<80x125xi32, #tpu.memory_space<vmem>> -> memref<1x125xi32, #tpu.memory_space<vmem>>
    %dma_wait3A_78 = tpu.memref_squeeze %dma_wait3A_77 : memref<1x125xi32, #tpu.memory_space<vmem>> -> memref<125xi32, #tpu.memory_space<vmem>>
    %dma_wait3A_79 = arith.constant 0 : i32
    %dma_wait3A_80 = arith.constant 0 : i32
    %dma_wait3A_81 = tpu.memref_slice %arg6[%dma_wait3A_79, %dma_wait3A_80] : memref<10240x32xf32, #tpu.memory_space<vmem_shared>> -> memref<10240x32xf32, #tpu.memory_space<vmem_shared>>
    tpu.wait_indirect_dma semaphore(%arg27 : memref<!tpu.dma_semaphore, #tpu.memory_space<semaphore_mem>>) src(%arg11 : memref<125x32xf32, #tpu.memory_space<vmem>>) dst(%dma_wait3A_81 : memref<10240x32xf32, #tpu.memory_space<vmem_shared>>)
    %dma_wait3A_82 = arith.constant 75 : i32
    %dma_wait3A_83 = arith.constant 0 : i32
    %dma_wait3A_84 = tpu.memref_slice %arg8[%dma_wait3A_82, %dma_wait3A_83] : memref<80x125xi32, #tpu.memory_space<vmem>> -> memref<1x125xi32, #tpu.memory_space<vmem>>
    %dma_wait3A_85 = tpu.memref_squeeze %dma_wait3A_84 : memref<1x125xi32, #tpu.memory_space<vmem>> -> memref<125xi32, #tpu.memory_space<vmem>>
    %dma_wait3A_86 = arith.constant 0 : i32
    %dma_wait3A_87 = arith.constant 0 : i32
    %dma_wait3A_88 = tpu.memref_slice %arg6[%dma_wait3A_86, %dma_wait3A_87] : memref<10240x32xf32, #tpu.memory_space<vmem_shared>> -> memref<10240x32xf32, #tpu.memory_space<vmem_shared>>
    tpu.wait_indirect_dma semaphore(%arg28 : memref<!tpu.dma_semaphore, #tpu.memory_space<semaphore_mem>>) src(%arg12 : memref<125x32xf32, #tpu.memory_space<vmem>>) dst(%dma_wait3A_88 : memref<10240x32xf32, #tpu.memory_space<vmem_shared>>)
    %dma_wait3A_89 = arith.constant 76 : i32
    %dma_wait3A_90 = arith.constant 0 : i32
    %dma_wait3A_91 = tpu.memref_slice %arg8[%dma_wait3A_89, %dma_wait3A_90] : memref<80x125xi32, #tpu.memory_space<vmem>> -> memref<1x125xi32, #tpu.memory_space<vmem>>
    %dma_wait3A_92 = tpu.memref_squeeze %dma_wait3A_91 : memref<1x125xi32, #tpu.memory_space<vmem>> -> memref<125xi32, #tpu.memory_space<vmem>>
    %dma_wait3A_93 = arith.constant 0 : i32
    %dma_wait3A_94 = arith.constant 0 : i32
    %dma_wait3A_95 = tpu.memref_slice %arg6[%dma_wait3A_93, %dma_wait3A_94] : memref<10240x32xf32, #tpu.memory_space<vmem_shared>> -> memref<10240x32xf32, #tpu.memory_space<vmem_shared>>
    tpu.wait_indirect_dma semaphore(%arg29 : memref<!tpu.dma_semaphore, #tpu.memory_space<semaphore_mem>>) src(%arg13 : memref<125x32xf32, #tpu.memory_space<vmem>>) dst(%dma_wait3A_95 : memref<10240x32xf32, #tpu.memory_space<vmem_shared>>)
    %dma_wait3A_96 = arith.constant 77 : i32
    %dma_wait3A_97 = arith.constant 0 : i32
    %dma_wait3A_98 = tpu.memref_slice %arg8[%dma_wait3A_96, %dma_wait3A_97] : memref<80x125xi32, #tpu.memory_space<vmem>> -> memref<1x125xi32, #tpu.memory_space<vmem>>
    %dma_wait3A_99 = tpu.memref_squeeze %dma_wait3A_98 : memref<1x125xi32, #tpu.memory_space<vmem>> -> memref<125xi32, #tpu.memory_space<vmem>>
    %dma_wait3A_100 = arith.constant 0 : i32
    %dma_wait3A_101 = arith.constant 0 : i32
    %dma_wait3A_102 = tpu.memref_slice %arg6[%dma_wait3A_100, %dma_wait3A_101] : memref<10240x32xf32, #tpu.memory_space<vmem_shared>> -> memref<10240x32xf32, #tpu.memory_space<vmem_shared>>
    tpu.wait_indirect_dma semaphore(%arg30 : memref<!tpu.dma_semaphore, #tpu.memory_space<semaphore_mem>>) src(%arg14 : memref<125x32xf32, #tpu.memory_space<vmem>>) dst(%dma_wait3A_102 : memref<10240x32xf32, #tpu.memory_space<vmem_shared>>)
    %dma_wait3A_103 = arith.constant 78 : i32
    %dma_wait3A_104 = arith.constant 0 : i32
    %dma_wait3A_105 = tpu.memref_slice %arg8[%dma_wait3A_103, %dma_wait3A_104] : memref<80x125xi32, #tpu.memory_space<vmem>> -> memref<1x125xi32, #tpu.memory_space<vmem>>
    %dma_wait3A_106 = tpu.memref_squeeze %dma_wait3A_105 : memref<1x125xi32, #tpu.memory_space<vmem>> -> memref<125xi32, #tpu.memory_space<vmem>>
    %dma_wait3A_107 = arith.constant 0 : i32
    %dma_wait3A_108 = arith.constant 0 : i32
    %dma_wait3A_109 = tpu.memref_slice %arg6[%dma_wait3A_107, %dma_wait3A_108] : memref<10240x32xf32, #tpu.memory_space<vmem_shared>> -> memref<10240x32xf32, #tpu.memory_space<vmem_shared>>
    tpu.wait_indirect_dma semaphore(%arg31 : memref<!tpu.dma_semaphore, #tpu.memory_space<semaphore_mem>>) src(%arg15 : memref<125x32xf32, #tpu.memory_space<vmem>>) dst(%dma_wait3A_109 : memref<10240x32xf32, #tpu.memory_space<vmem_shared>>)
    %dma_wait3A_110 = arith.constant 79 : i32
    %dma_wait3A_111 = arith.constant 0 : i32
    %dma_wait3A_112 = tpu.memref_slice %arg8[%dma_wait3A_110, %dma_wait3A_111] : memref<80x125xi32, #tpu.memory_space<vmem>> -> memref<1x125xi32, #tpu.memory_space<vmem>>
    %dma_wait3A_113 = tpu.memref_squeeze %dma_wait3A_112 : memref<1x125xi32, #tpu.memory_space<vmem>> -> memref<125xi32, #tpu.memory_space<vmem>>
    %dma_wait3A_114 = arith.constant 0 : i32
    %dma_wait3A_115 = arith.constant 0 : i32
    %dma_wait3A_116 = tpu.memref_slice %arg6[%dma_wait3A_114, %dma_wait3A_115] : memref<10240x32xf32, #tpu.memory_space<vmem_shared>> -> memref<10240x32xf32, #tpu.memory_space<vmem_shared>>
    tpu.wait_indirect_dma semaphore(%arg32 : memref<!tpu.dma_semaphore, #tpu.memory_space<semaphore_mem>>) src(%arg16 : memref<125x32xf32, #tpu.memory_space<vmem>>) dst(%dma_wait3A_116 : memref<10240x32xf32, #tpu.memory_space<vmem_shared>>)
    %barrier3A_117 = arith.constant 0 : index
    tpu.barrier barrier_id(%barrier3A_117)
    "tpu.region"() ({
      %run_scoped3A = tpu.sem_alloc : memref<!tpu.dma_semaphore, #tpu.memory_space<semaphore_mem>>
      %dma_start3A_118 = arith.constant 0 : i32
      %dma_start3A_119 = tpu.memref_slice %arg5[%arg0, %mul3A_2, %dma_start3A_118] : memref<2x10240x32xf32, #tpu.memory_space<hbm>> -> memref<1x640x32xf32, #tpu.memory_space<hbm>>
      %dma_start3A_120 = tpu.memref_squeeze %dma_start3A_119 : memref<1x640x32xf32, #tpu.memory_space<hbm>> -> memref<640x32xf32, #tpu.memory_space<hbm>>
      %dma_start3A_121 = arith.constant 0 : i32
      %dma_start3A_122 = tpu.memref_slice %arg6[%mul3A_2, %dma_start3A_121] : memref<10240x32xf32, #tpu.memory_space<vmem_shared>> -> memref<640x32xf32, #tpu.memory_space<vmem_shared>>
      tpu.enqueue_dma source(%dma_start3A_122 : memref<640x32xf32, #tpu.memory_space<vmem_shared>>) target(%dma_start3A_120 : memref<640x32xf32, #tpu.memory_space<hbm>>) target_semaphore(%run_scoped3A : memref<!tpu.dma_semaphore, #tpu.memory_space<semaphore_mem>>)
      %dma_wait3A_123 = arith.constant 0 : i32
      %dma_wait3A_124 = tpu.memref_slice %arg5[%arg0, %mul3A_2, %dma_wait3A_123] : memref<2x10240x32xf32, #tpu.memory_space<hbm>> -> memref<1x640x32xf32, #tpu.memory_space<hbm>>
      %dma_wait3A_125 = tpu.memref_squeeze %dma_wait3A_124 : memref<1x640x32xf32, #tpu.memory_space<hbm>> -> memref<640x32xf32, #tpu.memory_space<hbm>>
      %dma_wait3A_126 = arith.constant 0 : i32
      %dma_wait3A_127 = tpu.memref_slice %arg6[%mul3A_2, %dma_wait3A_126] : memref<10240x32xf32, #tpu.memory_space<vmem_shared>> -> memref<640x32xf32, #tpu.memory_space<vmem_shared>>
      tpu.wait_dma2 semaphore(%run_scoped3A : memref<!tpu.dma_semaphore, #tpu.memory_space<semaphore_mem>>) src(%dma_wait3A_127 : memref<640x32xf32, #tpu.memory_space<vmem_shared>>) dst(%dma_wait3A_125 : memref<640x32xf32, #tpu.memory_space<hbm>>)
      tpu.yield
    }) : () -> ()
    return
  }
}

#map = affine_map<(d0, d1) -> (0, 0, 0)>
#map1 = affine_map<(d0, d1) -> (0, 0)>
module attributes {stable_mosaic.version = 14 : i64} {
  func.func @_prop(%arg0: i32, %arg1: i32, %arg2: memref<32x80x125xi32, #tpu.memory_space<hbm>>, %arg3: memref<32x80x125xi32, #tpu.memory_space<hbm>>, %arg4: memref<10240x64xf32, #tpu.memory_space<hbm>>, %arg5: memref<2x10240x64xf32, #tpu.memory_space<hbm>>, %arg6: memref<10240x64xf32, #tpu.memory_space<vmem_shared>>, %arg7: memref<80x125xi32, #tpu.memory_space<vmem>>, %arg8: memref<80x125xi32, #tpu.memory_space<vmem>>, %arg9: memref<125x64xf32, #tpu.memory_space<vmem>>, %arg10: memref<125x64xf32, #tpu.memory_space<vmem>>, %arg11: memref<125x64xf32, #tpu.memory_space<vmem>>, %arg12: memref<125x64xf32, #tpu.memory_space<vmem>>, %arg13: memref<125x64xf32, #tpu.memory_space<vmem>>, %arg14: memref<125x64xf32, #tpu.memory_space<vmem>>, %arg15: memref<125x64xf32, #tpu.memory_space<vmem>>, %arg16: memref<125x64xf32, #tpu.memory_space<vmem>>, %arg17: memref<!tpu.dma_semaphore, #tpu.memory_space<semaphore_mem>>, %arg18: memref<!tpu.dma_semaphore, #tpu.memory_space<semaphore_mem>>, %arg19: memref<!tpu.dma_semaphore, #tpu.memory_space<semaphore_mem>>, %arg20: memref<!tpu.dma_semaphore, #tpu.memory_space<semaphore_mem>>, %arg21: memref<!tpu.dma_semaphore, #tpu.memory_space<semaphore_mem>>, %arg22: memref<!tpu.dma_semaphore, #tpu.memory_space<semaphore_mem>>, %arg23: memref<!tpu.dma_semaphore, #tpu.memory_space<semaphore_mem>>, %arg24: memref<!tpu.dma_semaphore, #tpu.memory_space<semaphore_mem>>, %arg25: memref<!tpu.dma_semaphore, #tpu.memory_space<semaphore_mem>>, %arg26: memref<!tpu.dma_semaphore, #tpu.memory_space<semaphore_mem>>, %arg27: memref<!tpu.dma_semaphore, #tpu.memory_space<semaphore_mem>>, %arg28: memref<!tpu.dma_semaphore, #tpu.memory_space<semaphore_mem>>, %arg29: memref<!tpu.dma_semaphore, #tpu.memory_space<semaphore_mem>>, %arg30: memref<!tpu.dma_semaphore, #tpu.memory_space<semaphore_mem>>, %arg31: memref<!tpu.dma_semaphore, #tpu.memory_space<semaphore_mem>>, %arg32: memref<!tpu.dma_semaphore, #tpu.memory_space<semaphore_mem>>) attributes {dimension_semantics = [#tpu.dimension_semantics<core_parallel>, #tpu.dimension_semantics<subcore_parallel>], iteration_bounds = array<i64: 2, 16>, scalar_prefetch = 0 : i64, scratch_operands = 27 : i64, tpu.core_type = #tpu.core_type<sc_vector_subcore>, window_params = [{transform_indices = #map}, {transform_indices = #map}, {transform_indices = #map1}, {transform_indices = #map}]} {
    %mul3A = arith.constant 16 : i32
    %mul3A_0 = arith.muli %arg0, %mul3A : i32
    %add3A = arith.addi %mul3A_0, %arg1 : i32
    %mul3A_1 = arith.constant 640 : i32
    %mul3A_2 = arith.muli %arg1, %mul3A_1 : i32
    "tpu.region"() ({
      %run_scoped3A = tpu.sem_alloc : memref<!tpu.dma_semaphore, #tpu.memory_space<semaphore_mem>>
      %dma_start3A_118 = arith.constant 0 : i32
      %dma_start3A_119 = tpu.memref_slice %arg6[%mul3A_2, %dma_start3A_118] : memref<10240x64xf32, #tpu.memory_space<vmem_shared>> -> memref<640x64xf32, #tpu.memory_space<vmem_shared>>
      %dma_start3A_120 = arith.constant 0 : i32
      %dma_start3A_121 = tpu.memref_slice %arg4[%mul3A_2, %dma_start3A_120] : memref<10240x64xf32, #tpu.memory_space<hbm>> -> memref<640x64xf32, #tpu.memory_space<hbm>>
      tpu.enqueue_dma source(%dma_start3A_121 : memref<640x64xf32, #tpu.memory_space<hbm>>) target(%dma_start3A_119 : memref<640x64xf32, #tpu.memory_space<vmem_shared>>) target_semaphore(%run_scoped3A : memref<!tpu.dma_semaphore, #tpu.memory_space<semaphore_mem>>)
      %dma_wait3A_122 = arith.constant 0 : i32
      %dma_wait3A_123 = tpu.memref_slice %arg6[%mul3A_2, %dma_wait3A_122] : memref<10240x64xf32, #tpu.memory_space<vmem_shared>> -> memref<640x64xf32, #tpu.memory_space<vmem_shared>>
      %dma_wait3A_124 = arith.constant 0 : i32
      %dma_wait3A_125 = tpu.memref_slice %arg4[%mul3A_2, %dma_wait3A_124] : memref<10240x64xf32, #tpu.memory_space<hbm>> -> memref<640x64xf32, #tpu.memory_space<hbm>>
      tpu.wait_dma2 semaphore(%run_scoped3A : memref<!tpu.dma_semaphore, #tpu.memory_space<semaphore_mem>>) src(%dma_wait3A_125 : memref<640x64xf32, #tpu.memory_space<hbm>>) dst(%dma_wait3A_123 : memref<640x64xf32, #tpu.memory_space<vmem_shared>>)
      tpu.yield
    }) : () -> ()
    "tpu.region"() ({
      %run_scoped3A = tpu.sem_alloc : memref<!tpu.dma_semaphore, #tpu.memory_space<semaphore_mem>>
      %dma_start3A_118 = arith.constant 0 : i32
      %dma_start3A_119 = arith.constant 0 : i32
      %dma_start3A_120 = tpu.memref_slice %arg2[%add3A, %dma_start3A_118, %dma_start3A_119] : memref<32x80x125xi32, #tpu.memory_space<hbm>> -> memref<1x80x125xi32, #tpu.memory_space<hbm>>
      %dma_start3A_121 = tpu.memref_squeeze %dma_start3A_120 : memref<1x80x125xi32, #tpu.memory_space<hbm>> -> memref<80x125xi32, #tpu.memory_space<hbm>>
      %dma_start3A_122 = arith.constant 0 : i32
      %dma_start3A_123 = arith.constant 0 : i32
      %dma_start3A_124 = tpu.memref_slice %arg2[%add3A, %dma_start3A_122, %dma_start3A_123] : memref<32x80x125xi32, #tpu.memory_space<hbm>> -> memref<1x80x125xi32, #tpu.memory_space<hbm>>
      %dma_start3A_125 = tpu.memref_squeeze %dma_start3A_124 : memref<1x80x125xi32, #tpu.memory_space<hbm>> -> memref<80x125xi32, #tpu.memory_space<hbm>>
      tpu.enqueue_dma source(%dma_start3A_125 : memref<80x125xi32, #tpu.memory_space<hbm>>) target(%arg7 : memref<80x125xi32, #tpu.memory_space<vmem>>) target_semaphore(%run_scoped3A : memref<!tpu.dma_semaphore, #tpu.memory_space<semaphore_mem>>)
      %dma_wait3A_126 = arith.constant 0 : i32
      %dma_wait3A_127 = arith.constant 0 : i32
      %dma_wait3A_128 = tpu.memref_slice %arg2[%add3A, %dma_wait3A_126, %dma_wait3A_127] : memref<32x80x125xi32, #tpu.memory_space<hbm>> -> memref<1x80x125xi32, #tpu.memory_space<hbm>>
      %dma_wait3A_129 = tpu.memref_squeeze %dma_wait3A_128 : memref<1x80x125xi32, #tpu.memory_space<hbm>> -> memref<80x125xi32, #tpu.memory_space<hbm>>
      %dma_wait3A_130 = arith.constant 0 : i32
      %dma_wait3A_131 = arith.constant 0 : i32
      %dma_wait3A_132 = tpu.memref_slice %arg2[%add3A, %dma_wait3A_130, %dma_wait3A_131] : memref<32x80x125xi32, #tpu.memory_space<hbm>> -> memref<1x80x125xi32, #tpu.memory_space<hbm>>
      %dma_wait3A_133 = tpu.memref_squeeze %dma_wait3A_132 : memref<1x80x125xi32, #tpu.memory_space<hbm>> -> memref<80x125xi32, #tpu.memory_space<hbm>>
      tpu.wait_dma2 semaphore(%run_scoped3A : memref<!tpu.dma_semaphore, #tpu.memory_space<semaphore_mem>>) src(%dma_wait3A_133 : memref<80x125xi32, #tpu.memory_space<hbm>>) dst(%arg7 : memref<80x125xi32, #tpu.memory_space<vmem>>)
      tpu.yield
    }) : () -> ()
    "tpu.region"() ({
      %run_scoped3A = tpu.sem_alloc : memref<!tpu.dma_semaphore, #tpu.memory_space<semaphore_mem>>
      %dma_start3A_118 = arith.constant 0 : i32
      %dma_start3A_119 = arith.constant 0 : i32
      %dma_start3A_120 = tpu.memref_slice %arg3[%add3A, %dma_start3A_118, %dma_start3A_119] : memref<32x80x125xi32, #tpu.memory_space<hbm>> -> memref<1x80x125xi32, #tpu.memory_space<hbm>>
      %dma_start3A_121 = tpu.memref_squeeze %dma_start3A_120 : memref<1x80x125xi32, #tpu.memory_space<hbm>> -> memref<80x125xi32, #tpu.memory_space<hbm>>
      %dma_start3A_122 = arith.constant 0 : i32
      %dma_start3A_123 = arith.constant 0 : i32
      %dma_start3A_124 = tpu.memref_slice %arg3[%add3A, %dma_start3A_122, %dma_start3A_123] : memref<32x80x125xi32, #tpu.memory_space<hbm>> -> memref<1x80x125xi32, #tpu.memory_space<hbm>>
      %dma_start3A_125 = tpu.memref_squeeze %dma_start3A_124 : memref<1x80x125xi32, #tpu.memory_space<hbm>> -> memref<80x125xi32, #tpu.memory_space<hbm>>
      tpu.enqueue_dma source(%dma_start3A_125 : memref<80x125xi32, #tpu.memory_space<hbm>>) target(%arg8 : memref<80x125xi32, #tpu.memory_space<vmem>>) target_semaphore(%run_scoped3A : memref<!tpu.dma_semaphore, #tpu.memory_space<semaphore_mem>>)
      %dma_wait3A_126 = arith.constant 0 : i32
      %dma_wait3A_127 = arith.constant 0 : i32
      %dma_wait3A_128 = tpu.memref_slice %arg3[%add3A, %dma_wait3A_126, %dma_wait3A_127] : memref<32x80x125xi32, #tpu.memory_space<hbm>> -> memref<1x80x125xi32, #tpu.memory_space<hbm>>
      %dma_wait3A_129 = tpu.memref_squeeze %dma_wait3A_128 : memref<1x80x125xi32, #tpu.memory_space<hbm>> -> memref<80x125xi32, #tpu.memory_space<hbm>>
      %dma_wait3A_130 = arith.constant 0 : i32
      %dma_wait3A_131 = arith.constant 0 : i32
      %dma_wait3A_132 = tpu.memref_slice %arg3[%add3A, %dma_wait3A_130, %dma_wait3A_131] : memref<32x80x125xi32, #tpu.memory_space<hbm>> -> memref<1x80x125xi32, #tpu.memory_space<hbm>>
      %dma_wait3A_133 = tpu.memref_squeeze %dma_wait3A_132 : memref<1x80x125xi32, #tpu.memory_space<hbm>> -> memref<80x125xi32, #tpu.memory_space<hbm>>
      tpu.wait_dma2 semaphore(%run_scoped3A : memref<!tpu.dma_semaphore, #tpu.memory_space<semaphore_mem>>) src(%dma_wait3A_133 : memref<80x125xi32, #tpu.memory_space<hbm>>) dst(%arg8 : memref<80x125xi32, #tpu.memory_space<vmem>>)
      tpu.yield
    }) : () -> ()
    %barrier3A = arith.constant 0 : index
    tpu.barrier barrier_id(%barrier3A)
    %dma_start3A = arith.constant 0 : i32
    %dma_start3A_3 = arith.constant 0 : i32
    %dma_start3A_4 = tpu.memref_slice %arg7[%dma_start3A, %dma_start3A_3] : memref<80x125xi32, #tpu.memory_space<vmem>> -> memref<1x125xi32, #tpu.memory_space<vmem>>
    %dma_start3A_5 = tpu.memref_squeeze %dma_start3A_4 : memref<1x125xi32, #tpu.memory_space<vmem>> -> memref<125xi32, #tpu.memory_space<vmem>>
    %dma_start3A_6 = arith.constant 0 : i32
    %dma_start3A_7 = arith.constant 0 : i32
    %dma_start3A_8 = tpu.memref_slice %arg4[%dma_start3A_6, %dma_start3A_7] : memref<10240x64xf32, #tpu.memory_space<hbm>> -> memref<10240x64xf32, #tpu.memory_space<hbm>>
    tpu.enqueue_indirect_dma source(%dma_start3A_8 : memref<10240x64xf32, #tpu.memory_space<hbm>>) target(%arg9 : memref<125x64xf32, #tpu.memory_space<vmem>>) offsets(%dma_start3A_5 : memref<125xi32, #tpu.memory_space<vmem>>) semaphore(%arg17 : memref<!tpu.dma_semaphore, #tpu.memory_space<semaphore_mem>>)
    %dma_start3A_9 = arith.constant 1 : i32
    %dma_start3A_10 = arith.constant 0 : i32
    %dma_start3A_11 = tpu.memref_slice %arg7[%dma_start3A_9, %dma_start3A_10] : memref<80x125xi32, #tpu.memory_space<vmem>> -> memref<1x125xi32, #tpu.memory_space<vmem>>
    %dma_start3A_12 = tpu.memref_squeeze %dma_start3A_11 : memref<1x125xi32, #tpu.memory_space<vmem>> -> memref<125xi32, #tpu.memory_space<vmem>>
    %dma_start3A_13 = arith.constant 0 : i32
    %dma_start3A_14 = arith.constant 0 : i32
    %dma_start3A_15 = tpu.memref_slice %arg4[%dma_start3A_13, %dma_start3A_14] : memref<10240x64xf32, #tpu.memory_space<hbm>> -> memref<10240x64xf32, #tpu.memory_space<hbm>>
    tpu.enqueue_indirect_dma source(%dma_start3A_15 : memref<10240x64xf32, #tpu.memory_space<hbm>>) target(%arg10 : memref<125x64xf32, #tpu.memory_space<vmem>>) offsets(%dma_start3A_12 : memref<125xi32, #tpu.memory_space<vmem>>) semaphore(%arg18 : memref<!tpu.dma_semaphore, #tpu.memory_space<semaphore_mem>>)
    %dma_start3A_16 = arith.constant 2 : i32
    %dma_start3A_17 = arith.constant 0 : i32
    %dma_start3A_18 = tpu.memref_slice %arg7[%dma_start3A_16, %dma_start3A_17] : memref<80x125xi32, #tpu.memory_space<vmem>> -> memref<1x125xi32, #tpu.memory_space<vmem>>
    %dma_start3A_19 = tpu.memref_squeeze %dma_start3A_18 : memref<1x125xi32, #tpu.memory_space<vmem>> -> memref<125xi32, #tpu.memory_space<vmem>>
    %dma_start3A_20 = arith.constant 0 : i32
    %dma_start3A_21 = arith.constant 0 : i32
    %dma_start3A_22 = tpu.memref_slice %arg4[%dma_start3A_20, %dma_start3A_21] : memref<10240x64xf32, #tpu.memory_space<hbm>> -> memref<10240x64xf32, #tpu.memory_space<hbm>>
    tpu.enqueue_indirect_dma source(%dma_start3A_22 : memref<10240x64xf32, #tpu.memory_space<hbm>>) target(%arg11 : memref<125x64xf32, #tpu.memory_space<vmem>>) offsets(%dma_start3A_19 : memref<125xi32, #tpu.memory_space<vmem>>) semaphore(%arg19 : memref<!tpu.dma_semaphore, #tpu.memory_space<semaphore_mem>>)
    %dma_start3A_23 = arith.constant 3 : i32
    %dma_start3A_24 = arith.constant 0 : i32
    %dma_start3A_25 = tpu.memref_slice %arg7[%dma_start3A_23, %dma_start3A_24] : memref<80x125xi32, #tpu.memory_space<vmem>> -> memref<1x125xi32, #tpu.memory_space<vmem>>
    %dma_start3A_26 = tpu.memref_squeeze %dma_start3A_25 : memref<1x125xi32, #tpu.memory_space<vmem>> -> memref<125xi32, #tpu.memory_space<vmem>>
    %dma_start3A_27 = arith.constant 0 : i32
    %dma_start3A_28 = arith.constant 0 : i32
    %dma_start3A_29 = tpu.memref_slice %arg4[%dma_start3A_27, %dma_start3A_28] : memref<10240x64xf32, #tpu.memory_space<hbm>> -> memref<10240x64xf32, #tpu.memory_space<hbm>>
    tpu.enqueue_indirect_dma source(%dma_start3A_29 : memref<10240x64xf32, #tpu.memory_space<hbm>>) target(%arg12 : memref<125x64xf32, #tpu.memory_space<vmem>>) offsets(%dma_start3A_26 : memref<125xi32, #tpu.memory_space<vmem>>) semaphore(%arg20 : memref<!tpu.dma_semaphore, #tpu.memory_space<semaphore_mem>>)
    %dma_start3A_30 = arith.constant 4 : i32
    %dma_start3A_31 = arith.constant 0 : i32
    %dma_start3A_32 = tpu.memref_slice %arg7[%dma_start3A_30, %dma_start3A_31] : memref<80x125xi32, #tpu.memory_space<vmem>> -> memref<1x125xi32, #tpu.memory_space<vmem>>
    %dma_start3A_33 = tpu.memref_squeeze %dma_start3A_32 : memref<1x125xi32, #tpu.memory_space<vmem>> -> memref<125xi32, #tpu.memory_space<vmem>>
    %dma_start3A_34 = arith.constant 0 : i32
    %dma_start3A_35 = arith.constant 0 : i32
    %dma_start3A_36 = tpu.memref_slice %arg4[%dma_start3A_34, %dma_start3A_35] : memref<10240x64xf32, #tpu.memory_space<hbm>> -> memref<10240x64xf32, #tpu.memory_space<hbm>>
    tpu.enqueue_indirect_dma source(%dma_start3A_36 : memref<10240x64xf32, #tpu.memory_space<hbm>>) target(%arg13 : memref<125x64xf32, #tpu.memory_space<vmem>>) offsets(%dma_start3A_33 : memref<125xi32, #tpu.memory_space<vmem>>) semaphore(%arg21 : memref<!tpu.dma_semaphore, #tpu.memory_space<semaphore_mem>>)
    %dma_start3A_37 = arith.constant 5 : i32
    %dma_start3A_38 = arith.constant 0 : i32
    %dma_start3A_39 = tpu.memref_slice %arg7[%dma_start3A_37, %dma_start3A_38] : memref<80x125xi32, #tpu.memory_space<vmem>> -> memref<1x125xi32, #tpu.memory_space<vmem>>
    %dma_start3A_40 = tpu.memref_squeeze %dma_start3A_39 : memref<1x125xi32, #tpu.memory_space<vmem>> -> memref<125xi32, #tpu.memory_space<vmem>>
    %dma_start3A_41 = arith.constant 0 : i32
    %dma_start3A_42 = arith.constant 0 : i32
    %dma_start3A_43 = tpu.memref_slice %arg4[%dma_start3A_41, %dma_start3A_42] : memref<10240x64xf32, #tpu.memory_space<hbm>> -> memref<10240x64xf32, #tpu.memory_space<hbm>>
    tpu.enqueue_indirect_dma source(%dma_start3A_43 : memref<10240x64xf32, #tpu.memory_space<hbm>>) target(%arg14 : memref<125x64xf32, #tpu.memory_space<vmem>>) offsets(%dma_start3A_40 : memref<125xi32, #tpu.memory_space<vmem>>) semaphore(%arg22 : memref<!tpu.dma_semaphore, #tpu.memory_space<semaphore_mem>>)
    %dma_start3A_44 = arith.constant 6 : i32
    %dma_start3A_45 = arith.constant 0 : i32
    %dma_start3A_46 = tpu.memref_slice %arg7[%dma_start3A_44, %dma_start3A_45] : memref<80x125xi32, #tpu.memory_space<vmem>> -> memref<1x125xi32, #tpu.memory_space<vmem>>
    %dma_start3A_47 = tpu.memref_squeeze %dma_start3A_46 : memref<1x125xi32, #tpu.memory_space<vmem>> -> memref<125xi32, #tpu.memory_space<vmem>>
    %dma_start3A_48 = arith.constant 0 : i32
    %dma_start3A_49 = arith.constant 0 : i32
    %dma_start3A_50 = tpu.memref_slice %arg4[%dma_start3A_48, %dma_start3A_49] : memref<10240x64xf32, #tpu.memory_space<hbm>> -> memref<10240x64xf32, #tpu.memory_space<hbm>>
    tpu.enqueue_indirect_dma source(%dma_start3A_50 : memref<10240x64xf32, #tpu.memory_space<hbm>>) target(%arg15 : memref<125x64xf32, #tpu.memory_space<vmem>>) offsets(%dma_start3A_47 : memref<125xi32, #tpu.memory_space<vmem>>) semaphore(%arg23 : memref<!tpu.dma_semaphore, #tpu.memory_space<semaphore_mem>>)
    %dma_start3A_51 = arith.constant 7 : i32
    %dma_start3A_52 = arith.constant 0 : i32
    %dma_start3A_53 = tpu.memref_slice %arg7[%dma_start3A_51, %dma_start3A_52] : memref<80x125xi32, #tpu.memory_space<vmem>> -> memref<1x125xi32, #tpu.memory_space<vmem>>
    %dma_start3A_54 = tpu.memref_squeeze %dma_start3A_53 : memref<1x125xi32, #tpu.memory_space<vmem>> -> memref<125xi32, #tpu.memory_space<vmem>>
    %dma_start3A_55 = arith.constant 0 : i32
    %dma_start3A_56 = arith.constant 0 : i32
    %dma_start3A_57 = tpu.memref_slice %arg4[%dma_start3A_55, %dma_start3A_56] : memref<10240x64xf32, #tpu.memory_space<hbm>> -> memref<10240x64xf32, #tpu.memory_space<hbm>>
    tpu.enqueue_indirect_dma source(%dma_start3A_57 : memref<10240x64xf32, #tpu.memory_space<hbm>>) target(%arg16 : memref<125x64xf32, #tpu.memory_space<vmem>>) offsets(%dma_start3A_54 : memref<125xi32, #tpu.memory_space<vmem>>) semaphore(%arg24 : memref<!tpu.dma_semaphore, #tpu.memory_space<semaphore_mem>>)
    %scan3A = arith.constant 0 : i32
    %scan3A_58 = arith.constant 10 : i32
    %scan3A_59 = arith.addi %scan3A, %scan3A_58 : i32
    %scan3A_60 = arith.constant 1 : i32
    scf.for %scan3A_118 = %scan3A to %scan3A_59 step %scan3A_60  : i32 {
      %mul3A_119 = arith.constant 8 : i32
      %mul3A_120 = arith.muli %scan3A_118, %mul3A_119 : i32
      %add3A_121 = arith.constant 0 : i32
      %add3A_122 = arith.addi %mul3A_120, %add3A_121 : i32
      %dma_wait3A_123 = arith.constant 0 : i32
      %dma_wait3A_124 = tpu.memref_slice %arg7[%add3A_122, %dma_wait3A_123] : memref<80x125xi32, #tpu.memory_space<vmem>> -> memref<1x125xi32, #tpu.memory_space<vmem>>
      %dma_wait3A_125 = tpu.memref_squeeze %dma_wait3A_124 : memref<1x125xi32, #tpu.memory_space<vmem>> -> memref<125xi32, #tpu.memory_space<vmem>>
      %dma_wait3A_126 = arith.constant 0 : i32
      %dma_wait3A_127 = arith.constant 0 : i32
      %dma_wait3A_128 = tpu.memref_slice %arg4[%dma_wait3A_126, %dma_wait3A_127] : memref<10240x64xf32, #tpu.memory_space<hbm>> -> memref<10240x64xf32, #tpu.memory_space<hbm>>
      tpu.wait_indirect_dma semaphore(%arg17 : memref<!tpu.dma_semaphore, #tpu.memory_space<semaphore_mem>>) src(%dma_wait3A_128 : memref<10240x64xf32, #tpu.memory_space<hbm>>) dst(%arg9 : memref<125x64xf32, #tpu.memory_space<vmem>>)
      %dma_start3A_129 = arith.constant 0 : i32
      %dma_start3A_130 = tpu.memref_slice %arg8[%add3A_122, %dma_start3A_129] : memref<80x125xi32, #tpu.memory_space<vmem>> -> memref<1x125xi32, #tpu.memory_space<vmem>>
      %dma_start3A_131 = tpu.memref_squeeze %dma_start3A_130 : memref<1x125xi32, #tpu.memory_space<vmem>> -> memref<125xi32, #tpu.memory_space<vmem>>
      %dma_start3A_132 = arith.constant 0 : i32
      %dma_start3A_133 = arith.constant 0 : i32
      %dma_start3A_134 = tpu.memref_slice %arg6[%dma_start3A_132, %dma_start3A_133] : memref<10240x64xf32, #tpu.memory_space<vmem_shared>> -> memref<10240x64xf32, #tpu.memory_space<vmem_shared>>
      tpu.enqueue_indirect_dma source(%arg9 : memref<125x64xf32, #tpu.memory_space<vmem>>) target(%dma_start3A_134 : memref<10240x64xf32, #tpu.memory_space<vmem_shared>>) offsets(%dma_start3A_131 : memref<125xi32, #tpu.memory_space<vmem>>) semaphore(%arg25 : memref<!tpu.dma_semaphore, #tpu.memory_space<semaphore_mem>>) {add = true}
      %add3A_135 = arith.constant 8 : i32
      %add3A_136 = arith.addi %add3A_122, %add3A_135 : i32
      %lt3A = arith.constant 80 : i32
      %lt3A_137 = arith.cmpi slt, %add3A_136, %lt3A : i32
      %convert_element_type3A = arith.extui %lt3A_137 : i1 to i32
      %cond3A = arith.constant 0 : i32
      %cond3A_138 = arith.cmpi ne, %convert_element_type3A, %cond3A : i32
      scf.if %cond3A_138 {
        %dma_wait3A_286 = arith.constant 0 : i32
        %dma_wait3A_287 = tpu.memref_slice %arg8[%add3A_122, %dma_wait3A_286] : memref<80x125xi32, #tpu.memory_space<vmem>> -> memref<1x125xi32, #tpu.memory_space<vmem>>
        %dma_wait3A_288 = tpu.memref_squeeze %dma_wait3A_287 : memref<1x125xi32, #tpu.memory_space<vmem>> -> memref<125xi32, #tpu.memory_space<vmem>>
        %dma_wait3A_289 = arith.constant 0 : i32
        %dma_wait3A_290 = arith.constant 0 : i32
        %dma_wait3A_291 = tpu.memref_slice %arg6[%dma_wait3A_289, %dma_wait3A_290] : memref<10240x64xf32, #tpu.memory_space<vmem_shared>> -> memref<10240x64xf32, #tpu.memory_space<vmem_shared>>
        tpu.wait_indirect_dma semaphore(%arg25 : memref<!tpu.dma_semaphore, #tpu.memory_space<semaphore_mem>>) src(%arg9 : memref<125x64xf32, #tpu.memory_space<vmem>>) dst(%dma_wait3A_291 : memref<10240x64xf32, #tpu.memory_space<vmem_shared>>)
        %add3A_292 = arith.constant 8 : i32
        %add3A_293 = arith.addi %add3A_122, %add3A_292 : i32
        %dma_start3A_294 = arith.constant 0 : i32
        %dma_start3A_295 = tpu.memref_slice %arg7[%add3A_293, %dma_start3A_294] : memref<80x125xi32, #tpu.memory_space<vmem>> -> memref<1x125xi32, #tpu.memory_space<vmem>>
        %dma_start3A_296 = tpu.memref_squeeze %dma_start3A_295 : memref<1x125xi32, #tpu.memory_space<vmem>> -> memref<125xi32, #tpu.memory_space<vmem>>
        %dma_start3A_297 = arith.constant 0 : i32
        %dma_start3A_298 = arith.constant 0 : i32
        %dma_start3A_299 = tpu.memref_slice %arg4[%dma_start3A_297, %dma_start3A_298] : memref<10240x64xf32, #tpu.memory_space<hbm>> -> memref<10240x64xf32, #tpu.memory_space<hbm>>
        tpu.enqueue_indirect_dma source(%dma_start3A_299 : memref<10240x64xf32, #tpu.memory_space<hbm>>) target(%arg9 : memref<125x64xf32, #tpu.memory_space<vmem>>) offsets(%dma_start3A_296 : memref<125xi32, #tpu.memory_space<vmem>>) semaphore(%arg17 : memref<!tpu.dma_semaphore, #tpu.memory_space<semaphore_mem>>)
      } else {
      }
      %add3A_139 = arith.constant 1 : i32
      %add3A_140 = arith.addi %mul3A_120, %add3A_139 : i32
      %dma_wait3A_141 = arith.constant 0 : i32
      %dma_wait3A_142 = tpu.memref_slice %arg7[%add3A_140, %dma_wait3A_141] : memref<80x125xi32, #tpu.memory_space<vmem>> -> memref<1x125xi32, #tpu.memory_space<vmem>>
      %dma_wait3A_143 = tpu.memref_squeeze %dma_wait3A_142 : memref<1x125xi32, #tpu.memory_space<vmem>> -> memref<125xi32, #tpu.memory_space<vmem>>
      %dma_wait3A_144 = arith.constant 0 : i32
      %dma_wait3A_145 = arith.constant 0 : i32
      %dma_wait3A_146 = tpu.memref_slice %arg4[%dma_wait3A_144, %dma_wait3A_145] : memref<10240x64xf32, #tpu.memory_space<hbm>> -> memref<10240x64xf32, #tpu.memory_space<hbm>>
      tpu.wait_indirect_dma semaphore(%arg18 : memref<!tpu.dma_semaphore, #tpu.memory_space<semaphore_mem>>) src(%dma_wait3A_146 : memref<10240x64xf32, #tpu.memory_space<hbm>>) dst(%arg10 : memref<125x64xf32, #tpu.memory_space<vmem>>)
      %dma_start3A_147 = arith.constant 0 : i32
      %dma_start3A_148 = tpu.memref_slice %arg8[%add3A_140, %dma_start3A_147] : memref<80x125xi32, #tpu.memory_space<vmem>> -> memref<1x125xi32, #tpu.memory_space<vmem>>
      %dma_start3A_149 = tpu.memref_squeeze %dma_start3A_148 : memref<1x125xi32, #tpu.memory_space<vmem>> -> memref<125xi32, #tpu.memory_space<vmem>>
      %dma_start3A_150 = arith.constant 0 : i32
      %dma_start3A_151 = arith.constant 0 : i32
      %dma_start3A_152 = tpu.memref_slice %arg6[%dma_start3A_150, %dma_start3A_151] : memref<10240x64xf32, #tpu.memory_space<vmem_shared>> -> memref<10240x64xf32, #tpu.memory_space<vmem_shared>>
      tpu.enqueue_indirect_dma source(%arg10 : memref<125x64xf32, #tpu.memory_space<vmem>>) target(%dma_start3A_152 : memref<10240x64xf32, #tpu.memory_space<vmem_shared>>) offsets(%dma_start3A_149 : memref<125xi32, #tpu.memory_space<vmem>>) semaphore(%arg26 : memref<!tpu.dma_semaphore, #tpu.memory_space<semaphore_mem>>) {add = true}
      %add3A_153 = arith.constant 8 : i32
      %add3A_154 = arith.addi %add3A_140, %add3A_153 : i32
      %lt3A_155 = arith.constant 80 : i32
      %lt3A_156 = arith.cmpi slt, %add3A_154, %lt3A_155 : i32
      %convert_element_type3A_157 = arith.extui %lt3A_156 : i1 to i32
      %cond3A_158 = arith.constant 0 : i32
      %cond3A_159 = arith.cmpi ne, %convert_element_type3A_157, %cond3A_158 : i32
      scf.if %cond3A_159 {
        %dma_wait3A_286 = arith.constant 0 : i32
        %dma_wait3A_287 = tpu.memref_slice %arg8[%add3A_140, %dma_wait3A_286] : memref<80x125xi32, #tpu.memory_space<vmem>> -> memref<1x125xi32, #tpu.memory_space<vmem>>
        %dma_wait3A_288 = tpu.memref_squeeze %dma_wait3A_287 : memref<1x125xi32, #tpu.memory_space<vmem>> -> memref<125xi32, #tpu.memory_space<vmem>>
        %dma_wait3A_289 = arith.constant 0 : i32
        %dma_wait3A_290 = arith.constant 0 : i32
        %dma_wait3A_291 = tpu.memref_slice %arg6[%dma_wait3A_289, %dma_wait3A_290] : memref<10240x64xf32, #tpu.memory_space<vmem_shared>> -> memref<10240x64xf32, #tpu.memory_space<vmem_shared>>
        tpu.wait_indirect_dma semaphore(%arg26 : memref<!tpu.dma_semaphore, #tpu.memory_space<semaphore_mem>>) src(%arg10 : memref<125x64xf32, #tpu.memory_space<vmem>>) dst(%dma_wait3A_291 : memref<10240x64xf32, #tpu.memory_space<vmem_shared>>)
        %add3A_292 = arith.constant 8 : i32
        %add3A_293 = arith.addi %add3A_140, %add3A_292 : i32
        %dma_start3A_294 = arith.constant 0 : i32
        %dma_start3A_295 = tpu.memref_slice %arg7[%add3A_293, %dma_start3A_294] : memref<80x125xi32, #tpu.memory_space<vmem>> -> memref<1x125xi32, #tpu.memory_space<vmem>>
        %dma_start3A_296 = tpu.memref_squeeze %dma_start3A_295 : memref<1x125xi32, #tpu.memory_space<vmem>> -> memref<125xi32, #tpu.memory_space<vmem>>
        %dma_start3A_297 = arith.constant 0 : i32
        %dma_start3A_298 = arith.constant 0 : i32
        %dma_start3A_299 = tpu.memref_slice %arg4[%dma_start3A_297, %dma_start3A_298] : memref<10240x64xf32, #tpu.memory_space<hbm>> -> memref<10240x64xf32, #tpu.memory_space<hbm>>
        tpu.enqueue_indirect_dma source(%dma_start3A_299 : memref<10240x64xf32, #tpu.memory_space<hbm>>) target(%arg10 : memref<125x64xf32, #tpu.memory_space<vmem>>) offsets(%dma_start3A_296 : memref<125xi32, #tpu.memory_space<vmem>>) semaphore(%arg18 : memref<!tpu.dma_semaphore, #tpu.memory_space<semaphore_mem>>)
      } else {
      }
      %add3A_160 = arith.constant 2 : i32
      %add3A_161 = arith.addi %mul3A_120, %add3A_160 : i32
      %dma_wait3A_162 = arith.constant 0 : i32
      %dma_wait3A_163 = tpu.memref_slice %arg7[%add3A_161, %dma_wait3A_162] : memref<80x125xi32, #tpu.memory_space<vmem>> -> memref<1x125xi32, #tpu.memory_space<vmem>>
      %dma_wait3A_164 = tpu.memref_squeeze %dma_wait3A_163 : memref<1x125xi32, #tpu.memory_space<vmem>> -> memref<125xi32, #tpu.memory_space<vmem>>
      %dma_wait3A_165 = arith.constant 0 : i32
      %dma_wait3A_166 = arith.constant 0 : i32
      %dma_wait3A_167 = tpu.memref_slice %arg4[%dma_wait3A_165, %dma_wait3A_166] : memref<10240x64xf32, #tpu.memory_space<hbm>> -> memref<10240x64xf32, #tpu.memory_space<hbm>>
      tpu.wait_indirect_dma semaphore(%arg19 : memref<!tpu.dma_semaphore, #tpu.memory_space<semaphore_mem>>) src(%dma_wait3A_167 : memref<10240x64xf32, #tpu.memory_space<hbm>>) dst(%arg11 : memref<125x64xf32, #tpu.memory_space<vmem>>)
      %dma_start3A_168 = arith.constant 0 : i32
      %dma_start3A_169 = tpu.memref_slice %arg8[%add3A_161, %dma_start3A_168] : memref<80x125xi32, #tpu.memory_space<vmem>> -> memref<1x125xi32, #tpu.memory_space<vmem>>
      %dma_start3A_170 = tpu.memref_squeeze %dma_start3A_169 : memref<1x125xi32, #tpu.memory_space<vmem>> -> memref<125xi32, #tpu.memory_space<vmem>>
      %dma_start3A_171 = arith.constant 0 : i32
      %dma_start3A_172 = arith.constant 0 : i32
      %dma_start3A_173 = tpu.memref_slice %arg6[%dma_start3A_171, %dma_start3A_172] : memref<10240x64xf32, #tpu.memory_space<vmem_shared>> -> memref<10240x64xf32, #tpu.memory_space<vmem_shared>>
      tpu.enqueue_indirect_dma source(%arg11 : memref<125x64xf32, #tpu.memory_space<vmem>>) target(%dma_start3A_173 : memref<10240x64xf32, #tpu.memory_space<vmem_shared>>) offsets(%dma_start3A_170 : memref<125xi32, #tpu.memory_space<vmem>>) semaphore(%arg27 : memref<!tpu.dma_semaphore, #tpu.memory_space<semaphore_mem>>) {add = true}
      %add3A_174 = arith.constant 8 : i32
      %add3A_175 = arith.addi %add3A_161, %add3A_174 : i32
      %lt3A_176 = arith.constant 80 : i32
      %lt3A_177 = arith.cmpi slt, %add3A_175, %lt3A_176 : i32
      %convert_element_type3A_178 = arith.extui %lt3A_177 : i1 to i32
      %cond3A_179 = arith.constant 0 : i32
      %cond3A_180 = arith.cmpi ne, %convert_element_type3A_178, %cond3A_179 : i32
      scf.if %cond3A_180 {
        %dma_wait3A_286 = arith.constant 0 : i32
        %dma_wait3A_287 = tpu.memref_slice %arg8[%add3A_161, %dma_wait3A_286] : memref<80x125xi32, #tpu.memory_space<vmem>> -> memref<1x125xi32, #tpu.memory_space<vmem>>
        %dma_wait3A_288 = tpu.memref_squeeze %dma_wait3A_287 : memref<1x125xi32, #tpu.memory_space<vmem>> -> memref<125xi32, #tpu.memory_space<vmem>>
        %dma_wait3A_289 = arith.constant 0 : i32
        %dma_wait3A_290 = arith.constant 0 : i32
        %dma_wait3A_291 = tpu.memref_slice %arg6[%dma_wait3A_289, %dma_wait3A_290] : memref<10240x64xf32, #tpu.memory_space<vmem_shared>> -> memref<10240x64xf32, #tpu.memory_space<vmem_shared>>
        tpu.wait_indirect_dma semaphore(%arg27 : memref<!tpu.dma_semaphore, #tpu.memory_space<semaphore_mem>>) src(%arg11 : memref<125x64xf32, #tpu.memory_space<vmem>>) dst(%dma_wait3A_291 : memref<10240x64xf32, #tpu.memory_space<vmem_shared>>)
        %add3A_292 = arith.constant 8 : i32
        %add3A_293 = arith.addi %add3A_161, %add3A_292 : i32
        %dma_start3A_294 = arith.constant 0 : i32
        %dma_start3A_295 = tpu.memref_slice %arg7[%add3A_293, %dma_start3A_294] : memref<80x125xi32, #tpu.memory_space<vmem>> -> memref<1x125xi32, #tpu.memory_space<vmem>>
        %dma_start3A_296 = tpu.memref_squeeze %dma_start3A_295 : memref<1x125xi32, #tpu.memory_space<vmem>> -> memref<125xi32, #tpu.memory_space<vmem>>
        %dma_start3A_297 = arith.constant 0 : i32
        %dma_start3A_298 = arith.constant 0 : i32
        %dma_start3A_299 = tpu.memref_slice %arg4[%dma_start3A_297, %dma_start3A_298] : memref<10240x64xf32, #tpu.memory_space<hbm>> -> memref<10240x64xf32, #tpu.memory_space<hbm>>
        tpu.enqueue_indirect_dma source(%dma_start3A_299 : memref<10240x64xf32, #tpu.memory_space<hbm>>) target(%arg11 : memref<125x64xf32, #tpu.memory_space<vmem>>) offsets(%dma_start3A_296 : memref<125xi32, #tpu.memory_space<vmem>>) semaphore(%arg19 : memref<!tpu.dma_semaphore, #tpu.memory_space<semaphore_mem>>)
      } else {
      }
      %add3A_181 = arith.constant 3 : i32
      %add3A_182 = arith.addi %mul3A_120, %add3A_181 : i32
      %dma_wait3A_183 = arith.constant 0 : i32
      %dma_wait3A_184 = tpu.memref_slice %arg7[%add3A_182, %dma_wait3A_183] : memref<80x125xi32, #tpu.memory_space<vmem>> -> memref<1x125xi32, #tpu.memory_space<vmem>>
      %dma_wait3A_185 = tpu.memref_squeeze %dma_wait3A_184 : memref<1x125xi32, #tpu.memory_space<vmem>> -> memref<125xi32, #tpu.memory_space<vmem>>
      %dma_wait3A_186 = arith.constant 0 : i32
      %dma_wait3A_187 = arith.constant 0 : i32
      %dma_wait3A_188 = tpu.memref_slice %arg4[%dma_wait3A_186, %dma_wait3A_187] : memref<10240x64xf32, #tpu.memory_space<hbm>> -> memref<10240x64xf32, #tpu.memory_space<hbm>>
      tpu.wait_indirect_dma semaphore(%arg20 : memref<!tpu.dma_semaphore, #tpu.memory_space<semaphore_mem>>) src(%dma_wait3A_188 : memref<10240x64xf32, #tpu.memory_space<hbm>>) dst(%arg12 : memref<125x64xf32, #tpu.memory_space<vmem>>)
      %dma_start3A_189 = arith.constant 0 : i32
      %dma_start3A_190 = tpu.memref_slice %arg8[%add3A_182, %dma_start3A_189] : memref<80x125xi32, #tpu.memory_space<vmem>> -> memref<1x125xi32, #tpu.memory_space<vmem>>
      %dma_start3A_191 = tpu.memref_squeeze %dma_start3A_190 : memref<1x125xi32, #tpu.memory_space<vmem>> -> memref<125xi32, #tpu.memory_space<vmem>>
      %dma_start3A_192 = arith.constant 0 : i32
      %dma_start3A_193 = arith.constant 0 : i32
      %dma_start3A_194 = tpu.memref_slice %arg6[%dma_start3A_192, %dma_start3A_193] : memref<10240x64xf32, #tpu.memory_space<vmem_shared>> -> memref<10240x64xf32, #tpu.memory_space<vmem_shared>>
      tpu.enqueue_indirect_dma source(%arg12 : memref<125x64xf32, #tpu.memory_space<vmem>>) target(%dma_start3A_194 : memref<10240x64xf32, #tpu.memory_space<vmem_shared>>) offsets(%dma_start3A_191 : memref<125xi32, #tpu.memory_space<vmem>>) semaphore(%arg28 : memref<!tpu.dma_semaphore, #tpu.memory_space<semaphore_mem>>) {add = true}
      %add3A_195 = arith.constant 8 : i32
      %add3A_196 = arith.addi %add3A_182, %add3A_195 : i32
      %lt3A_197 = arith.constant 80 : i32
      %lt3A_198 = arith.cmpi slt, %add3A_196, %lt3A_197 : i32
      %convert_element_type3A_199 = arith.extui %lt3A_198 : i1 to i32
      %cond3A_200 = arith.constant 0 : i32
      %cond3A_201 = arith.cmpi ne, %convert_element_type3A_199, %cond3A_200 : i32
      scf.if %cond3A_201 {
        %dma_wait3A_286 = arith.constant 0 : i32
        %dma_wait3A_287 = tpu.memref_slice %arg8[%add3A_182, %dma_wait3A_286] : memref<80x125xi32, #tpu.memory_space<vmem>> -> memref<1x125xi32, #tpu.memory_space<vmem>>
        %dma_wait3A_288 = tpu.memref_squeeze %dma_wait3A_287 : memref<1x125xi32, #tpu.memory_space<vmem>> -> memref<125xi32, #tpu.memory_space<vmem>>
        %dma_wait3A_289 = arith.constant 0 : i32
        %dma_wait3A_290 = arith.constant 0 : i32
        %dma_wait3A_291 = tpu.memref_slice %arg6[%dma_wait3A_289, %dma_wait3A_290] : memref<10240x64xf32, #tpu.memory_space<vmem_shared>> -> memref<10240x64xf32, #tpu.memory_space<vmem_shared>>
        tpu.wait_indirect_dma semaphore(%arg28 : memref<!tpu.dma_semaphore, #tpu.memory_space<semaphore_mem>>) src(%arg12 : memref<125x64xf32, #tpu.memory_space<vmem>>) dst(%dma_wait3A_291 : memref<10240x64xf32, #tpu.memory_space<vmem_shared>>)
        %add3A_292 = arith.constant 8 : i32
        %add3A_293 = arith.addi %add3A_182, %add3A_292 : i32
        %dma_start3A_294 = arith.constant 0 : i32
        %dma_start3A_295 = tpu.memref_slice %arg7[%add3A_293, %dma_start3A_294] : memref<80x125xi32, #tpu.memory_space<vmem>> -> memref<1x125xi32, #tpu.memory_space<vmem>>
        %dma_start3A_296 = tpu.memref_squeeze %dma_start3A_295 : memref<1x125xi32, #tpu.memory_space<vmem>> -> memref<125xi32, #tpu.memory_space<vmem>>
        %dma_start3A_297 = arith.constant 0 : i32
        %dma_start3A_298 = arith.constant 0 : i32
        %dma_start3A_299 = tpu.memref_slice %arg4[%dma_start3A_297, %dma_start3A_298] : memref<10240x64xf32, #tpu.memory_space<hbm>> -> memref<10240x64xf32, #tpu.memory_space<hbm>>
        tpu.enqueue_indirect_dma source(%dma_start3A_299 : memref<10240x64xf32, #tpu.memory_space<hbm>>) target(%arg12 : memref<125x64xf32, #tpu.memory_space<vmem>>) offsets(%dma_start3A_296 : memref<125xi32, #tpu.memory_space<vmem>>) semaphore(%arg20 : memref<!tpu.dma_semaphore, #tpu.memory_space<semaphore_mem>>)
      } else {
      }
      %add3A_202 = arith.constant 4 : i32
      %add3A_203 = arith.addi %mul3A_120, %add3A_202 : i32
      %dma_wait3A_204 = arith.constant 0 : i32
      %dma_wait3A_205 = tpu.memref_slice %arg7[%add3A_203, %dma_wait3A_204] : memref<80x125xi32, #tpu.memory_space<vmem>> -> memref<1x125xi32, #tpu.memory_space<vmem>>
      %dma_wait3A_206 = tpu.memref_squeeze %dma_wait3A_205 : memref<1x125xi32, #tpu.memory_space<vmem>> -> memref<125xi32, #tpu.memory_space<vmem>>
      %dma_wait3A_207 = arith.constant 0 : i32
      %dma_wait3A_208 = arith.constant 0 : i32
      %dma_wait3A_209 = tpu.memref_slice %arg4[%dma_wait3A_207, %dma_wait3A_208] : memref<10240x64xf32, #tpu.memory_space<hbm>> -> memref<10240x64xf32, #tpu.memory_space<hbm>>
      tpu.wait_indirect_dma semaphore(%arg21 : memref<!tpu.dma_semaphore, #tpu.memory_space<semaphore_mem>>) src(%dma_wait3A_209 : memref<10240x64xf32, #tpu.memory_space<hbm>>) dst(%arg13 : memref<125x64xf32, #tpu.memory_space<vmem>>)
      %dma_start3A_210 = arith.constant 0 : i32
      %dma_start3A_211 = tpu.memref_slice %arg8[%add3A_203, %dma_start3A_210] : memref<80x125xi32, #tpu.memory_space<vmem>> -> memref<1x125xi32, #tpu.memory_space<vmem>>
      %dma_start3A_212 = tpu.memref_squeeze %dma_start3A_211 : memref<1x125xi32, #tpu.memory_space<vmem>> -> memref<125xi32, #tpu.memory_space<vmem>>
      %dma_start3A_213 = arith.constant 0 : i32
      %dma_start3A_214 = arith.constant 0 : i32
      %dma_start3A_215 = tpu.memref_slice %arg6[%dma_start3A_213, %dma_start3A_214] : memref<10240x64xf32, #tpu.memory_space<vmem_shared>> -> memref<10240x64xf32, #tpu.memory_space<vmem_shared>>
      tpu.enqueue_indirect_dma source(%arg13 : memref<125x64xf32, #tpu.memory_space<vmem>>) target(%dma_start3A_215 : memref<10240x64xf32, #tpu.memory_space<vmem_shared>>) offsets(%dma_start3A_212 : memref<125xi32, #tpu.memory_space<vmem>>) semaphore(%arg29 : memref<!tpu.dma_semaphore, #tpu.memory_space<semaphore_mem>>) {add = true}
      %add3A_216 = arith.constant 8 : i32
      %add3A_217 = arith.addi %add3A_203, %add3A_216 : i32
      %lt3A_218 = arith.constant 80 : i32
      %lt3A_219 = arith.cmpi slt, %add3A_217, %lt3A_218 : i32
      %convert_element_type3A_220 = arith.extui %lt3A_219 : i1 to i32
      %cond3A_221 = arith.constant 0 : i32
      %cond3A_222 = arith.cmpi ne, %convert_element_type3A_220, %cond3A_221 : i32
      scf.if %cond3A_222 {
        %dma_wait3A_286 = arith.constant 0 : i32
        %dma_wait3A_287 = tpu.memref_slice %arg8[%add3A_203, %dma_wait3A_286] : memref<80x125xi32, #tpu.memory_space<vmem>> -> memref<1x125xi32, #tpu.memory_space<vmem>>
        %dma_wait3A_288 = tpu.memref_squeeze %dma_wait3A_287 : memref<1x125xi32, #tpu.memory_space<vmem>> -> memref<125xi32, #tpu.memory_space<vmem>>
        %dma_wait3A_289 = arith.constant 0 : i32
        %dma_wait3A_290 = arith.constant 0 : i32
        %dma_wait3A_291 = tpu.memref_slice %arg6[%dma_wait3A_289, %dma_wait3A_290] : memref<10240x64xf32, #tpu.memory_space<vmem_shared>> -> memref<10240x64xf32, #tpu.memory_space<vmem_shared>>
        tpu.wait_indirect_dma semaphore(%arg29 : memref<!tpu.dma_semaphore, #tpu.memory_space<semaphore_mem>>) src(%arg13 : memref<125x64xf32, #tpu.memory_space<vmem>>) dst(%dma_wait3A_291 : memref<10240x64xf32, #tpu.memory_space<vmem_shared>>)
        %add3A_292 = arith.constant 8 : i32
        %add3A_293 = arith.addi %add3A_203, %add3A_292 : i32
        %dma_start3A_294 = arith.constant 0 : i32
        %dma_start3A_295 = tpu.memref_slice %arg7[%add3A_293, %dma_start3A_294] : memref<80x125xi32, #tpu.memory_space<vmem>> -> memref<1x125xi32, #tpu.memory_space<vmem>>
        %dma_start3A_296 = tpu.memref_squeeze %dma_start3A_295 : memref<1x125xi32, #tpu.memory_space<vmem>> -> memref<125xi32, #tpu.memory_space<vmem>>
        %dma_start3A_297 = arith.constant 0 : i32
        %dma_start3A_298 = arith.constant 0 : i32
        %dma_start3A_299 = tpu.memref_slice %arg4[%dma_start3A_297, %dma_start3A_298] : memref<10240x64xf32, #tpu.memory_space<hbm>> -> memref<10240x64xf32, #tpu.memory_space<hbm>>
        tpu.enqueue_indirect_dma source(%dma_start3A_299 : memref<10240x64xf32, #tpu.memory_space<hbm>>) target(%arg13 : memref<125x64xf32, #tpu.memory_space<vmem>>) offsets(%dma_start3A_296 : memref<125xi32, #tpu.memory_space<vmem>>) semaphore(%arg21 : memref<!tpu.dma_semaphore, #tpu.memory_space<semaphore_mem>>)
      } else {
      }
      %add3A_223 = arith.constant 5 : i32
      %add3A_224 = arith.addi %mul3A_120, %add3A_223 : i32
      %dma_wait3A_225 = arith.constant 0 : i32
      %dma_wait3A_226 = tpu.memref_slice %arg7[%add3A_224, %dma_wait3A_225] : memref<80x125xi32, #tpu.memory_space<vmem>> -> memref<1x125xi32, #tpu.memory_space<vmem>>
      %dma_wait3A_227 = tpu.memref_squeeze %dma_wait3A_226 : memref<1x125xi32, #tpu.memory_space<vmem>> -> memref<125xi32, #tpu.memory_space<vmem>>
      %dma_wait3A_228 = arith.constant 0 : i32
      %dma_wait3A_229 = arith.constant 0 : i32
      %dma_wait3A_230 = tpu.memref_slice %arg4[%dma_wait3A_228, %dma_wait3A_229] : memref<10240x64xf32, #tpu.memory_space<hbm>> -> memref<10240x64xf32, #tpu.memory_space<hbm>>
      tpu.wait_indirect_dma semaphore(%arg22 : memref<!tpu.dma_semaphore, #tpu.memory_space<semaphore_mem>>) src(%dma_wait3A_230 : memref<10240x64xf32, #tpu.memory_space<hbm>>) dst(%arg14 : memref<125x64xf32, #tpu.memory_space<vmem>>)
      %dma_start3A_231 = arith.constant 0 : i32
      %dma_start3A_232 = tpu.memref_slice %arg8[%add3A_224, %dma_start3A_231] : memref<80x125xi32, #tpu.memory_space<vmem>> -> memref<1x125xi32, #tpu.memory_space<vmem>>
      %dma_start3A_233 = tpu.memref_squeeze %dma_start3A_232 : memref<1x125xi32, #tpu.memory_space<vmem>> -> memref<125xi32, #tpu.memory_space<vmem>>
      %dma_start3A_234 = arith.constant 0 : i32
      %dma_start3A_235 = arith.constant 0 : i32
      %dma_start3A_236 = tpu.memref_slice %arg6[%dma_start3A_234, %dma_start3A_235] : memref<10240x64xf32, #tpu.memory_space<vmem_shared>> -> memref<10240x64xf32, #tpu.memory_space<vmem_shared>>
      tpu.enqueue_indirect_dma source(%arg14 : memref<125x64xf32, #tpu.memory_space<vmem>>) target(%dma_start3A_236 : memref<10240x64xf32, #tpu.memory_space<vmem_shared>>) offsets(%dma_start3A_233 : memref<125xi32, #tpu.memory_space<vmem>>) semaphore(%arg30 : memref<!tpu.dma_semaphore, #tpu.memory_space<semaphore_mem>>) {add = true}
      %add3A_237 = arith.constant 8 : i32
      %add3A_238 = arith.addi %add3A_224, %add3A_237 : i32
      %lt3A_239 = arith.constant 80 : i32
      %lt3A_240 = arith.cmpi slt, %add3A_238, %lt3A_239 : i32
      %convert_element_type3A_241 = arith.extui %lt3A_240 : i1 to i32
      %cond3A_242 = arith.constant 0 : i32
      %cond3A_243 = arith.cmpi ne, %convert_element_type3A_241, %cond3A_242 : i32
      scf.if %cond3A_243 {
        %dma_wait3A_286 = arith.constant 0 : i32
        %dma_wait3A_287 = tpu.memref_slice %arg8[%add3A_224, %dma_wait3A_286] : memref<80x125xi32, #tpu.memory_space<vmem>> -> memref<1x125xi32, #tpu.memory_space<vmem>>
        %dma_wait3A_288 = tpu.memref_squeeze %dma_wait3A_287 : memref<1x125xi32, #tpu.memory_space<vmem>> -> memref<125xi32, #tpu.memory_space<vmem>>
        %dma_wait3A_289 = arith.constant 0 : i32
        %dma_wait3A_290 = arith.constant 0 : i32
        %dma_wait3A_291 = tpu.memref_slice %arg6[%dma_wait3A_289, %dma_wait3A_290] : memref<10240x64xf32, #tpu.memory_space<vmem_shared>> -> memref<10240x64xf32, #tpu.memory_space<vmem_shared>>
        tpu.wait_indirect_dma semaphore(%arg30 : memref<!tpu.dma_semaphore, #tpu.memory_space<semaphore_mem>>) src(%arg14 : memref<125x64xf32, #tpu.memory_space<vmem>>) dst(%dma_wait3A_291 : memref<10240x64xf32, #tpu.memory_space<vmem_shared>>)
        %add3A_292 = arith.constant 8 : i32
        %add3A_293 = arith.addi %add3A_224, %add3A_292 : i32
        %dma_start3A_294 = arith.constant 0 : i32
        %dma_start3A_295 = tpu.memref_slice %arg7[%add3A_293, %dma_start3A_294] : memref<80x125xi32, #tpu.memory_space<vmem>> -> memref<1x125xi32, #tpu.memory_space<vmem>>
        %dma_start3A_296 = tpu.memref_squeeze %dma_start3A_295 : memref<1x125xi32, #tpu.memory_space<vmem>> -> memref<125xi32, #tpu.memory_space<vmem>>
        %dma_start3A_297 = arith.constant 0 : i32
        %dma_start3A_298 = arith.constant 0 : i32
        %dma_start3A_299 = tpu.memref_slice %arg4[%dma_start3A_297, %dma_start3A_298] : memref<10240x64xf32, #tpu.memory_space<hbm>> -> memref<10240x64xf32, #tpu.memory_space<hbm>>
        tpu.enqueue_indirect_dma source(%dma_start3A_299 : memref<10240x64xf32, #tpu.memory_space<hbm>>) target(%arg14 : memref<125x64xf32, #tpu.memory_space<vmem>>) offsets(%dma_start3A_296 : memref<125xi32, #tpu.memory_space<vmem>>) semaphore(%arg22 : memref<!tpu.dma_semaphore, #tpu.memory_space<semaphore_mem>>)
      } else {
      }
      %add3A_244 = arith.constant 6 : i32
      %add3A_245 = arith.addi %mul3A_120, %add3A_244 : i32
      %dma_wait3A_246 = arith.constant 0 : i32
      %dma_wait3A_247 = tpu.memref_slice %arg7[%add3A_245, %dma_wait3A_246] : memref<80x125xi32, #tpu.memory_space<vmem>> -> memref<1x125xi32, #tpu.memory_space<vmem>>
      %dma_wait3A_248 = tpu.memref_squeeze %dma_wait3A_247 : memref<1x125xi32, #tpu.memory_space<vmem>> -> memref<125xi32, #tpu.memory_space<vmem>>
      %dma_wait3A_249 = arith.constant 0 : i32
      %dma_wait3A_250 = arith.constant 0 : i32
      %dma_wait3A_251 = tpu.memref_slice %arg4[%dma_wait3A_249, %dma_wait3A_250] : memref<10240x64xf32, #tpu.memory_space<hbm>> -> memref<10240x64xf32, #tpu.memory_space<hbm>>
      tpu.wait_indirect_dma semaphore(%arg23 : memref<!tpu.dma_semaphore, #tpu.memory_space<semaphore_mem>>) src(%dma_wait3A_251 : memref<10240x64xf32, #tpu.memory_space<hbm>>) dst(%arg15 : memref<125x64xf32, #tpu.memory_space<vmem>>)
      %dma_start3A_252 = arith.constant 0 : i32
      %dma_start3A_253 = tpu.memref_slice %arg8[%add3A_245, %dma_start3A_252] : memref<80x125xi32, #tpu.memory_space<vmem>> -> memref<1x125xi32, #tpu.memory_space<vmem>>
      %dma_start3A_254 = tpu.memref_squeeze %dma_start3A_253 : memref<1x125xi32, #tpu.memory_space<vmem>> -> memref<125xi32, #tpu.memory_space<vmem>>
      %dma_start3A_255 = arith.constant 0 : i32
      %dma_start3A_256 = arith.constant 0 : i32
      %dma_start3A_257 = tpu.memref_slice %arg6[%dma_start3A_255, %dma_start3A_256] : memref<10240x64xf32, #tpu.memory_space<vmem_shared>> -> memref<10240x64xf32, #tpu.memory_space<vmem_shared>>
      tpu.enqueue_indirect_dma source(%arg15 : memref<125x64xf32, #tpu.memory_space<vmem>>) target(%dma_start3A_257 : memref<10240x64xf32, #tpu.memory_space<vmem_shared>>) offsets(%dma_start3A_254 : memref<125xi32, #tpu.memory_space<vmem>>) semaphore(%arg31 : memref<!tpu.dma_semaphore, #tpu.memory_space<semaphore_mem>>) {add = true}
      %add3A_258 = arith.constant 8 : i32
      %add3A_259 = arith.addi %add3A_245, %add3A_258 : i32
      %lt3A_260 = arith.constant 80 : i32
      %lt3A_261 = arith.cmpi slt, %add3A_259, %lt3A_260 : i32
      %convert_element_type3A_262 = arith.extui %lt3A_261 : i1 to i32
      %cond3A_263 = arith.constant 0 : i32
      %cond3A_264 = arith.cmpi ne, %convert_element_type3A_262, %cond3A_263 : i32
      scf.if %cond3A_264 {
        %dma_wait3A_286 = arith.constant 0 : i32
        %dma_wait3A_287 = tpu.memref_slice %arg8[%add3A_245, %dma_wait3A_286] : memref<80x125xi32, #tpu.memory_space<vmem>> -> memref<1x125xi32, #tpu.memory_space<vmem>>
        %dma_wait3A_288 = tpu.memref_squeeze %dma_wait3A_287 : memref<1x125xi32, #tpu.memory_space<vmem>> -> memref<125xi32, #tpu.memory_space<vmem>>
        %dma_wait3A_289 = arith.constant 0 : i32
        %dma_wait3A_290 = arith.constant 0 : i32
        %dma_wait3A_291 = tpu.memref_slice %arg6[%dma_wait3A_289, %dma_wait3A_290] : memref<10240x64xf32, #tpu.memory_space<vmem_shared>> -> memref<10240x64xf32, #tpu.memory_space<vmem_shared>>
        tpu.wait_indirect_dma semaphore(%arg31 : memref<!tpu.dma_semaphore, #tpu.memory_space<semaphore_mem>>) src(%arg15 : memref<125x64xf32, #tpu.memory_space<vmem>>) dst(%dma_wait3A_291 : memref<10240x64xf32, #tpu.memory_space<vmem_shared>>)
        %add3A_292 = arith.constant 8 : i32
        %add3A_293 = arith.addi %add3A_245, %add3A_292 : i32
        %dma_start3A_294 = arith.constant 0 : i32
        %dma_start3A_295 = tpu.memref_slice %arg7[%add3A_293, %dma_start3A_294] : memref<80x125xi32, #tpu.memory_space<vmem>> -> memref<1x125xi32, #tpu.memory_space<vmem>>
        %dma_start3A_296 = tpu.memref_squeeze %dma_start3A_295 : memref<1x125xi32, #tpu.memory_space<vmem>> -> memref<125xi32, #tpu.memory_space<vmem>>
        %dma_start3A_297 = arith.constant 0 : i32
        %dma_start3A_298 = arith.constant 0 : i32
        %dma_start3A_299 = tpu.memref_slice %arg4[%dma_start3A_297, %dma_start3A_298] : memref<10240x64xf32, #tpu.memory_space<hbm>> -> memref<10240x64xf32, #tpu.memory_space<hbm>>
        tpu.enqueue_indirect_dma source(%dma_start3A_299 : memref<10240x64xf32, #tpu.memory_space<hbm>>) target(%arg15 : memref<125x64xf32, #tpu.memory_space<vmem>>) offsets(%dma_start3A_296 : memref<125xi32, #tpu.memory_space<vmem>>) semaphore(%arg23 : memref<!tpu.dma_semaphore, #tpu.memory_space<semaphore_mem>>)
      } else {
      }
      %add3A_265 = arith.constant 7 : i32
      %add3A_266 = arith.addi %mul3A_120, %add3A_265 : i32
      %dma_wait3A_267 = arith.constant 0 : i32
      %dma_wait3A_268 = tpu.memref_slice %arg7[%add3A_266, %dma_wait3A_267] : memref<80x125xi32, #tpu.memory_space<vmem>> -> memref<1x125xi32, #tpu.memory_space<vmem>>
      %dma_wait3A_269 = tpu.memref_squeeze %dma_wait3A_268 : memref<1x125xi32, #tpu.memory_space<vmem>> -> memref<125xi32, #tpu.memory_space<vmem>>
      %dma_wait3A_270 = arith.constant 0 : i32
      %dma_wait3A_271 = arith.constant 0 : i32
      %dma_wait3A_272 = tpu.memref_slice %arg4[%dma_wait3A_270, %dma_wait3A_271] : memref<10240x64xf32, #tpu.memory_space<hbm>> -> memref<10240x64xf32, #tpu.memory_space<hbm>>
      tpu.wait_indirect_dma semaphore(%arg24 : memref<!tpu.dma_semaphore, #tpu.memory_space<semaphore_mem>>) src(%dma_wait3A_272 : memref<10240x64xf32, #tpu.memory_space<hbm>>) dst(%arg16 : memref<125x64xf32, #tpu.memory_space<vmem>>)
      %dma_start3A_273 = arith.constant 0 : i32
      %dma_start3A_274 = tpu.memref_slice %arg8[%add3A_266, %dma_start3A_273] : memref<80x125xi32, #tpu.memory_space<vmem>> -> memref<1x125xi32, #tpu.memory_space<vmem>>
      %dma_start3A_275 = tpu.memref_squeeze %dma_start3A_274 : memref<1x125xi32, #tpu.memory_space<vmem>> -> memref<125xi32, #tpu.memory_space<vmem>>
      %dma_start3A_276 = arith.constant 0 : i32
      %dma_start3A_277 = arith.constant 0 : i32
      %dma_start3A_278 = tpu.memref_slice %arg6[%dma_start3A_276, %dma_start3A_277] : memref<10240x64xf32, #tpu.memory_space<vmem_shared>> -> memref<10240x64xf32, #tpu.memory_space<vmem_shared>>
      tpu.enqueue_indirect_dma source(%arg16 : memref<125x64xf32, #tpu.memory_space<vmem>>) target(%dma_start3A_278 : memref<10240x64xf32, #tpu.memory_space<vmem_shared>>) offsets(%dma_start3A_275 : memref<125xi32, #tpu.memory_space<vmem>>) semaphore(%arg32 : memref<!tpu.dma_semaphore, #tpu.memory_space<semaphore_mem>>) {add = true}
      %add3A_279 = arith.constant 8 : i32
      %add3A_280 = arith.addi %add3A_266, %add3A_279 : i32
      %lt3A_281 = arith.constant 80 : i32
      %lt3A_282 = arith.cmpi slt, %add3A_280, %lt3A_281 : i32
      %convert_element_type3A_283 = arith.extui %lt3A_282 : i1 to i32
      %cond3A_284 = arith.constant 0 : i32
      %cond3A_285 = arith.cmpi ne, %convert_element_type3A_283, %cond3A_284 : i32
      scf.if %cond3A_285 {
        %dma_wait3A_286 = arith.constant 0 : i32
        %dma_wait3A_287 = tpu.memref_slice %arg8[%add3A_266, %dma_wait3A_286] : memref<80x125xi32, #tpu.memory_space<vmem>> -> memref<1x125xi32, #tpu.memory_space<vmem>>
        %dma_wait3A_288 = tpu.memref_squeeze %dma_wait3A_287 : memref<1x125xi32, #tpu.memory_space<vmem>> -> memref<125xi32, #tpu.memory_space<vmem>>
        %dma_wait3A_289 = arith.constant 0 : i32
        %dma_wait3A_290 = arith.constant 0 : i32
        %dma_wait3A_291 = tpu.memref_slice %arg6[%dma_wait3A_289, %dma_wait3A_290] : memref<10240x64xf32, #tpu.memory_space<vmem_shared>> -> memref<10240x64xf32, #tpu.memory_space<vmem_shared>>
        tpu.wait_indirect_dma semaphore(%arg32 : memref<!tpu.dma_semaphore, #tpu.memory_space<semaphore_mem>>) src(%arg16 : memref<125x64xf32, #tpu.memory_space<vmem>>) dst(%dma_wait3A_291 : memref<10240x64xf32, #tpu.memory_space<vmem_shared>>)
        %add3A_292 = arith.constant 8 : i32
        %add3A_293 = arith.addi %add3A_266, %add3A_292 : i32
        %dma_start3A_294 = arith.constant 0 : i32
        %dma_start3A_295 = tpu.memref_slice %arg7[%add3A_293, %dma_start3A_294] : memref<80x125xi32, #tpu.memory_space<vmem>> -> memref<1x125xi32, #tpu.memory_space<vmem>>
        %dma_start3A_296 = tpu.memref_squeeze %dma_start3A_295 : memref<1x125xi32, #tpu.memory_space<vmem>> -> memref<125xi32, #tpu.memory_space<vmem>>
        %dma_start3A_297 = arith.constant 0 : i32
        %dma_start3A_298 = arith.constant 0 : i32
        %dma_start3A_299 = tpu.memref_slice %arg4[%dma_start3A_297, %dma_start3A_298] : memref<10240x64xf32, #tpu.memory_space<hbm>> -> memref<10240x64xf32, #tpu.memory_space<hbm>>
        tpu.enqueue_indirect_dma source(%dma_start3A_299 : memref<10240x64xf32, #tpu.memory_space<hbm>>) target(%arg16 : memref<125x64xf32, #tpu.memory_space<vmem>>) offsets(%dma_start3A_296 : memref<125xi32, #tpu.memory_space<vmem>>) semaphore(%arg24 : memref<!tpu.dma_semaphore, #tpu.memory_space<semaphore_mem>>)
      } else {
      }
    }
    %scan3A_61 = arith.constant 10 : i32
    %dma_wait3A = arith.constant 72 : i32
    %dma_wait3A_62 = arith.constant 0 : i32
    %dma_wait3A_63 = tpu.memref_slice %arg8[%dma_wait3A, %dma_wait3A_62] : memref<80x125xi32, #tpu.memory_space<vmem>> -> memref<1x125xi32, #tpu.memory_space<vmem>>
    %dma_wait3A_64 = tpu.memref_squeeze %dma_wait3A_63 : memref<1x125xi32, #tpu.memory_space<vmem>> -> memref<125xi32, #tpu.memory_space<vmem>>
    %dma_wait3A_65 = arith.constant 0 : i32
    %dma_wait3A_66 = arith.constant 0 : i32
    %dma_wait3A_67 = tpu.memref_slice %arg6[%dma_wait3A_65, %dma_wait3A_66] : memref<10240x64xf32, #tpu.memory_space<vmem_shared>> -> memref<10240x64xf32, #tpu.memory_space<vmem_shared>>
    tpu.wait_indirect_dma semaphore(%arg25 : memref<!tpu.dma_semaphore, #tpu.memory_space<semaphore_mem>>) src(%arg9 : memref<125x64xf32, #tpu.memory_space<vmem>>) dst(%dma_wait3A_67 : memref<10240x64xf32, #tpu.memory_space<vmem_shared>>)
    %dma_wait3A_68 = arith.constant 73 : i32
    %dma_wait3A_69 = arith.constant 0 : i32
    %dma_wait3A_70 = tpu.memref_slice %arg8[%dma_wait3A_68, %dma_wait3A_69] : memref<80x125xi32, #tpu.memory_space<vmem>> -> memref<1x125xi32, #tpu.memory_space<vmem>>
    %dma_wait3A_71 = tpu.memref_squeeze %dma_wait3A_70 : memref<1x125xi32, #tpu.memory_space<vmem>> -> memref<125xi32, #tpu.memory_space<vmem>>
    %dma_wait3A_72 = arith.constant 0 : i32
    %dma_wait3A_73 = arith.constant 0 : i32
    %dma_wait3A_74 = tpu.memref_slice %arg6[%dma_wait3A_72, %dma_wait3A_73] : memref<10240x64xf32, #tpu.memory_space<vmem_shared>> -> memref<10240x64xf32, #tpu.memory_space<vmem_shared>>
    tpu.wait_indirect_dma semaphore(%arg26 : memref<!tpu.dma_semaphore, #tpu.memory_space<semaphore_mem>>) src(%arg10 : memref<125x64xf32, #tpu.memory_space<vmem>>) dst(%dma_wait3A_74 : memref<10240x64xf32, #tpu.memory_space<vmem_shared>>)
    %dma_wait3A_75 = arith.constant 74 : i32
    %dma_wait3A_76 = arith.constant 0 : i32
    %dma_wait3A_77 = tpu.memref_slice %arg8[%dma_wait3A_75, %dma_wait3A_76] : memref<80x125xi32, #tpu.memory_space<vmem>> -> memref<1x125xi32, #tpu.memory_space<vmem>>
    %dma_wait3A_78 = tpu.memref_squeeze %dma_wait3A_77 : memref<1x125xi32, #tpu.memory_space<vmem>> -> memref<125xi32, #tpu.memory_space<vmem>>
    %dma_wait3A_79 = arith.constant 0 : i32
    %dma_wait3A_80 = arith.constant 0 : i32
    %dma_wait3A_81 = tpu.memref_slice %arg6[%dma_wait3A_79, %dma_wait3A_80] : memref<10240x64xf32, #tpu.memory_space<vmem_shared>> -> memref<10240x64xf32, #tpu.memory_space<vmem_shared>>
    tpu.wait_indirect_dma semaphore(%arg27 : memref<!tpu.dma_semaphore, #tpu.memory_space<semaphore_mem>>) src(%arg11 : memref<125x64xf32, #tpu.memory_space<vmem>>) dst(%dma_wait3A_81 : memref<10240x64xf32, #tpu.memory_space<vmem_shared>>)
    %dma_wait3A_82 = arith.constant 75 : i32
    %dma_wait3A_83 = arith.constant 0 : i32
    %dma_wait3A_84 = tpu.memref_slice %arg8[%dma_wait3A_82, %dma_wait3A_83] : memref<80x125xi32, #tpu.memory_space<vmem>> -> memref<1x125xi32, #tpu.memory_space<vmem>>
    %dma_wait3A_85 = tpu.memref_squeeze %dma_wait3A_84 : memref<1x125xi32, #tpu.memory_space<vmem>> -> memref<125xi32, #tpu.memory_space<vmem>>
    %dma_wait3A_86 = arith.constant 0 : i32
    %dma_wait3A_87 = arith.constant 0 : i32
    %dma_wait3A_88 = tpu.memref_slice %arg6[%dma_wait3A_86, %dma_wait3A_87] : memref<10240x64xf32, #tpu.memory_space<vmem_shared>> -> memref<10240x64xf32, #tpu.memory_space<vmem_shared>>
    tpu.wait_indirect_dma semaphore(%arg28 : memref<!tpu.dma_semaphore, #tpu.memory_space<semaphore_mem>>) src(%arg12 : memref<125x64xf32, #tpu.memory_space<vmem>>) dst(%dma_wait3A_88 : memref<10240x64xf32, #tpu.memory_space<vmem_shared>>)
    %dma_wait3A_89 = arith.constant 76 : i32
    %dma_wait3A_90 = arith.constant 0 : i32
    %dma_wait3A_91 = tpu.memref_slice %arg8[%dma_wait3A_89, %dma_wait3A_90] : memref<80x125xi32, #tpu.memory_space<vmem>> -> memref<1x125xi32, #tpu.memory_space<vmem>>
    %dma_wait3A_92 = tpu.memref_squeeze %dma_wait3A_91 : memref<1x125xi32, #tpu.memory_space<vmem>> -> memref<125xi32, #tpu.memory_space<vmem>>
    %dma_wait3A_93 = arith.constant 0 : i32
    %dma_wait3A_94 = arith.constant 0 : i32
    %dma_wait3A_95 = tpu.memref_slice %arg6[%dma_wait3A_93, %dma_wait3A_94] : memref<10240x64xf32, #tpu.memory_space<vmem_shared>> -> memref<10240x64xf32, #tpu.memory_space<vmem_shared>>
    tpu.wait_indirect_dma semaphore(%arg29 : memref<!tpu.dma_semaphore, #tpu.memory_space<semaphore_mem>>) src(%arg13 : memref<125x64xf32, #tpu.memory_space<vmem>>) dst(%dma_wait3A_95 : memref<10240x64xf32, #tpu.memory_space<vmem_shared>>)
    %dma_wait3A_96 = arith.constant 77 : i32
    %dma_wait3A_97 = arith.constant 0 : i32
    %dma_wait3A_98 = tpu.memref_slice %arg8[%dma_wait3A_96, %dma_wait3A_97] : memref<80x125xi32, #tpu.memory_space<vmem>> -> memref<1x125xi32, #tpu.memory_space<vmem>>
    %dma_wait3A_99 = tpu.memref_squeeze %dma_wait3A_98 : memref<1x125xi32, #tpu.memory_space<vmem>> -> memref<125xi32, #tpu.memory_space<vmem>>
    %dma_wait3A_100 = arith.constant 0 : i32
    %dma_wait3A_101 = arith.constant 0 : i32
    %dma_wait3A_102 = tpu.memref_slice %arg6[%dma_wait3A_100, %dma_wait3A_101] : memref<10240x64xf32, #tpu.memory_space<vmem_shared>> -> memref<10240x64xf32, #tpu.memory_space<vmem_shared>>
    tpu.wait_indirect_dma semaphore(%arg30 : memref<!tpu.dma_semaphore, #tpu.memory_space<semaphore_mem>>) src(%arg14 : memref<125x64xf32, #tpu.memory_space<vmem>>) dst(%dma_wait3A_102 : memref<10240x64xf32, #tpu.memory_space<vmem_shared>>)
    %dma_wait3A_103 = arith.constant 78 : i32
    %dma_wait3A_104 = arith.constant 0 : i32
    %dma_wait3A_105 = tpu.memref_slice %arg8[%dma_wait3A_103, %dma_wait3A_104] : memref<80x125xi32, #tpu.memory_space<vmem>> -> memref<1x125xi32, #tpu.memory_space<vmem>>
    %dma_wait3A_106 = tpu.memref_squeeze %dma_wait3A_105 : memref<1x125xi32, #tpu.memory_space<vmem>> -> memref<125xi32, #tpu.memory_space<vmem>>
    %dma_wait3A_107 = arith.constant 0 : i32
    %dma_wait3A_108 = arith.constant 0 : i32
    %dma_wait3A_109 = tpu.memref_slice %arg6[%dma_wait3A_107, %dma_wait3A_108] : memref<10240x64xf32, #tpu.memory_space<vmem_shared>> -> memref<10240x64xf32, #tpu.memory_space<vmem_shared>>
    tpu.wait_indirect_dma semaphore(%arg31 : memref<!tpu.dma_semaphore, #tpu.memory_space<semaphore_mem>>) src(%arg15 : memref<125x64xf32, #tpu.memory_space<vmem>>) dst(%dma_wait3A_109 : memref<10240x64xf32, #tpu.memory_space<vmem_shared>>)
    %dma_wait3A_110 = arith.constant 79 : i32
    %dma_wait3A_111 = arith.constant 0 : i32
    %dma_wait3A_112 = tpu.memref_slice %arg8[%dma_wait3A_110, %dma_wait3A_111] : memref<80x125xi32, #tpu.memory_space<vmem>> -> memref<1x125xi32, #tpu.memory_space<vmem>>
    %dma_wait3A_113 = tpu.memref_squeeze %dma_wait3A_112 : memref<1x125xi32, #tpu.memory_space<vmem>> -> memref<125xi32, #tpu.memory_space<vmem>>
    %dma_wait3A_114 = arith.constant 0 : i32
    %dma_wait3A_115 = arith.constant 0 : i32
    %dma_wait3A_116 = tpu.memref_slice %arg6[%dma_wait3A_114, %dma_wait3A_115] : memref<10240x64xf32, #tpu.memory_space<vmem_shared>> -> memref<10240x64xf32, #tpu.memory_space<vmem_shared>>
    tpu.wait_indirect_dma semaphore(%arg32 : memref<!tpu.dma_semaphore, #tpu.memory_space<semaphore_mem>>) src(%arg16 : memref<125x64xf32, #tpu.memory_space<vmem>>) dst(%dma_wait3A_116 : memref<10240x64xf32, #tpu.memory_space<vmem_shared>>)
    %barrier3A_117 = arith.constant 0 : index
    tpu.barrier barrier_id(%barrier3A_117)
    "tpu.region"() ({
      %run_scoped3A = tpu.sem_alloc : memref<!tpu.dma_semaphore, #tpu.memory_space<semaphore_mem>>
      %dma_start3A_118 = arith.constant 0 : i32
      %dma_start3A_119 = tpu.memref_slice %arg5[%arg0, %mul3A_2, %dma_start3A_118] : memref<2x10240x64xf32, #tpu.memory_space<hbm>> -> memref<1x640x64xf32, #tpu.memory_space<hbm>>
      %dma_start3A_120 = tpu.memref_squeeze %dma_start3A_119 : memref<1x640x64xf32, #tpu.memory_space<hbm>> -> memref<640x64xf32, #tpu.memory_space<hbm>>
      %dma_start3A_121 = arith.constant 0 : i32
      %dma_start3A_122 = tpu.memref_slice %arg6[%mul3A_2, %dma_start3A_121] : memref<10240x64xf32, #tpu.memory_space<vmem_shared>> -> memref<640x64xf32, #tpu.memory_space<vmem_shared>>
      tpu.enqueue_dma source(%dma_start3A_122 : memref<640x64xf32, #tpu.memory_space<vmem_shared>>) target(%dma_start3A_120 : memref<640x64xf32, #tpu.memory_space<hbm>>) target_semaphore(%run_scoped3A : memref<!tpu.dma_semaphore, #tpu.memory_space<semaphore_mem>>)
      %dma_wait3A_123 = arith.constant 0 : i32
      %dma_wait3A_124 = tpu.memref_slice %arg5[%arg0, %mul3A_2, %dma_wait3A_123] : memref<2x10240x64xf32, #tpu.memory_space<hbm>> -> memref<1x640x64xf32, #tpu.memory_space<hbm>>
      %dma_wait3A_125 = tpu.memref_squeeze %dma_wait3A_124 : memref<1x640x64xf32, #tpu.memory_space<hbm>> -> memref<640x64xf32, #tpu.memory_space<hbm>>
      %dma_wait3A_126 = arith.constant 0 : i32
      %dma_wait3A_127 = tpu.memref_slice %arg6[%mul3A_2, %dma_wait3A_126] : memref<10240x64xf32, #tpu.memory_space<vmem_shared>> -> memref<640x64xf32, #tpu.memory_space<vmem_shared>>
      tpu.wait_dma2 semaphore(%run_scoped3A : memref<!tpu.dma_semaphore, #tpu.memory_space<semaphore_mem>>) src(%dma_wait3A_127 : memref<640x64xf32, #tpu.memory_space<vmem_shared>>) dst(%dma_wait3A_125 : memref<640x64xf32, #tpu.memory_space<hbm>>)
      tpu.yield
    }) : () -> ()
    return
  }
}

module attributes {stable_mosaic.version = 14 : i64} {
  func.func @_mm1_body(%arg0: memref<10000x128xf32, #tpu.memory_space<vmem>>, %arg1: memref<128x64xf32, #tpu.memory_space<vmem>>, %arg2: memref<10240x64xf32, #tpu.memory_space<vmem>>) attributes {dimension_semantics = [], scalar_prefetch = 0 : i64, scratch_operands = 0 : i64, tpu.core_type = #tpu.core_type<tc>} {
    %get3A = arith.constant 0 : index
    %get3A_0 = arith.constant 0 : index
    %get3A_1 = vector.load %arg0[%get3A, %get3A_0] : memref<10000x128xf32, #tpu.memory_space<vmem>>, vector<10000x128xf32>
    %get3A_2 = arith.constant 0 : index
    %get3A_3 = arith.constant 0 : index
    %get3A_4 = vector.load %arg1[%get3A_2, %get3A_3] : memref<128x64xf32, #tpu.memory_space<vmem>>, vector<128x64xf32>
    %dot_general3A = arith.constant dense<0.000000e+00> : vector<10000x64xf32>
    %dot_general3A_5 = tpu.matmul %get3A_1, %get3A_4, %dot_general3A {dimension_numbers = #tpu.dot_dimension_numbers<[1], [0], [0], [1], [0, 0, 1, 1], [], []>, transpose_lhs_hint = false} : vector<10000x128xf32>, vector<128x64xf32>, vector<10000x64xf32> -> vector<10000x64xf32>
    %broadcast_in_dim3A = arith.constant 0.000000e+00 : f32
    %broadcast_in_dim3A_6 = vector.broadcast %broadcast_in_dim3A : f32 to vector<240x64xf32>
    %concatenate3A = tpu.concatenate %dot_general3A_5, %broadcast_in_dim3A_6 in 0 : vector<10000x64xf32>, vector<240x64xf32> -> vector<10240x64xf32>
    %swap3A = arith.constant 0 : index
    %swap3A_7 = arith.constant 0 : index
    %swap3A_8 = vector.load %arg2[%swap3A, %swap3A_7] : memref<10240x64xf32, #tpu.memory_space<vmem>>, vector<10240x64xf32>
    tpu.vector_store %arg2[%swap3A, %swap3A_7], %concatenate3A {strides = array<i32>} : memref<10240x64xf32, #tpu.memory_space<vmem>>, vector<10240x64xf32>,
    return
  }
}

module attributes {stable_mosaic.version = 14 : i64} {
  func.func @_dense1_body(%arg0: memref<10240x32xf32, #tpu.memory_space<vmem>>, %arg1: memref<10240x64xf32, #tpu.memory_space<vmem>>, %arg2: memref<10240x1xf32, #tpu.memory_space<vmem>>, %arg3: memref<10240x64xf32, #tpu.memory_space<vmem>>) attributes {dimension_semantics = [], scalar_prefetch = 0 : i64, scratch_operands = 0 : i64, tpu.core_type = #tpu.core_type<tc>} {
    %get3A = arith.constant 0 : index
    %get3A_0 = arith.constant 0 : index
    %get3A_1 = vector.load %arg0[%get3A, %get3A_0] : memref<10240x32xf32, #tpu.memory_space<vmem>>, vector<10240x32xf32>
    %reduce_sum3A = arith.constant dense<0.000000e+00> : vector<10240xf32>
    %reduce_sum3A_2 = vector.multi_reduction <add>, %get3A_1, %reduce_sum3A [1] : vector<10240x32xf32> to vector<10240xf32>
    %broadcast_in_dim3A = vector.shape_cast %reduce_sum3A_2 : vector<10240xf32> to vector<10240x1xf32>
    %add3A = arith.constant 1.000000e+00 : f32
    %add3A_3 = vector.broadcast %add3A : f32 to vector<10240x1xf32>
    %add3A_4 = arith.addf %broadcast_in_dim3A, %add3A_3 : vector<10240x1xf32>
    %rsqrt3A = math.rsqrt %add3A_4 : vector<10240x1xf32>
    %swap3A = arith.constant 0 : index
    %swap3A_5 = arith.constant 0 : index
    %swap3A_6 = vector.load %arg2[%swap3A, %swap3A_5] : memref<10240x1xf32, #tpu.memory_space<vmem>>, vector<10240x1xf32>
    tpu.vector_store %arg2[%swap3A, %swap3A_5], %rsqrt3A {strides = array<i32>} : memref<10240x1xf32, #tpu.memory_space<vmem>>, vector<10240x1xf32>,
    %get3A_7 = arith.constant 0 : index
    %get3A_8 = arith.constant 0 : index
    %get3A_9 = vector.load %arg1[%get3A_7, %get3A_8] : memref<10240x64xf32, #tpu.memory_space<vmem>>, vector<10240x64xf32>
    %mul3A = vector.broadcast %rsqrt3A : vector<10240x1xf32> to vector<10240x64xf32>
    %mul3A_10 = arith.mulf %get3A_9, %mul3A : vector<10240x64xf32>
    %swap3A_11 = arith.constant 0 : index
    %swap3A_12 = arith.constant 0 : index
    %swap3A_13 = vector.load %arg3[%swap3A_11, %swap3A_12] : memref<10240x64xf32, #tpu.memory_space<vmem>>, vector<10240x64xf32>
    tpu.vector_store %arg3[%swap3A_11, %swap3A_12], %mul3A_10 {strides = array<i32>} : memref<10240x64xf32, #tpu.memory_space<vmem>>, vector<10240x64xf32>,
    return
  }
}

module attributes {stable_mosaic.version = 14 : i64} {
  func.func @_dense2_body(%arg0: memref<2x10240x64xf32, #tpu.memory_space<vmem>>, %arg1: memref<10240x64xf32, #tpu.memory_space<vmem>>, %arg2: memref<10240x1xf32, #tpu.memory_space<vmem>>, %arg3: memref<64x32xf32, #tpu.memory_space<vmem>>, %arg4: memref<1x64xf32, #tpu.memory_space<vmem>>, %arg5: memref<10240x32xf32, #tpu.memory_space<vmem>>) attributes {dimension_semantics = [], scalar_prefetch = 0 : i64, scratch_operands = 0 : i64, tpu.core_type = #tpu.core_type<tc>} {
    %get3A = arith.constant 0 : index
    %get3A_0 = arith.constant 0 : index
    %get3A_1 = arith.constant 0 : index
    %get3A_2 = vector.load %arg0[%get3A, %get3A_0, %get3A_1] : memref<2x10240x64xf32, #tpu.memory_space<vmem>>, vector<1x10240x64xf32>
    %get3A_3 = vector.shape_cast %get3A_2 : vector<1x10240x64xf32> to vector<10240x64xf32>
    %get3A_4 = arith.constant 1 : index
    %get3A_5 = arith.constant 0 : index
    %get3A_6 = arith.constant 0 : index
    %get3A_7 = vector.load %arg0[%get3A_4, %get3A_5, %get3A_6] : memref<2x10240x64xf32, #tpu.memory_space<vmem>>, vector<1x10240x64xf32>
    %get3A_8 = vector.shape_cast %get3A_7 : vector<1x10240x64xf32> to vector<10240x64xf32>
    %add3A = arith.addf %get3A_3, %get3A_8 : vector<10240x64xf32>
    %get3A_9 = arith.constant 0 : index
    %get3A_10 = arith.constant 0 : index
    %get3A_11 = vector.load %arg1[%get3A_9, %get3A_10] : memref<10240x64xf32, #tpu.memory_space<vmem>>, vector<10240x64xf32>
    %sub3A = arith.subf %add3A, %get3A_11 : vector<10240x64xf32>
    %get3A_12 = arith.constant 0 : index
    %get3A_13 = arith.constant 0 : index
    %get3A_14 = vector.load %arg2[%get3A_12, %get3A_13] : memref<10240x1xf32, #tpu.memory_space<vmem>>, vector<10240x1xf32>
    %mul3A = vector.broadcast %get3A_14 : vector<10240x1xf32> to vector<10240x64xf32>
    %mul3A_15 = arith.mulf %mul3A, %sub3A : vector<10240x64xf32>
    %get3A_16 = arith.constant 0 : index
    %get3A_17 = arith.constant 0 : index
    %get3A_18 = vector.load %arg4[%get3A_16, %get3A_17] : memref<1x64xf32, #tpu.memory_space<vmem>>, vector<1x64xf32>
    %add3A_19 = vector.broadcast %get3A_18 : vector<1x64xf32> to vector<10240x64xf32>
    %add3A_20 = arith.addf %mul3A_15, %add3A_19 : vector<10240x64xf32>
    %max3A = arith.constant 0.000000e+00 : f32
    %max3A_21 = vector.broadcast %max3A : f32 to vector<10240x64xf32>
    %max3A_22 = arith.maximumf %add3A_20, %max3A_21 : vector<10240x64xf32>
    %get3A_23 = arith.constant 0 : index
    %get3A_24 = arith.constant 0 : index
    %get3A_25 = vector.load %arg3[%get3A_23, %get3A_24] : memref<64x32xf32, #tpu.memory_space<vmem>>, vector<64x32xf32>
    %dot_general3A = arith.constant dense<0.000000e+00> : vector<10240x32xf32>
    %dot_general3A_26 = tpu.matmul %max3A_22, %get3A_25, %dot_general3A {dimension_numbers = #tpu.dot_dimension_numbers<[1], [0], [0], [1], [0, 0, 1, 1], [], []>, transpose_lhs_hint = false} : vector<10240x64xf32>, vector<64x32xf32>, vector<10240x32xf32> -> vector<10240x32xf32>
    %mul3A_27 = vector.broadcast %get3A_14 : vector<10240x1xf32> to vector<10240x32xf32>
    %mul3A_28 = arith.mulf %dot_general3A_26, %mul3A_27 : vector<10240x32xf32>
    %swap3A = arith.constant 0 : index
    %swap3A_29 = arith.constant 0 : index
    %swap3A_30 = vector.load %arg5[%swap3A, %swap3A_29] : memref<10240x32xf32, #tpu.memory_space<vmem>>, vector<10240x32xf32>
    tpu.vector_store %arg5[%swap3A, %swap3A_29], %mul3A_28 {strides = array<i32>} : memref<10240x32xf32, #tpu.memory_space<vmem>>, vector<10240x32xf32>,
    return
  }
}

module attributes {stable_mosaic.version = 14 : i64} {
  func.func @_dense3_body(%arg0: memref<2x10240x32xf32, #tpu.memory_space<vmem>>, %arg1: memref<10240x32xf32, #tpu.memory_space<vmem>>, %arg2: memref<10240x1xf32, #tpu.memory_space<vmem>>, %arg3: memref<32x1xf32, #tpu.memory_space<vmem>>, %arg4: memref<1x32xf32, #tpu.memory_space<vmem>>, %arg5: memref<1x1xf32, #tpu.memory_space<vmem>>, %arg6: memref<10240x1xf32, #tpu.memory_space<vmem>>) attributes {dimension_semantics = [], scalar_prefetch = 0 : i64, scratch_operands = 0 : i64, tpu.core_type = #tpu.core_type<tc>} {
    %get3A = arith.constant 0 : index
    %get3A_0 = arith.constant 0 : index
    %get3A_1 = arith.constant 0 : index
    %get3A_2 = vector.load %arg0[%get3A, %get3A_0, %get3A_1] : memref<2x10240x32xf32, #tpu.memory_space<vmem>>, vector<1x10240x32xf32>
    %get3A_3 = vector.shape_cast %get3A_2 : vector<1x10240x32xf32> to vector<10240x32xf32>
    %get3A_4 = arith.constant 1 : index
    %get3A_5 = arith.constant 0 : index
    %get3A_6 = arith.constant 0 : index
    %get3A_7 = vector.load %arg0[%get3A_4, %get3A_5, %get3A_6] : memref<2x10240x32xf32, #tpu.memory_space<vmem>>, vector<1x10240x32xf32>
    %get3A_8 = vector.shape_cast %get3A_7 : vector<1x10240x32xf32> to vector<10240x32xf32>
    %add3A = arith.addf %get3A_3, %get3A_8 : vector<10240x32xf32>
    %get3A_9 = arith.constant 0 : index
    %get3A_10 = arith.constant 0 : index
    %get3A_11 = vector.load %arg1[%get3A_9, %get3A_10] : memref<10240x32xf32, #tpu.memory_space<vmem>>, vector<10240x32xf32>
    %sub3A = arith.subf %add3A, %get3A_11 : vector<10240x32xf32>
    %get3A_12 = arith.constant 0 : index
    %get3A_13 = arith.constant 0 : index
    %get3A_14 = vector.load %arg2[%get3A_12, %get3A_13] : memref<10240x1xf32, #tpu.memory_space<vmem>>, vector<10240x1xf32>
    %mul3A = vector.broadcast %get3A_14 : vector<10240x1xf32> to vector<10240x32xf32>
    %mul3A_15 = arith.mulf %mul3A, %sub3A : vector<10240x32xf32>
    %get3A_16 = arith.constant 0 : index
    %get3A_17 = arith.constant 0 : index
    %get3A_18 = vector.load %arg4[%get3A_16, %get3A_17] : memref<1x32xf32, #tpu.memory_space<vmem>>, vector<1x32xf32>
    %add3A_19 = vector.broadcast %get3A_18 : vector<1x32xf32> to vector<10240x32xf32>
    %add3A_20 = arith.addf %mul3A_15, %add3A_19 : vector<10240x32xf32>
    %max3A = arith.constant 0.000000e+00 : f32
    %max3A_21 = vector.broadcast %max3A : f32 to vector<10240x32xf32>
    %max3A_22 = arith.maximumf %add3A_20, %max3A_21 : vector<10240x32xf32>
    %get3A_23 = arith.constant 0 : index
    %get3A_24 = arith.constant 0 : index
    %get3A_25 = vector.load %arg3[%get3A_23, %get3A_24] : memref<32x1xf32, #tpu.memory_space<vmem>>, vector<32x1xf32>
    %dot_general3A = arith.constant dense<0.000000e+00> : vector<10240x1xf32>
    %dot_general3A_26 = tpu.matmul %max3A_22, %get3A_25, %dot_general3A {dimension_numbers = #tpu.dot_dimension_numbers<[1], [0], [0], [1], [0, 0, 1, 1], [], []>, transpose_lhs_hint = false} : vector<10240x32xf32>, vector<32x1xf32>, vector<10240x1xf32> -> vector<10240x1xf32>
    %get3A_27 = arith.constant 0 : index
    %get3A_28 = arith.constant 0 : index
    %get3A_29 = vector.load %arg5[%get3A_27, %get3A_28] : memref<1x1xf32, #tpu.memory_space<vmem>>, vector<1x1xf32>
    %add3A_30 = vector.broadcast %get3A_29 : vector<1x1xf32> to vector<10240x1xf32>
    %add3A_31 = arith.addf %dot_general3A_26, %add3A_30 : vector<10240x1xf32>
    %swap3A = arith.constant 0 : index
    %swap3A_32 = arith.constant 0 : index
    %swap3A_33 = vector.load %arg6[%swap3A, %swap3A_32] : memref<10240x1xf32, #tpu.memory_space<vmem>>, vector<10240x1xf32>
    tpu.vector_store %arg6[%swap3A, %swap3A_32], %add3A_31 {strides = array<i32>} : memref<10240x1xf32, #tpu.memory_space<vmem>>, vector<10240x1xf32>,
    return
  }
}

</mosaic_0001>

<sc_bundles>
// kernel: kernel.12.cloned.1.call-start
scs
__scs_entry_jumppad:
0x0: {  	(pc) =	sbr.rel $0x88, $3  }
0x1: {  	(tag) =	ssettag $0x0;
	lr =	simm.s32 $0x1  }
0x2: {  	[smem:$0x3F99] =	sst lr;
	_ =	strace $0xD0000000  }
0x3: {  	_ = 	snop  }
0x4: {  	_ = 	snop  }
0x5: {  	_ = 	snop  }
0x6: {  	_ = 	snop  }
0x7: {  	_ = 	snop  }
__scs_overlays_trampoline_lowered:
0x8: {  	[smem:$0x3FA8] =	sst s0  }
0x9: {  	[smem:$0x3FA9] =	sst s1  }
0xa: {  	[smem:$0x3FAA] =	sst s2  }
0xb: {  	[smem:$0x3FAB] =	sst s3  }
0xc: {  	[smem:$0x3FAC] =	sst s4  }
0xd: {  	[smem:$0x3FAD] =	sst s5  }
0xe: {  	[smem:$0x3FAE] =	sst s6  }
0xf: {  	[smem:$0x3FAF] =	sst s7  }
0x10: {  	[smem:$0x3FB0] =	sst s8  }
0x11: {  	[smem:$0x3FB1] =	sst s9;
	s0 =	simm.s32 @!p0 $0x0  }
0x12: {  	s1 =	sld [smem:$0x3F97];
	s0 =	simm.s32 @p0 $0x1  }
0x13: {  	[smem:$0x3FB2] =	sst s0;
	s0 =	simm.s32 @!p1 $0x0  }
0x14: {  	s2 =	sld [smem:$0x3F96];
	s0 =	simm.s32 @p1 $0x1  }
0x15: {  	[smem:$0x3FB3] =	sst s0;
	s0 =	simm.s32 @!p2 $0x0  }
0x16: {  	s3 =	sld [smem:$0x3FDB];
	s0 =	simm.s32 @p2 $0x1  }
0x17: {  	s4 =	simm.s32 $0x1BF5;
	[smem:$0x3FB5] =	sst s0  }
0x18: {  	s0 =	sld [smem:$0x3F98];
	_ =	swait.ge [sflag:s4], $0x0  }
0x19: {  	s7 =	sld [smem:$0x3F99]  }
0x1a: {  	s8 =	sadd.s32 $0xFFFFE003, lr  }
0x1b: {  	s9 =	sadd.s32 $0xFFFFFEF7, lr;
	s5 =	simm.s32 $0xFFFFFFFF;
	p2 =	slt.u32 s8, $0xFFFFF086  }
0x1c: {  	p1 =	slt.u32 s9, $0xF7A;
	s5 =	simm.s32 @!p2 $0x0  }
0x1d: {  	s5 =	simm.s32 @p1 $0x1;
	p0 =	seq.s32 s7, s2  }
0x1e: {  	s7 =	smul.u32 @!p0 $0xF7A, s2;
	p2 =	seq.s32 @!p0 s5, $0x0  }
0x1f: {  	s9 =	smul.u32 $0xF7A, s1;
	s8 =	simm.s32 @!p0 $0x1BF5;
	p2 =	por !p2, p0  }
0x20: {  	[sflag:s8] =	ssyncset.s32 @!p0 $0xFFFFF086;
	s6 =	sadd.s32 @!p0 s3, s7;
	s7 =	simm.s32 @!p0 $0x108  }
0x21: {  	s3 =	sadd.s32 s3, s9;
	s6 =	sadd.s32 @!p0 $0x88, s6;
	s7 =	simm.s32 @p2 $0x1082  }
0x22: {  	[simem:s7], [sflag:s8] =	dma.local @!p0 [hbm:s6], $0xF7A  }
0x23: {  	s9 =	sor.u32 $0xD0000000, s2;
	s6 =	simm.s32 $0x108;
	_ =	swait.ge @!p0 [sflag:s8], $0x0  }
0x24: {  	s3 =	sadd.s32 $0x88, s3;
	s6 =	simm.s32 @!p1 $0x1082;
	[sflag:s4] =	ssyncset.s32 $0xFFFFF086  }
0x25: {  	[simem:s6], [sflag:s4] =	dma.local [hbm:s3], $0xF7A  }
0x26: {  	[smem:$0x3F99] =	sst s1;
	(tag) =	ssettag s2;
	_ =	strace s9  }
0x27: {  	s1 =	sld [smem:$0x3FA9]  }
0x28: {  	s2 =	sld [smem:$0x3FAA]  }
0x29: {  	s4 =	sld [smem:$0x3FAC]  }
0x2a: {  	p0 =	seq.s32 s5, $0x0;
	s5 =	sld [smem:$0x3FAD]  }
0x2b: {  	s6 =	sld [smem:$0x3FAE]  }
0x2c: {  	s7 =	sld [smem:$0x3FAF]  }
0x2d: {  	s3 =	simm.s32 $0x108;
	s8 =	sld [smem:$0x3FB0]  }
0x2e: {  	s3 =	simm.s32 @!p0 $0x1082;
	s9 =	sld [smem:$0x3FB1]  }
0x2f: {  	lr =	sadd.s32 s0, s3;
	s0 =	sld [smem:$0x3FA8]  }
0x30: {  	s3 =	sld [smem:$0x3FAB]  }
0x31: {  	[smem:$0x3FB4] =	sst s10  }
0x32: {  	s10 =	sld [smem:$0x3FB2];
	_ =	sdelay $0x3  }
0x33: {  	p0 =	seq.s32 s10, $0x1;
	s10 =	sld [smem:$0x3FB4];
	_ =	sdelay $0x3  }
0x34: {  	[smem:$0x3FB4] =	sst s10  }
0x35: {  	s10 =	sld [smem:$0x3FB3];
	_ =	sdelay $0x3  }
0x36: {  	p1 =	seq.s32 s10, $0x1;
	s10 =	sld [smem:$0x3FB4];
	_ =	sdelay $0x3  }
0x37: {  	[smem:$0x3FB4] =	sst s10  }
0x38: {  	s10 =	sld [smem:$0x3FB5]  }
0x39: {  	_ = 	snop;
	(pc) =	sbr.ind lr, $3  }
0x3a: {  	_ = 	snop  }
0x3b: {  	_ = 	snop  }
0x3c: {  	p2 =	seq.s32 s10, $0x1;
	s10 =	sld [smem:$0x3FB4]  }
0x3d: {  	_ =	shalt  }
0x3e: {  	_ =	shalt  }
0x3f: {  	_ =	shalt  }
0x40: {  	_ =	shalt  }
0x41: {  	_ =	shalt  }
0x42: {  	_ =	shalt  }
0x43: {  	_ =	shalt  }
0x44: {  	_ =	shalt  }
0x45: {  	_ =	shalt  }
0x46: {  	_ =	shalt  }
0x47: {  	_ =	shalt  }
0x48: {  	_ =	shalt  }
0x49: {  	_ =	shalt  }
0x4a: {  	_ =	shalt  }
0x4b: {  	_ =	shalt  }
0x4c: {  	_ =	shalt  }
0x4d: {  	_ =	shalt  }
0x4e: {  	_ =	shalt  }
0x4f: {  	_ =	shalt  }
0x50: {  	_ =	shalt  }
0x51: {  	_ =	shalt  }
0x52: {  	_ =	shalt  }
0x53: {  	_ =	shalt  }
0x54: {  	_ =	shalt  }
0x55: {  	_ =	shalt  }
0x56: {  	_ =	shalt  }
0x57: {  	_ =	shalt  }
0x58: {  	_ =	shalt  }
0x59: {  	_ =	shalt  }
0x5a: {  	_ =	shalt  }
0x5b: {  	_ =	shalt  }
0x5c: {  	_ =	shalt  }
0x5d: {  	_ =	shalt  }
0x5e: {  	_ =	shalt  }
0x5f: {  	_ =	shalt  }
0x60: {  	_ =	shalt  }
0x61: {  	_ =	shalt  }
0x62: {  	_ =	shalt  }
0x63: {  	_ =	shalt  }
0x64: {  	_ =	shalt  }
0x65: {  	_ =	shalt  }
0x66: {  	_ =	shalt  }
0x67: {  	_ =	shalt  }
0x68: {  	_ =	shalt  }
0x69: {  	_ =	shalt  }
0x6a: {  	_ =	shalt  }
0x6b: {  	_ =	shalt  }
0x6c: {  	_ =	shalt  }
0x6d: {  	_ =	shalt  }
0x6e: {  	_ =	shalt  }
0x6f: {  	_ =	shalt  }
0x70: {  	_ =	shalt  }
0x71: {  	_ =	shalt  }
0x72: {  	_ =	shalt  }
0x73: {  	_ =	shalt  }
0x74: {  	_ =	shalt  }
0x75: {  	_ =	shalt  }
0x76: {  	_ =	shalt  }
0x77: {  	_ =	shalt  }
0x78: {  	_ =	shalt  }
0x79: {  	_ =	shalt  }
0x7a: {  	_ =	shalt  }
0x7b: {  	_ =	shalt  }
0x7c: {  	_ =	shalt  }
0x7d: {  	_ =	shalt  }
0x7e: {  	_ =	shalt  }
0x7f: {  	_ =	shalt  }
0x80: {  	_ =	shalt  }
0x81: {  	_ =	shalt  }
0x82: {  	_ =	shalt  }
0x83: {  	_ =	shalt  }
0x84: {  	_ =	shalt  }
0x85: {  	_ =	shalt  }
0x86: {  	_ =	shalt  }
0x87: {  	_ =	shalt  }
.Lfunc_end0:
.L_simem_size_0:
called_computation.1_lowered:
.L_overlay_start_0:
0x88: {  	s2 =	sld [smem:$0x3FD9]  }
0x89: {  	s3 =	sld [smem:$0x3FFE];
	_ =	sdelay $0x1  }
0x8a: {  	s1 =	srdreg.scid  }
0x8b: {  	s0 =	sand.u32 $0x1, s1  }
0x8c: {  	s16 =	sshll.u32 s0, $0xA;
	s2 =	sadd.s32 s3, s2  }
0x8d: {  	s2 =	sadd.s32 s2, s16  }
0x8e: {  	[smem:$0x3FC0] =	sst s2  }
0x8f: {  	_ = 	snop  }
0x90: {  	(tm) =	ssettm $0x1  }
0x91: {  	s17 =	sld [smem:$0x3FFB];
	_ =	sdelay $0x3  }
0x92: {  	_ =	strace s17  }
0x93: {  	s2 =	sld [smem:$0x3FFC];
	_ =	sdelay $0x3  }
0x94: {  	_ =	strace s2  }
0x95: {  	s2 =	sld [smem:$0x3FFD];
	_ =	sdelay $0x3  }
0x96: {  	_ =	strace s2  }
0x97: {  	_ =	strace $0x8FFFFFFF  }
0x98: {  	s18 =	sld [smem:$0x3FDB];
	_ =	sdelay $0x1  }
0x99: {  	s19 =	simm.s32 $_scs_section_size  }
0x9a: {  	s4 =	simm.s32 $_size__tile_overlayer_lowered;
	s5 =	simm.s32 $_tile_overlayer_lowered  }
0x9b: {  	s22 =	simm.s32 $0x1BFF;
	s21 =	sshll.u32 s5, $0x1;
	s2 =	sadd.s32 s19, s18  }
0x9c: {  	s6 =	simm.s32 $0x0;
	s20 =	sshll.u32 s4, $0x1;
	s4 =	sadd.s32 s21, s2  }
0x9d: {  	[timem:s6], [sflag:s22] =	dma.local [hbm:s4], s20  }
0x9e: {  	_ =	swait.ge [sflag:s22], s20  }
0x9f: {  	s3 =	ssub.s32 $0x0, s20;
	[sflag:s22] =	ssyncset.done $0x0  }
0xa0: {  	[sflag:s22] =	ssyncadd.s32 s3;
	_ =	sdelay $0x1  }
0xa1: {  	s23 =	simm.s32 $0x1B8B  }
0xa2: {  	_ =	swait.ge [sflag:s23], $0x1  }
0xa3: {  	[sflag:s23] =	ssyncset.done $0x0  }
0xa4: {  	s25 =	simm.s32 $0x1B8E;
	s24 =	sld [smem:$0x3FFE];
	[sflag:s23] =	ssyncadd.s32 $0xFFFFFFFF  }
0xa5: {  	s26 =	simm.s32 $execute0_lowered;
	[smem:$0x3FD2] =	sst s25  }
0xa6: {  	s4 =	sshll.u32 s26, $0x1;
	_ =	strace $0x80000049;
	[dreg:$0x1] =	wrdreg $0xFFFFFFFF  }
0xa7: {  	s28 =	simm.s32 $_size_execute0_lowered;
	s2 =	sadd.s32 s2, s4;
	[dreg:$0x0] =	wrdreg $0x0  }
0xa8: {  	s4 =	sshll.u32 s28, $0x1;
	[dreg:$0x2] =	wrdreg s2  }
0xa9: {  	[dreg:$0x3] =	wrdreg s4  }
0xaa: {  	[dreg:$0x4] =	wrdreg $0xC0  }
0xab: {  	_ =	task [dreg:s6], $0x5FFFF  }
0xac: {  	[dreg:$0x1] =	wrdreg $0xFFFFFFFF  }
0xad: {  	[dreg:$0x0] =	wrdreg $0x60  }
0xae: {  	[dreg:$0x2] =	wrdreg s24  }
0xaf: {  	[dreg:$0x3] =	wrdreg $0x0  }
0xb0: {  	[dreg:$0x4] =	wrdreg $0x9  }
0xb1: {  	_ =	task.clear_ibuf [dreg:s6], $0x5FFFF;
	_ =	strace $0x90000049  }
0xb2: {  	s29 =	simm.s32 $0x9;
	_ =	strace $0x8000004B  }
0xb3: {  	_ =	swait.ge [sflag:s29], $0x1  }
0xb4: {  	[sflag:s29] =	ssyncadd.s32 $0xFFFFFFFF  }
0xb5: {  	_ =	strace $0x9000004B  }
0xb6: {  	_ =	sfence  }
0xb7: {  	s30 =	sld [smem:$0x0];
	_ =	sdelay $0x2  }
0xb8: {  	s31 =	sshll.u32 s1, $0xD;
	s1 =	sshrl.u32 s1, $0x2  }
0xb9: {  	s3 =	sand.u32 $0x4000, s31;
	s1 =	sadd.s32 s1, s30  }
0xba: {  	s0 =	sor.u32 s3, s0;
	s1 =	sshll.u32 s1, $0x11  }
0xbb: {  	s0 =	sor.u32 s1, s0  }
0xbc: {  	s0 =	sadd.s32 $0x8F2B, s0  }
0xbd: {  	[sflag:s0] =	ssyncadd.remote.s32 $0x1  }
0xbe: {  	_ =	sfence.sel $0xFFFF  }
0xbf: {  	[dreg:$0x0] =	wrdreg $0xFFFFFFFF;
	(pc) =	sbr.abs _section_cstart, $3  }
0xc0: {  	[dreg:$0x1] =	wrdreg $0xFFFFFFFF  }
0xc1: {  	_ =	task.clear_ibuf [dreg:s6], $0x2FFFF;
	_ =	strace $0x9FFFFFFF  }
0xc2: {  	(tm) =	ssettm $0x7FFFFFFF  }
0xc3: {  	_ =	shalt  }
tec
execute0_lowered:
.L_overlay_start_1:
0x0: {  	(tag) =	ssettag $0x1  }
0x1: {  	s0 =	srdreg.scid;
	s3 =	rddreg [dreg:$0x0]  }
0x2: {  	s8 =	stileid.u32;
	s2 =	rddreg [dreg:$0x1];
	s4 =	simm.s32 $0x0  }
0x3: {  	s12 =	simm.s32 $0x11;
	s15 =	simm.s32 $0x7D;
	s16 =	simm.s32 $0xF000  }
0x4: {  	s20 =	simm.s32 $0x12E80;
	s29 =	simm.s32 $0x1AB80;
	s31 =	simm.s32 $0x1CAC0  }
0x5: {  	s14 =	simm.s32 $0x5;
	s17 =	simm.s32 $0x7;
	s18 =	simm.s32 $0x8  }
0x6: {  	s28 =	simm.s32 $0xF;
	s30 =	simm.s32 $0x10;
	s0 =	sand.u32 $0x1, s0  }
0x7: {  	s5 =	smul.u32 $0xA000, s8;
	[smem:$0x7FF] =	sst s4;
	s4 =	sadd.s32 $0x29800, s3  }
0x8: {  	s24 =	sshll.u32 s8, $0x6;
	s1 =	sshll.u32 s0, $0x4;
	s22 =	smul.u32 $0xA0000, s0  }
0x9: {  	_ =	strace $0x8000004A;
	s0 =	ssub.s32 $0x2, s0;
	s1 =	sor.u32 s8, s1  }
0xa: {  	s7 =	sshrl.u32 s0, $0x1;
	s23 =	sshrl.u32 s5, $0x3;
	s1 =	smul.u32 $0x500, s1  }
0xb: {  	s6 =	sadd.s32 s5, s22;
	s0 =	ssub.s32 s0, s7;
	s5 =	sadd.s32 s5, s2  }
0xc: {  	s22 =	simm.s32 $0xB;
	s6 =	sshrl.u32 s6, $0x3;
	s0 =	smax.u32 s0, $0x1  }
0xd: {  	s11 =	sshrl.u32 s5, $0x3;
	s1 =	sadd.s32 s1, s3;
	s3 =	sadd.s32 s6, s3  }
0xe: {  	s6 =	sadd.s32 s4, s23;
	[dreg:$0x7] =	wrdreg s0;
	s0 =	simm.s32 $0x3  }
.Ltmp0:
0xf: {  	[dreg:$0x3] =	wrdreg s6;
	s25 =	sadd.s32 $0x1F800, s1;
	(pc) =	sbr.rel .LBB2_1-.Ltmp0, $4  }
0x10: {  	s23 =	simm.s32 $0xC;
	s1 =	sadd.s32 $0x15800, s1;
	[dreg:$0x4] =	wrdreg s25  }
0x11: {  	s6 =	sor.u32 $0x1C11, s24;
	s26 =	sadd.s32 $0x3D800, s3;
	[dreg:$0x5] =	wrdreg s1  }
0x12: {  	s24 =	simm.s32 $0x16D00;
	s3 =	simm.s32 $0x0;
	[dreg:$0x6] =	wrdreg s26  }
0x13: {  	s1 =	simm.s32 $0x1;
	s25 =	simm.s32 $0xD;
	s26 =	simm.s32 $0xE  }
.LBB2_4:
0x14: {  	_ =	swait.ge [sflag:s18], $0x1F40  }
0x15: {  	[sflag:s18] =	ssyncset.done $0x0  }
0x16: {  	s5 =	simm.s32 $0x9;
	[sflag:s18] =	ssyncadd.s32 $0xFFFFE0C0  }
0x17: {  	[spmem:s2] =	stream.indirect.scatter.add.f32 [tilespmem:s31], [sflag:$0x10], $0x40, s8, s15, $0xb8;
	[tilespmem:$0x1EA00] =	vst v63  }
0x18: {  	_ =	swait.ge [sflag:s5], $0x1F40  }
0x19: {  	[sflag:s5] =	ssyncset.done $0x0  }
0x1a: {  	s13 =	simm.s32 $0xA;
	[sflag:s5] =	ssyncadd.s32 $0xFFFFE0C0  }
0x1b: {  	_ =	swait.ge [sflag:s13], $0x1F40  }
0x1c: {  	[sflag:s13] =	ssyncset.done $0x0  }
0x1d: {  	[sflag:s13] =	ssyncadd.s32 $0xFFFFE0C0  }
0x1e: {  	_ =	swait.ge [sflag:s22], $0x1F40  }
0x1f: {  	[sflag:s22] =	ssyncset.done $0x0  }
0x20: {  	[sflag:s22] =	ssyncadd.s32 $0xFFFFE0C0  }
0x21: {  	_ =	swait.ge [sflag:s23], $0x1F40  }
0x22: {  	[sflag:s23] =	ssyncset.done $0x0  }
0x23: {  	[sflag:s23] =	ssyncadd.s32 $0xFFFFE0C0  }
0x24: {  	_ =	swait.ge [sflag:s25], $0x1F40  }
0x25: {  	[sflag:s25] =	ssyncset.done $0x0  }
0x26: {  	[sflag:s25] =	ssyncadd.s32 $0xFFFFE0C0  }
0x27: {  	_ =	swait.ge [sflag:s26], $0x1F40  }
0x28: {  	[sflag:s26] =	ssyncset.done $0x0  }
0x29: {  	[sflag:s26] =	ssyncadd.s32 $0xFFFFE0C0  }
0x2a: {  	_ =	swait.ge [sflag:s28], $0x1F40  }
0x2b: {  	[sflag:s28] =	ssyncset.done $0x0  }
0x2c: {  	[sflag:s28] =	ssyncadd.s32 $0xFFFFE0C0  }
0x2d: {  	_ =	swait.ge [sflag:s30], $0x1F40  }
0x2e: {  	[sflag:s30] =	ssyncset.done $0x0  }
0x2f: {  	[sflag:s30] =	ssyncadd.s32 $0xFFFFE0C0  }
0x30: {  	[bflag:$0x0] =	sbarrier.arrive $0xFFFF  }
0x31: {  	s19 =	rddreg [dreg:$0x6]  }
0x32: {  	[hbm:s19], [sflag:s6] =	dma.local [spmem:s11], $0x1400  }
0x33: {  	_ =	swait.ge [sflag:s12], $0x1400  }
0x34: {  	s3 =	sadd.s32 $0x1, s3;
	s21 =	rddreg [dreg:$0x7]  }
0x35: {  	p0 =	sne.s32 s3, s21  }
.Ltmp1:
0x36: {  	_ = 	snop;
	(pc) =	sbr.rel @!p0 .LBB2_5-.Ltmp1, $3  }
0x37: {  	_ =	sdelay $0x1  }
0x38: {  	[sflag:s12] =	ssyncset.done $0x0  }
0x39: {  	[sflag:s12] =	ssyncadd.s32 $0xFFFFEC00  }
.LBB2_1:
0x3a: {  	s5 =	rddreg [dreg:$0x3]  }
0x3b: {  	[spmem:s11], [sflag:s6] =	dma.local [hbm:s5], $0x1400  }
0x3c: {  	_ =	swait.ge [sflag:s12], $0x1400  }
0x3d: {  	s21 =	simm.s32 $0x0;
	[sflag:s12] =	ssyncset.done $0x0  }
0x3e: {  	s8 =	simm.s32 $0xA000;
	s7 =	rddreg [dreg:$0x4];
	[sflag:s12] =	ssyncadd.s32 $0xFFFFEC00  }
0x3f: {  	[tilespmem:s8], [sflag:$0x11] =	stream.linear.gather [hbm4b:s7+s21], $0x2800, $0x38;
	[tilespmem:$0x1EA00] =	vst v63  }
0x40: {  	_ =	swait.ge [sflag:s12], $0x2800  }
0x41: {  	[sflag:s12] =	ssyncset.done $0x0  }
0x42: {  	s9 =	simm.s32 $0xC800;
	s10 =	rddreg [dreg:$0x5];
	[sflag:s12] =	ssyncadd.s32 $0xFFFFD800  }
0x43: {  	[tilespmem:s9], [sflag:$0x11] =	stream.linear.gather [hbm4b:s10+s21], $0x2800, $0x38;
	[tilespmem:$0x1EA00] =	vst v63  }
0x44: {  	_ =	swait.ge [sflag:s12], $0x2800  }
0x45: {  	[sflag:s12] =	ssyncset.done $0x0  }
0x46: {  	[sflag:s12] =	ssyncadd.s32 $0xFFFFD800  }
0x47: {  	[bflag:$0x0] =	sbarrier.arrive $0xFFFF  }
0x48: {  	[tilespmem:s16], [sflag:$0x1] =	stream.indirect.gather [hbm4b:s4+s15], $0x40, s8, s15, $0xb8;
	[tilespmem:$0x1EA00] =	vst v63  }
0x49: {  	s13 =	simm.s32 $0xA080;
	s19 =	simm.s32 $0x10F40  }
0x4a: {  	[tilespmem:s19], [sflag:$0x2] =	stream.indirect.gather [hbm4b:s4+s15], $0x40, s13, s15, $0xb8;
	[tilespmem:$0x1EA00] =	vst v63  }
0x4b: {  	s21 =	simm.s32 $0xA100  }
0x4c: {  	[tilespmem:s20], [sflag:$0x3] =	stream.indirect.gather [hbm4b:s4+s15], $0x40, s21, s15, $0xb8;
	[tilespmem:$0x1EA00] =	vst v63  }
0x4d: {  	s7 =	simm.s32 $0xA180;
	s8 =	simm.s32 $0x14DC0  }
0x4e: {  	[tilespmem:s8], [sflag:$0x4] =	stream.indirect.gather [hbm4b:s4+s15], $0x40, s7, s15, $0xb8;
	[tilespmem:$0x1EA00] =	vst v63  }
0x4f: {  	s9 =	simm.s32 $0xA200  }
0x50: {  	[tilespmem:s24], [sflag:$0x5] =	stream.indirect.gather [hbm4b:s4+s15], $0x40, s9, s15, $0xb8;
	[tilespmem:$0x1EA00] =	vst v63  }
0x51: {  	s10 =	simm.s32 $0xA280;
	s13 =	simm.s32 $0x18C40  }
0x52: {  	[tilespmem:s13], [sflag:$0x6] =	stream.indirect.gather [hbm4b:s4+s15], $0x40, s10, s15, $0xb8;
	[tilespmem:$0x1EA00] =	vst v63  }
0x53: {  	s19 =	simm.s32 $0xA300  }
0x54: {  	[tilespmem:s29], [sflag:$0x7] =	stream.indirect.gather [hbm4b:s4+s15], $0x40, s19, s15, $0xb8;
	[tilespmem:$0x1EA00] =	vst v63  }
0x55: {  	s5 =	simm.s32 $0x0;
	s21 =	simm.s32 $0xA380  }
0x56: {  	[tilespmem:s31], [sflag:$0x8] =	stream.indirect.gather [hbm4b:s4+s15], $0x40, s21, s15, $0xb8;
	[tilespmem:$0x1EA00] =	vst v63  }
.LBB2_2:
0x57: {  	_ =	swait.ge [sflag:s1], $0x1F40  }
0x58: {  	s7 =	sshra.s32 s5, $0x2;
	[sflag:s1] =	ssyncset.done $0x0  }
0x59: {  	p0 =	seq.s32 s5, $0x9000;
	s8 =	sadd.s32 $0xC800, s7;
	[sflag:s1] =	ssyncadd.s32 $0xFFFFE0C0  }
0x5a: {  	[spmem:s2] =	stream.indirect.scatter.add.f32 [tilespmem:s16], [sflag:$0x9], $0x40, s8, s15, $0xb8;
	[tilespmem:$0x1EA00] =	vst v63  }
0x5b: {  	s8 =	simm.s32 @p0 $0x2  }
0x5c: {  	_ =	swait.ge @p0 [sflag:s8], $0x1F40  }
0x5d: {  	s13 =	sshra.s32 @p0 s5, $0x2;
	s10 =	simm.s32 @p0 $0x7D;
	[sflag:s8] =	ssyncset.done @p0 $0x0  }
0x5e: {  	s9 =	simm.s32 @p0 $0x10F40;
	[sflag:s8] =	ssyncadd.s32 @p0 $0xFFFFE0C0;
	s8 =	sadd.s32 @p0 $0xC880, s13  }
0x5f: {  	[spmem:s2] =	stream.indirect.scatter.add.f32 @p0 [tilespmem:s9], [sflag:$0xA], $0x40, s8, s10, $0xb8;
	[tilespmem:$0x1EA00] =	vst v63  }
0x60: {  	s8 =	simm.s32 @!p0 $0x9  }
0x61: {  	_ =	swait.ge @!p0 [sflag:s8], $0x1F40  }
0x62: {  	[sflag:s8] =	ssyncset.done @!p0 $0x0  }
0x63: {  	[sflag:s8] =	ssyncadd.s32 @!p0 $0xFFFFE0C0;
	s8 =	sshra.s32 @!p0 s5, $0x2  }
0x64: {  	s21 =	simm.s32 @!p0 $0xF000;
	s9 =	simm.s32 @!p0 $0x7D;
	s19 =	sadd.s32 @!p0 $0xA400, s8  }
0x65: {  	[tilespmem:s21], [sflag:$0x1] =	stream.indirect.gather @!p0 [hbm4b:s4+s9], $0x40, s19, s9, $0xb8;
	[tilespmem:$0x1EA00] =	vst v63  }
0x66: {  	s19 =	simm.s32 @!p0 $0x2  }
0x67: {  	_ =	swait.ge @!p0 [sflag:s19], $0x1F40  }
0x68: {  	[sflag:s19] =	ssyncset.done @!p0 $0x0  }
0x69: {  	s21 =	simm.s32 @!p0 $0x10F40;
	[sflag:s19] =	ssyncadd.s32 @!p0 $0xFFFFE0C0;
	s19 =	sadd.s32 @!p0 $0xC880, s8  }
0x6a: {  	[spmem:s2] =	stream.indirect.scatter.add.f32 @!p0 [tilespmem:s21], [sflag:$0xA], $0x40, s19, s9, $0xb8;
	[tilespmem:$0x1EA00] =	vst v63  }
0x6b: {  	s19 =	simm.s32 @!p0 $0xA  }
0x6c: {  	_ =	swait.ge @!p0 [sflag:s19], $0x1F40  }
0x6d: {  	[sflag:s19] =	ssyncset.done @!p0 $0x0  }
0x6e: {  	[sflag:s19] =	ssyncadd.s32 @!p0 $0xFFFFE0C0;
	s19 =	sadd.s32 @!p0 $0xA480, s8  }
0x6f: {  	[tilespmem:s21], [sflag:$0x2] =	stream.indirect.gather @!p0 [hbm4b:s4+s9], $0x40, s19, s9, $0xb8;
	[tilespmem:$0x1EA00] =	vst v63  }
0x70: {  	_ =	swait.ge [sflag:s0], $0x1F40  }
0x71: {  	[sflag:s0] =	ssyncset.done $0x0  }
0x72: {  	s21 =	sadd.s32 $0xC900, s7;
	s19 =	simm.s32 @p0 $0x4;
	[sflag:s0] =	ssyncadd.s32 $0xFFFFE0C0  }
0x73: {  	[spmem:s2] =	stream.indirect.scatter.add.f32 [tilespmem:s20], [sflag:$0xB], $0x40, s21, s15, $0xb8;
	[tilespmem:$0x1EA00] =	vst v63  }
0x74: {  	_ =	swait.ge @p0 [sflag:s19], $0x1F40  }
0x75: {  	[sflag:s19] =	ssyncset.done @p0 $0x0  }
0x76: {  	s21 =	simm.s32 @p0 $0x14DC0;
	[sflag:s19] =	ssyncadd.s32 @p0 $0xFFFFE0C0;
	s19 =	sadd.s32 @p0 $0xC980, s13  }
0x77: {  	[spmem:s2] =	stream.indirect.scatter.add.f32 @p0 [tilespmem:s21], [sflag:$0xC], $0x40, s19, s10, $0xb8;
	[tilespmem:$0x1EA00] =	vst v63  }
0x78: {  	s19 =	simm.s32 @!p0 $0xB  }
0x79: {  	_ =	swait.ge @!p0 [sflag:s19], $0x1F40  }
0x7a: {  	[sflag:s19] =	ssyncset.done @!p0 $0x0  }
0x7b: {  	s21 =	simm.s32 @!p0 $0x12E80;
	[sflag:s19] =	ssyncadd.s32 @!p0 $0xFFFFE0C0;
	s19 =	sadd.s32 @!p0 $0xA500, s8  }
0x7c: {  	[tilespmem:s21], [sflag:$0x3] =	stream.indirect.gather @!p0 [hbm4b:s4+s9], $0x40, s19, s9, $0xb8;
	[tilespmem:$0x1EA00] =	vst v63  }
0x7d: {  	s19 =	simm.s32 @!p0 $0x4  }
0x7e: {  	_ =	swait.ge @!p0 [sflag:s19], $0x1F40  }
0x7f: {  	[sflag:s19] =	ssyncset.done @!p0 $0x0  }
0x80: {  	s21 =	simm.s32 @!p0 $0x14DC0;
	[sflag:s19] =	ssyncadd.s32 @!p0 $0xFFFFE0C0;
	s19 =	sadd.s32 @!p0 $0xC980, s8  }
0x81: {  	[spmem:s2] =	stream.indirect.scatter.add.f32 @!p0 [tilespmem:s21], [sflag:$0xC], $0x40, s19, s9, $0xb8;
	[tilespmem:$0x1EA00] =	vst v63  }
0x82: {  	s19 =	simm.s32 @!p0 $0xC  }
0x83: {  	_ =	swait.ge @!p0 [sflag:s19], $0x1F40  }
0x84: {  	[sflag:s19] =	ssyncset.done @!p0 $0x0  }
0x85: {  	[sflag:s19] =	ssyncadd.s32 @!p0 $0xFFFFE0C0;
	s19 =	sadd.s32 @!p0 $0xA580, s8  }
0x86: {  	[tilespmem:s21], [sflag:$0x4] =	stream.indirect.gather @!p0 [hbm4b:s4+s9], $0x40, s19, s9, $0xb8;
	[tilespmem:$0x1EA00] =	vst v63  }
0x87: {  	_ =	swait.ge [sflag:s14], $0x1F40  }
0x88: {  	[sflag:s14] =	ssyncset.done $0x0  }
0x89: {  	s21 =	sadd.s32 $0xCA00, s7;
	s19 =	simm.s32 @p0 $0x6;
	[sflag:s14] =	ssyncadd.s32 $0xFFFFE0C0  }
0x8a: {  	[spmem:s2] =	stream.indirect.scatter.add.f32 [tilespmem:s24], [sflag:$0xD], $0x40, s21, s15, $0xb8;
	[tilespmem:$0x1EA00] =	vst v63  }
0x8b: {  	_ =	swait.ge @p0 [sflag:s19], $0x1F40  }
0x8c: {  	[sflag:s19] =	ssyncset.done @p0 $0x0  }
0x8d: {  	s13 =	sadd.s32 @p0 $0xCA80, s13;
	[sflag:s19] =	ssyncadd.s32 @p0 $0xFFFFE0C0;
	s19 =	simm.s32 @p0 $0x18C40  }
0x8e: {  	[spmem:s2] =	stream.indirect.scatter.add.f32 @p0 [tilespmem:s19], [sflag:$0xE], $0x40, s13, s10, $0xb8;
	[tilespmem:$0x1EA00] =	vst v63  }
0x8f: {  	s10 =	simm.s32 @!p0 $0xD  }
0x90: {  	_ =	swait.ge @!p0 [sflag:s10], $0x1F40  }
0x91: {  	[sflag:s10] =	ssyncset.done @!p0 $0x0  }
0x92: {  	s13 =	simm.s32 @!p0 $0x16D00;
	[sflag:s10] =	ssyncadd.s32 @!p0 $0xFFFFE0C0;
	s10 =	sadd.s32 @!p0 $0xA600, s8  }
0x93: {  	[tilespmem:s13], [sflag:$0x5] =	stream.indirect.gather @!p0 [hbm4b:s4+s9], $0x40, s10, s9, $0xb8;
	[tilespmem:$0x1EA00] =	vst v63  }
0x94: {  	s10 =	simm.s32 @!p0 $0x6  }
0x95: {  	_ =	swait.ge @!p0 [sflag:s10], $0x1F40  }
0x96: {  	[sflag:s10] =	ssyncset.done @!p0 $0x0  }
0x97: {  	s13 =	simm.s32 @!p0 $0x18C40;
	[sflag:s10] =	ssyncadd.s32 @!p0 $0xFFFFE0C0;
	s10 =	sadd.s32 @!p0 $0xCA80, s8  }
0x98: {  	[spmem:s2] =	stream.indirect.scatter.add.f32 @!p0 [tilespmem:s13], [sflag:$0xE], $0x40, s10, s9, $0xb8;
	[tilespmem:$0x1EA00] =	vst v63  }
0x99: {  	s10 =	simm.s32 @!p0 $0xE  }
0x9a: {  	_ =	swait.ge @!p0 [sflag:s10], $0x1F40  }
0x9b: {  	[sflag:s10] =	ssyncset.done @!p0 $0x0  }
0x9c: {  	s8 =	sadd.s32 @!p0 $0xA680, s8;
	[sflag:s10] =	ssyncadd.s32 @!p0 $0xFFFFE0C0  }
0x9d: {  	[tilespmem:s13], [sflag:$0x6] =	stream.indirect.gather @!p0 [hbm4b:s4+s9], $0x40, s8, s9, $0xb8;
	[tilespmem:$0x1EA00] =	vst v63  }
.Ltmp2:
0x9e: {  	_ = 	snop;
	(pc) =	sbr.rel @p0 .LBB2_4-.Ltmp2, $4  }
0x9f: {  	_ =	swait.ge [sflag:s17], $0x1F40  }
0xa0: {  	[sflag:s17] =	ssyncset.done $0x0  }
0xa1: {  	s21 =	sadd.s32 $0xCB00, s7;
	s8 =	sadd.s32 $0xCB80, s7;
	[sflag:s17] =	ssyncadd.s32 $0xFFFFE0C0  }
0xa2: {  	[spmem:s2] =	stream.indirect.scatter.add.f32 [tilespmem:s29], [sflag:$0xF], $0x40, s21, s15, $0xb8;
	[tilespmem:$0x1EA00] =	vst v63  }
0xa3: {  	_ =	swait.ge [sflag:s28], $0x1F40  }
0xa4: {  	[sflag:s28] =	ssyncset.done $0x0  }
0xa5: {  	s9 =	sadd.s32 $0xA700, s7;
	[sflag:s28] =	ssyncadd.s32 $0xFFFFE0C0  }
0xa6: {  	[tilespmem:s29], [sflag:$0x7] =	stream.indirect.gather [hbm4b:s4+s15], $0x40, s9, s15, $0xb8;
	[tilespmem:$0x1EA00] =	vst v63  }
0xa7: {  	_ =	swait.ge [sflag:s18], $0x1F40  }
0xa8: {  	[sflag:s18] =	ssyncset.done $0x0  }
0xa9: {  	[sflag:s18] =	ssyncadd.s32 $0xFFFFE0C0  }
0xaa: {  	[spmem:s2] =	stream.indirect.scatter.add.f32 [tilespmem:s31], [sflag:$0x10], $0x40, s8, s15, $0xb8;
	[tilespmem:$0x1EA00] =	vst v63  }
.Ltmp3:
0xab: {  	_ = 	snop;
	(pc) =	sbr.rel .LBB2_2-.Ltmp3, $4  }
0xac: {  	_ =	swait.ge [sflag:s30], $0x1F40  }
0xad: {  	[sflag:s30] =	ssyncset.done $0x0  }
0xae: {  	s21 =	sadd.s32 $0xA780, s7;
	s5 =	sadd.s32 $0x1000, s5;
	[sflag:s30] =	ssyncadd.s32 $0xFFFFE0C0  }
0xaf: {  	[tilespmem:s31], [sflag:$0x8] =	stream.indirect.gather [hbm4b:s4+s15], $0x40, s21, s15, $0xb8;
	[tilespmem:$0x1EA00] =	vst v63  }
.LBB2_5:
0xb0: {  	_ =	sfence.sel $0x180000  }
0xb1: {  	[bflag:$0x0] =	sbarrier.arrive $0xFFFF  }
0xb2: {  	_ =	strace $0x9000004A  }
0xb3: {  	s0 =	stileid.u32;
	[bflag:$0x2] =	sbarrier.arrive $0xFFFF  }
0xb4: {  	p0 =	sne.s32 s0, $0x0;
	s0 =	rddreg [dreg:$0x2]  }
0xb5: {  	s0 =	sadd.s32 @!p0 $0x100000, s0  }
0xb6: {  	[sflag:s0] =	ssyncadd.tile.s32 @!p0 $0x1;
	_ =	shalt  }
.Lfunc_end2:
_tile_overlayer_lowered:
.L_overlay_start_2:
0xb7: {  	(tag) =	ssettag $0x2  }
0xb8: {  	s0 =	rddreg [dreg:$0x0];
	s2 =	stileid.u32  }
0xb9: {  	s1 =	rddreg [dreg:$0x1];
	p0 =	sne.s32 s2, $0x0  }
0xba: {  	s3 =	rddreg [dreg:$0x2];
	[bflag:$0x3] =	sbarrier.arrive $0xFFFF;
	s2 =	simm.s32 @!p0 $0x1C11  }
0xbb: {  	[timem:s3], [sflag:s2] =	dma.local @!p0 [hbm:s0], s1  }
0xbc: {  	s0 =	simm.s32 @!p0 $0x11  }
0xbd: {  	_ =	swait.ge @!p0 [sflag:s0], s1  }
0xbe: {  	s1 =	ssub.s32 @!p0 $0x0, s1;
	[sflag:s0] =	ssyncset.done @!p0 $0x0  }
0xbf: {  	[sflag:s0] =	ssyncadd.s32 @!p0 s1  }
0xc0: {  	[bflag:$0x3] =	sbarrier.arrive $0xFFFF  }
0xc1: {  	_ =	shalt  }

// kernel: kernel.15.cloned.1.call-start
scs
__scs_entry_jumppad:
0x0: {  	(pc) =	sbr.rel $0x88, $3  }
0x1: {  	(tag) =	ssettag $0x0;
	lr =	simm.s32 $0x1  }
0x2: {  	[smem:$0x3F99] =	sst lr;
	_ =	strace $0xD0000000  }
0x3: {  	_ = 	snop  }
0x4: {  	_ = 	snop  }
0x5: {  	_ = 	snop  }
0x6: {  	_ = 	snop  }
0x7: {  	_ = 	snop  }
__scs_overlays_trampoline_lowered:
0x8: {  	[smem:$0x3FA8] =	sst s0  }
0x9: {  	[smem:$0x3FA9] =	sst s1  }
0xa: {  	[smem:$0x3FAA] =	sst s2  }
0xb: {  	[smem:$0x3FAB] =	sst s3  }
0xc: {  	[smem:$0x3FAC] =	sst s4  }
0xd: {  	[smem:$0x3FAD] =	sst s5  }
0xe: {  	[smem:$0x3FAE] =	sst s6  }
0xf: {  	[smem:$0x3FAF] =	sst s7  }
0x10: {  	[smem:$0x3FB0] =	sst s8  }
0x11: {  	[smem:$0x3FB1] =	sst s9;
	s0 =	simm.s32 @!p0 $0x0  }
0x12: {  	s1 =	sld [smem:$0x3F97];
	s0 =	simm.s32 @p0 $0x1  }
0x13: {  	[smem:$0x3FB2] =	sst s0;
	s0 =	simm.s32 @!p1 $0x0  }
0x14: {  	s2 =	sld [smem:$0x3F96];
	s0 =	simm.s32 @p1 $0x1  }
0x15: {  	[smem:$0x3FB3] =	sst s0;
	s0 =	simm.s32 @!p2 $0x0  }
0x16: {  	s3 =	sld [smem:$0x3FDB];
	s0 =	simm.s32 @p2 $0x1  }
0x17: {  	s4 =	simm.s32 $0x1BF5;
	[smem:$0x3FB5] =	sst s0  }
0x18: {  	s0 =	sld [smem:$0x3F98];
	_ =	swait.ge [sflag:s4], $0x0  }
0x19: {  	s7 =	sld [smem:$0x3F99]  }
0x1a: {  	s8 =	sadd.s32 $0xFFFFE003, lr  }
0x1b: {  	s9 =	sadd.s32 $0xFFFFFEF7, lr;
	s5 =	simm.s32 $0xFFFFFFFF;
	p2 =	slt.u32 s8, $0xFFFFF086  }
0x1c: {  	p1 =	slt.u32 s9, $0xF7A;
	s5 =	simm.s32 @!p2 $0x0  }
0x1d: {  	s5 =	simm.s32 @p1 $0x1;
	p0 =	seq.s32 s7, s2  }
0x1e: {  	s7 =	smul.u32 @!p0 $0xF7A, s2;
	p2 =	seq.s32 @!p0 s5, $0x0  }
0x1f: {  	s9 =	smul.u32 $0xF7A, s1;
	s8 =	simm.s32 @!p0 $0x1BF5;
	p2 =	por !p2, p0  }
0x20: {  	[sflag:s8] =	ssyncset.s32 @!p0 $0xFFFFF086;
	s6 =	sadd.s32 @!p0 s3, s7;
	s7 =	simm.s32 @!p0 $0x108  }
0x21: {  	s3 =	sadd.s32 s3, s9;
	s6 =	sadd.s32 @!p0 $0x88, s6;
	s7 =	simm.s32 @p2 $0x1082  }
0x22: {  	[simem:s7], [sflag:s8] =	dma.local @!p0 [hbm:s6], $0xF7A  }
0x23: {  	s9 =	sor.u32 $0xD0000000, s2;
	s6 =	simm.s32 $0x108;
	_ =	swait.ge @!p0 [sflag:s8], $0x0  }
0x24: {  	s3 =	sadd.s32 $0x88, s3;
	s6 =	simm.s32 @!p1 $0x1082;
	[sflag:s4] =	ssyncset.s32 $0xFFFFF086  }
0x25: {  	[simem:s6], [sflag:s4] =	dma.local [hbm:s3], $0xF7A  }
0x26: {  	[smem:$0x3F99] =	sst s1;
	(tag) =	ssettag s2;
	_ =	strace s9  }
0x27: {  	s1 =	sld [smem:$0x3FA9]  }
0x28: {  	s2 =	sld [smem:$0x3FAA]  }
0x29: {  	s4 =	sld [smem:$0x3FAC]  }
0x2a: {  	p0 =	seq.s32 s5, $0x0;
	s5 =	sld [smem:$0x3FAD]  }
0x2b: {  	s6 =	sld [smem:$0x3FAE]  }
0x2c: {  	s7 =	sld [smem:$0x3FAF]  }
0x2d: {  	s3 =	simm.s32 $0x108;
	s8 =	sld [smem:$0x3FB0]  }
0x2e: {  	s3 =	simm.s32 @!p0 $0x1082;
	s9 =	sld [smem:$0x3FB1]  }
0x2f: {  	lr =	sadd.s32 s0, s3;
	s0 =	sld [smem:$0x3FA8]  }
0x30: {  	s3 =	sld [smem:$0x3FAB]  }
0x31: {  	[smem:$0x3FB4] =	sst s10  }
0x32: {  	s10 =	sld [smem:$0x3FB2];
	_ =	sdelay $0x3  }
0x33: {  	p0 =	seq.s32 s10, $0x1;
	s10 =	sld [smem:$0x3FB4];
	_ =	sdelay $0x3  }
0x34: {  	[smem:$0x3FB4] =	sst s10  }
0x35: {  	s10 =	sld [smem:$0x3FB3];
	_ =	sdelay $0x3  }
0x36: {  	p1 =	seq.s32 s10, $0x1;
	s10 =	sld [smem:$0x3FB4];
	_ =	sdelay $0x3  }
0x37: {  	[smem:$0x3FB4] =	sst s10  }
0x38: {  	s10 =	sld [smem:$0x3FB5]  }
0x39: {  	_ = 	snop;
	(pc) =	sbr.ind lr, $3  }
0x3a: {  	_ = 	snop  }
0x3b: {  	_ = 	snop  }
0x3c: {  	p2 =	seq.s32 s10, $0x1;
	s10 =	sld [smem:$0x3FB4]  }
0x3d: {  	_ =	shalt  }
0x3e: {  	_ =	shalt  }
0x3f: {  	_ =	shalt  }
0x40: {  	_ =	shalt  }
0x41: {  	_ =	shalt  }
0x42: {  	_ =	shalt  }
0x43: {  	_ =	shalt  }
0x44: {  	_ =	shalt  }
0x45: {  	_ =	shalt  }
0x46: {  	_ =	shalt  }
0x47: {  	_ =	shalt  }
0x48: {  	_ =	shalt  }
0x49: {  	_ =	shalt  }
0x4a: {  	_ =	shalt  }
0x4b: {  	_ =	shalt  }
0x4c: {  	_ =	shalt  }
0x4d: {  	_ =	shalt  }
0x4e: {  	_ =	shalt  }
0x4f: {  	_ =	shalt  }
0x50: {  	_ =	shalt  }
0x51: {  	_ =	shalt  }
0x52: {  	_ =	shalt  }
0x53: {  	_ =	shalt  }
0x54: {  	_ =	shalt  }
0x55: {  	_ =	shalt  }
0x56: {  	_ =	shalt  }
0x57: {  	_ =	shalt  }
0x58: {  	_ =	shalt  }
0x59: {  	_ =	shalt  }
0x5a: {  	_ =	shalt  }
0x5b: {  	_ =	shalt  }
0x5c: {  	_ =	shalt  }
0x5d: {  	_ =	shalt  }
0x5e: {  	_ =	shalt  }
0x5f: {  	_ =	shalt  }
0x60: {  	_ =	shalt  }
0x61: {  	_ =	shalt  }
0x62: {  	_ =	shalt  }
0x63: {  	_ =	shalt  }
0x64: {  	_ =	shalt  }
0x65: {  	_ =	shalt  }
0x66: {  	_ =	shalt  }
0x67: {  	_ =	shalt  }
0x68: {  	_ =	shalt  }
0x69: {  	_ =	shalt  }
0x6a: {  	_ =	shalt  }
0x6b: {  	_ =	shalt  }
0x6c: {  	_ =	shalt  }
0x6d: {  	_ =	shalt  }
0x6e: {  	_ =	shalt  }
0x6f: {  	_ =	shalt  }
0x70: {  	_ =	shalt  }
0x71: {  	_ =	shalt  }
0x72: {  	_ =	shalt  }
0x73: {  	_ =	shalt  }
0x74: {  	_ =	shalt  }
0x75: {  	_ =	shalt  }
0x76: {  	_ =	shalt  }
0x77: {  	_ =	shalt  }
0x78: {  	_ =	shalt  }
0x79: {  	_ =	shalt  }
0x7a: {  	_ =	shalt  }
0x7b: {  	_ =	shalt  }
0x7c: {  	_ =	shalt  }
0x7d: {  	_ =	shalt  }
0x7e: {  	_ =	shalt  }
0x7f: {  	_ =	shalt  }
0x80: {  	_ =	shalt  }
0x81: {  	_ =	shalt  }
0x82: {  	_ =	shalt  }
0x83: {  	_ =	shalt  }
0x84: {  	_ =	shalt  }
0x85: {  	_ =	shalt  }
0x86: {  	_ =	shalt  }
0x87: {  	_ =	shalt  }
.Lfunc_end0:
.L_simem_size_0:
called_computation.2_lowered:
.L_overlay_start_0:
0x88: {  	s2 =	sld [smem:$0x3FD9]  }
0x89: {  	s3 =	sld [smem:$0x3FFE];
	_ =	sdelay $0x1  }
0x8a: {  	s1 =	srdreg.scid  }
0x8b: {  	s0 =	sand.u32 $0x1, s1  }
0x8c: {  	s16 =	sshll.u32 s0, $0xA;
	s2 =	sadd.s32 s3, s2  }
0x8d: {  	s2 =	sadd.s32 s2, s16  }
0x8e: {  	[smem:$0x3FC0] =	sst s2  }
0x8f: {  	_ = 	snop  }
0x90: {  	(tm) =	ssettm $0x1  }
0x91: {  	s17 =	sld [smem:$0x3FFB];
	_ =	sdelay $0x3  }
0x92: {  	_ =	strace s17  }
0x93: {  	s2 =	sld [smem:$0x3FFC];
	_ =	sdelay $0x3  }
0x94: {  	_ =	strace s2  }
0x95: {  	s2 =	sld [smem:$0x3FFD];
	_ =	sdelay $0x3  }
0x96: {  	_ =	strace s2  }
0x97: {  	_ =	strace $0x8FFFFFFF  }
0x98: {  	s18 =	sld [smem:$0x3FDB];
	_ =	sdelay $0x1  }
0x99: {  	s19 =	simm.s32 $_scs_section_size  }
0x9a: {  	s4 =	simm.s32 $_size__tile_overlayer_lowered;
	s5 =	simm.s32 $_tile_overlayer_lowered  }
0x9b: {  	s22 =	simm.s32 $0x1BFF;
	s21 =	sshll.u32 s5, $0x1;
	s2 =	sadd.s32 s19, s18  }
0x9c: {  	s6 =	simm.s32 $0x0;
	s20 =	sshll.u32 s4, $0x1;
	s4 =	sadd.s32 s21, s2  }
0x9d: {  	[timem:s6], [sflag:s22] =	dma.local [hbm:s4], s20  }
0x9e: {  	_ =	swait.ge [sflag:s22], s20  }
0x9f: {  	s3 =	ssub.s32 $0x0, s20;
	[sflag:s22] =	ssyncset.done $0x0  }
0xa0: {  	[sflag:s22] =	ssyncadd.s32 s3;
	_ =	sdelay $0x1  }
0xa1: {  	s23 =	simm.s32 $0x1B8B  }
0xa2: {  	_ =	swait.ge [sflag:s23], $0x1  }
0xa3: {  	[sflag:s23] =	ssyncset.done $0x0  }
0xa4: {  	s25 =	simm.s32 $0x1B8E;
	s24 =	sld [smem:$0x3FFE];
	[sflag:s23] =	ssyncadd.s32 $0xFFFFFFFF  }
0xa5: {  	s26 =	simm.s32 $execute0_lowered;
	[smem:$0x3FD2] =	sst s25  }
0xa6: {  	s4 =	sshll.u32 s26, $0x1;
	_ =	strace $0x8000004C;
	[dreg:$0x1] =	wrdreg $0xFFFFFFFF  }
0xa7: {  	s28 =	simm.s32 $_size_execute0_lowered;
	s2 =	sadd.s32 s2, s4;
	[dreg:$0x0] =	wrdreg $0x0  }
0xa8: {  	s4 =	sshll.u32 s28, $0x1;
	[dreg:$0x2] =	wrdreg s2  }
0xa9: {  	[dreg:$0x3] =	wrdreg s4  }
0xaa: {  	[dreg:$0x4] =	wrdreg $0xC0  }
0xab: {  	_ =	task [dreg:s6], $0x5FFFF  }
0xac: {  	[dreg:$0x1] =	wrdreg $0xFFFFFFFF  }
0xad: {  	[dreg:$0x0] =	wrdreg $0x60  }
0xae: {  	[dreg:$0x2] =	wrdreg s24  }
0xaf: {  	[dreg:$0x3] =	wrdreg $0x0  }
0xb0: {  	[dreg:$0x4] =	wrdreg $0x9  }
0xb1: {  	_ =	task.clear_ibuf [dreg:s6], $0x5FFFF;
	_ =	strace $0x9000004C  }
0xb2: {  	s29 =	simm.s32 $0x9;
	_ =	strace $0x8000004E  }
0xb3: {  	_ =	swait.ge [sflag:s29], $0x1  }
0xb4: {  	[sflag:s29] =	ssyncadd.s32 $0xFFFFFFFF  }
0xb5: {  	_ =	strace $0x9000004E  }
0xb6: {  	_ =	sfence  }
0xb7: {  	s30 =	sld [smem:$0x0];
	_ =	sdelay $0x2  }
0xb8: {  	s31 =	sshll.u32 s1, $0xD;
	s1 =	sshrl.u32 s1, $0x2  }
0xb9: {  	s3 =	sand.u32 $0x4000, s31;
	s1 =	sadd.s32 s1, s30  }
0xba: {  	s0 =	sor.u32 s3, s0;
	s1 =	sshll.u32 s1, $0x11  }
0xbb: {  	s0 =	sor.u32 s1, s0  }
0xbc: {  	s0 =	sadd.s32 $0x8F2B, s0  }
0xbd: {  	[sflag:s0] =	ssyncadd.remote.s32 $0x1  }
0xbe: {  	_ =	sfence.sel $0xFFFF  }
0xbf: {  	[dreg:$0x0] =	wrdreg $0xFFFFFFFF;
	(pc) =	sbr.abs _section_cstart, $3  }
0xc0: {  	[dreg:$0x1] =	wrdreg $0xFFFFFFFF  }
0xc1: {  	_ =	task.clear_ibuf [dreg:s6], $0x2FFFF;
	_ =	strace $0x9FFFFFFF  }
0xc2: {  	(tm) =	ssettm $0x7FFFFFFF  }
0xc3: {  	_ =	shalt  }
tec
execute0_lowered:
.L_overlay_start_1:
0x0: {  	(tag) =	ssettag $0x1  }
0x1: {  	s0 =	srdreg.scid;
	s3 =	rddreg [dreg:$0x0]  }
0x2: {  	s8 =	stileid.u32;
	s2 =	rddreg [dreg:$0x1];
	s4 =	simm.s32 $0x0  }
0x3: {  	s12 =	simm.s32 $0x11;
	s15 =	simm.s32 $0x7D;
	s16 =	simm.s32 $0xA000  }
0x4: {  	s20 =	simm.s32 $0xBF40;
	s29 =	simm.s32 $0xFDC0;
	s31 =	simm.s32 $0x10D60  }
0x5: {  	s14 =	simm.s32 $0x5;
	s17 =	simm.s32 $0x7;
	s18 =	simm.s32 $0x8  }
0x6: {  	s28 =	simm.s32 $0xF;
	s30 =	simm.s32 $0x10;
	s0 =	sand.u32 $0x1, s0  }
0x7: {  	s5 =	smul.u32 $0x5000, s8;
	[smem:$0x7FF] =	sst s4;
	s4 =	sadd.s32 $0x1A00, s3  }
0x8: {  	s24 =	sshll.u32 s8, $0x6;
	s1 =	sshll.u32 s0, $0x4;
	s22 =	smul.u32 $0x50000, s0  }
0x9: {  	_ =	strace $0x8000004D;
	s0 =	ssub.s32 $0x2, s0;
	s1 =	sor.u32 s8, s1  }
0xa: {  	s7 =	sshrl.u32 s0, $0x1;
	s23 =	sshrl.u32 s5, $0x3;
	s1 =	smul.u32 $0x500, s1  }
0xb: {  	s6 =	sadd.s32 s5, s22;
	s0 =	ssub.s32 s0, s7;
	s5 =	sadd.s32 s5, s2  }
0xc: {  	s22 =	simm.s32 $0xB;
	s6 =	sshrl.u32 s6, $0x3;
	s0 =	smax.u32 s0, $0x1  }
0xd: {  	s11 =	sshrl.u32 s5, $0x3;
	s1 =	sadd.s32 s1, s3;
	s3 =	sadd.s32 s6, s3  }
0xe: {  	s6 =	sadd.s32 s4, s23;
	[dreg:$0x7] =	wrdreg s0;
	s0 =	simm.s32 $0x3  }
.Ltmp0:
0xf: {  	[dreg:$0x3] =	wrdreg s6;
	s25 =	sadd.s32 $0x1F800, s1;
	(pc) =	sbr.rel .LBB2_1-.Ltmp0, $4  }
0x10: {  	s23 =	simm.s32 $0xC;
	s1 =	sadd.s32 $0x15800, s1;
	[dreg:$0x4] =	wrdreg s25  }
0x11: {  	s6 =	sor.u32 $0x1C11, s24;
	s26 =	sadd.s32 $0x29800, s3;
	[dreg:$0x5] =	wrdreg s1  }
0x12: {  	s24 =	simm.s32 $0xDE80;
	s3 =	simm.s32 $0x0;
	[dreg:$0x6] =	wrdreg s26  }
0x13: {  	s1 =	simm.s32 $0x1;
	s25 =	simm.s32 $0xD;
	s26 =	simm.s32 $0xE  }
.LBB2_4:
0x14: {  	_ =	swait.ge [sflag:s18], $0xFA0  }
0x15: {  	[sflag:s18] =	ssyncset.done $0x0  }
0x16: {  	s5 =	simm.s32 $0x9;
	[sflag:s18] =	ssyncadd.s32 $0xFFFFF060  }
0x17: {  	[spmem:s2] =	stream.indirect.scatter.add.f32 [tilespmem:s31], [sflag:$0x10], $0x20, s8, s15, $0xb8;
	[tilespmem:$0x11D00] =	vst v63  }
0x18: {  	_ =	swait.ge [sflag:s5], $0xFA0  }
0x19: {  	[sflag:s5] =	ssyncset.done $0x0  }
0x1a: {  	s13 =	simm.s32 $0xA;
	[sflag:s5] =	ssyncadd.s32 $0xFFFFF060  }
0x1b: {  	_ =	swait.ge [sflag:s13], $0xFA0  }
0x1c: {  	[sflag:s13] =	ssyncset.done $0x0  }
0x1d: {  	[sflag:s13] =	ssyncadd.s32 $0xFFFFF060  }
0x1e: {  	_ =	swait.ge [sflag:s22], $0xFA0  }
0x1f: {  	[sflag:s22] =	ssyncset.done $0x0  }
0x20: {  	[sflag:s22] =	ssyncadd.s32 $0xFFFFF060  }
0x21: {  	_ =	swait.ge [sflag:s23], $0xFA0  }
0x22: {  	[sflag:s23] =	ssyncset.done $0x0  }
0x23: {  	[sflag:s23] =	ssyncadd.s32 $0xFFFFF060  }
0x24: {  	_ =	swait.ge [sflag:s25], $0xFA0  }
0x25: {  	[sflag:s25] =	ssyncset.done $0x0  }
0x26: {  	[sflag:s25] =	ssyncadd.s32 $0xFFFFF060  }
0x27: {  	_ =	swait.ge [sflag:s26], $0xFA0  }
0x28: {  	[sflag:s26] =	ssyncset.done $0x0  }
0x29: {  	[sflag:s26] =	ssyncadd.s32 $0xFFFFF060  }
0x2a: {  	_ =	swait.ge [sflag:s28], $0xFA0  }
0x2b: {  	[sflag:s28] =	ssyncset.done $0x0  }
0x2c: {  	[sflag:s28] =	ssyncadd.s32 $0xFFFFF060  }
0x2d: {  	_ =	swait.ge [sflag:s30], $0xFA0  }
0x2e: {  	[sflag:s30] =	ssyncset.done $0x0  }
0x2f: {  	[sflag:s30] =	ssyncadd.s32 $0xFFFFF060  }
0x30: {  	[bflag:$0x0] =	sbarrier.arrive $0xFFFF  }
0x31: {  	s19 =	rddreg [dreg:$0x6]  }
0x32: {  	[hbm:s19], [sflag:s6] =	dma.local [spmem:s11], $0xA00  }
0x33: {  	_ =	swait.ge [sflag:s12], $0xA00  }
0x34: {  	s3 =	sadd.s32 $0x1, s3;
	s21 =	rddreg [dreg:$0x7]  }
0x35: {  	p0 =	sne.s32 s3, s21  }
.Ltmp1:
0x36: {  	_ = 	snop;
	(pc) =	sbr.rel @!p0 .LBB2_5-.Ltmp1, $3  }
0x37: {  	_ =	sdelay $0x1  }
0x38: {  	[sflag:s12] =	ssyncset.done $0x0  }
0x39: {  	[sflag:s12] =	ssyncadd.s32 $0xFFFFF600  }
.LBB2_1:
0x3a: {  	s5 =	rddreg [dreg:$0x3]  }
0x3b: {  	[spmem:s11], [sflag:s6] =	dma.local [hbm:s5], $0xA00  }
0x3c: {  	_ =	swait.ge [sflag:s12], $0xA00  }
0x3d: {  	s21 =	simm.s32 $0x0;
	[sflag:s12] =	ssyncset.done $0x0  }
0x3e: {  	s8 =	simm.s32 $0x5000;
	s7 =	rddreg [dreg:$0x4];
	[sflag:s12] =	ssyncadd.s32 $0xFFFFF600  }
0x3f: {  	[tilespmem:s8], [sflag:$0x11] =	stream.linear.gather [hbm4b:s7+s21], $0x2800, $0x38;
	[tilespmem:$0x11D00] =	vst v63  }
0x40: {  	_ =	swait.ge [sflag:s12], $0x2800  }
0x41: {  	[sflag:s12] =	ssyncset.done $0x0  }
0x42: {  	s9 =	simm.s32 $0x7800;
	s10 =	rddreg [dreg:$0x5];
	[sflag:s12] =	ssyncadd.s32 $0xFFFFD800  }
0x43: {  	[tilespmem:s9], [sflag:$0x11] =	stream.linear.gather [hbm4b:s10+s21], $0x2800, $0x38;
	[tilespmem:$0x11D00] =	vst v63  }
0x44: {  	_ =	swait.ge [sflag:s12], $0x2800  }
0x45: {  	[sflag:s12] =	ssyncset.done $0x0  }
0x46: {  	[sflag:s12] =	ssyncadd.s32 $0xFFFFD800  }
0x47: {  	[bflag:$0x0] =	sbarrier.arrive $0xFFFF  }
0x48: {  	[tilespmem:s16], [sflag:$0x1] =	stream.indirect.gather [hbm4b:s4+s15], $0x20, s8, s15, $0xb8;
	[tilespmem:$0x11D00] =	vst v63  }
0x49: {  	s13 =	simm.s32 $0x5080;
	s19 =	simm.s32 $0xAFA0  }
0x4a: {  	[tilespmem:s19], [sflag:$0x2] =	stream.indirect.gather [hbm4b:s4+s15], $0x20, s13, s15, $0xb8;
	[tilespmem:$0x11D00] =	vst v63  }
0x4b: {  	s21 =	simm.s32 $0x5100  }
0x4c: {  	[tilespmem:s20], [sflag:$0x3] =	stream.indirect.gather [hbm4b:s4+s15], $0x20, s21, s15, $0xb8;
	[tilespmem:$0x11D00] =	vst v63  }
0x4d: {  	s7 =	simm.s32 $0x5180;
	s8 =	simm.s32 $0xCEE0  }
0x4e: {  	[tilespmem:s8], [sflag:$0x4] =	stream.indirect.gather [hbm4b:s4+s15], $0x20, s7, s15, $0xb8;
	[tilespmem:$0x11D00] =	vst v63  }
0x4f: {  	s9 =	simm.s32 $0x5200  }
0x50: {  	[tilespmem:s24], [sflag:$0x5] =	stream.indirect.gather [hbm4b:s4+s15], $0x20, s9, s15, $0xb8;
	[tilespmem:$0x11D00] =	vst v63  }
0x51: {  	s10 =	simm.s32 $0x5280;
	s13 =	simm.s32 $0xEE20  }
0x52: {  	[tilespmem:s13], [sflag:$0x6] =	stream.indirect.gather [hbm4b:s4+s15], $0x20, s10, s15, $0xb8;
	[tilespmem:$0x11D00] =	vst v63  }
0x53: {  	s19 =	simm.s32 $0x5300  }
0x54: {  	[tilespmem:s29], [sflag:$0x7] =	stream.indirect.gather [hbm4b:s4+s15], $0x20, s19, s15, $0xb8;
	[tilespmem:$0x11D00] =	vst v63  }
0x55: {  	s5 =	simm.s32 $0x0;
	s21 =	simm.s32 $0x5380  }
0x56: {  	[tilespmem:s31], [sflag:$0x8] =	stream.indirect.gather [hbm4b:s4+s15], $0x20, s21, s15, $0xb8;
	[tilespmem:$0x11D00] =	vst v63  }
.LBB2_2:
0x57: {  	_ =	swait.ge [sflag:s1], $0xFA0  }
0x58: {  	s7 =	sshra.s32 s5, $0x2;
	[sflag:s1] =	ssyncset.done $0x0  }
0x59: {  	p0 =	seq.s32 s5, $0x9000;
	s8 =	sadd.s32 $0x7800, s7;
	[sflag:s1] =	ssyncadd.s32 $0xFFFFF060  }
0x5a: {  	[spmem:s2] =	stream.indirect.scatter.add.f32 [tilespmem:s16], [sflag:$0x9], $0x20, s8, s15, $0xb8;
	[tilespmem:$0x11D00] =	vst v63  }
0x5b: {  	s8 =	simm.s32 @p0 $0x2  }
0x5c: {  	_ =	swait.ge @p0 [sflag:s8], $0xFA0  }
0x5d: {  	s13 =	sshra.s32 @p0 s5, $0x2;
	s10 =	simm.s32 @p0 $0x7D;
	[sflag:s8] =	ssyncset.done @p0 $0x0  }
0x5e: {  	s9 =	simm.s32 @p0 $0xAFA0;
	[sflag:s8] =	ssyncadd.s32 @p0 $0xFFFFF060;
	s8 =	sadd.s32 @p0 $0x7880, s13  }
0x5f: {  	[spmem:s2] =	stream.indirect.scatter.add.f32 @p0 [tilespmem:s9], [sflag:$0xA], $0x20, s8, s10, $0xb8;
	[tilespmem:$0x11D00] =	vst v63  }
0x60: {  	s8 =	simm.s32 @!p0 $0x9  }
0x61: {  	_ =	swait.ge @!p0 [sflag:s8], $0xFA0  }
0x62: {  	[sflag:s8] =	ssyncset.done @!p0 $0x0  }
0x63: {  	[sflag:s8] =	ssyncadd.s32 @!p0 $0xFFFFF060;
	s8 =	sshra.s32 @!p0 s5, $0x2  }
0x64: {  	s21 =	simm.s32 @!p0 $0xA000;
	s9 =	simm.s32 @!p0 $0x7D;
	s19 =	sadd.s32 @!p0 $0x5400, s8  }
0x65: {  	[tilespmem:s21], [sflag:$0x1] =	stream.indirect.gather @!p0 [hbm4b:s4+s9], $0x20, s19, s9, $0xb8;
	[tilespmem:$0x11D00] =	vst v63  }
0x66: {  	s19 =	simm.s32 @!p0 $0x2  }
0x67: {  	_ =	swait.ge @!p0 [sflag:s19], $0xFA0  }
0x68: {  	[sflag:s19] =	ssyncset.done @!p0 $0x0  }
0x69: {  	s21 =	simm.s32 @!p0 $0xAFA0;
	[sflag:s19] =	ssyncadd.s32 @!p0 $0xFFFFF060;
	s19 =	sadd.s32 @!p0 $0x7880, s8  }
0x6a: {  	[spmem:s2] =	stream.indirect.scatter.add.f32 @!p0 [tilespmem:s21], [sflag:$0xA], $0x20, s19, s9, $0xb8;
	[tilespmem:$0x11D00] =	vst v63  }
0x6b: {  	s19 =	simm.s32 @!p0 $0xA  }
0x6c: {  	_ =	swait.ge @!p0 [sflag:s19], $0xFA0  }
0x6d: {  	[sflag:s19] =	ssyncset.done @!p0 $0x0  }
0x6e: {  	[sflag:s19] =	ssyncadd.s32 @!p0 $0xFFFFF060;
	s19 =	sadd.s32 @!p0 $0x5480, s8  }
0x6f: {  	[tilespmem:s21], [sflag:$0x2] =	stream.indirect.gather @!p0 [hbm4b:s4+s9], $0x20, s19, s9, $0xb8;
	[tilespmem:$0x11D00] =	vst v63  }
0x70: {  	_ =	swait.ge [sflag:s0], $0xFA0  }
0x71: {  	[sflag:s0] =	ssyncset.done $0x0  }
0x72: {  	s21 =	sadd.s32 $0x7900, s7;
	s19 =	simm.s32 @p0 $0x4;
	[sflag:s0] =	ssyncadd.s32 $0xFFFFF060  }
0x73: {  	[spmem:s2] =	stream.indirect.scatter.add.f32 [tilespmem:s20], [sflag:$0xB], $0x20, s21, s15, $0xb8;
	[tilespmem:$0x11D00] =	vst v63  }
0x74: {  	_ =	swait.ge @p0 [sflag:s19], $0xFA0  }
0x75: {  	[sflag:s19] =	ssyncset.done @p0 $0x0  }
0x76: {  	s21 =	simm.s32 @p0 $0xCEE0;
	[sflag:s19] =	ssyncadd.s32 @p0 $0xFFFFF060;
	s19 =	sadd.s32 @p0 $0x7980, s13  }
0x77: {  	[spmem:s2] =	stream.indirect.scatter.add.f32 @p0 [tilespmem:s21], [sflag:$0xC], $0x20, s19, s10, $0xb8;
	[tilespmem:$0x11D00] =	vst v63  }
0x78: {  	s19 =	simm.s32 @!p0 $0xB  }
0x79: {  	_ =	swait.ge @!p0 [sflag:s19], $0xFA0  }
0x7a: {  	[sflag:s19] =	ssyncset.done @!p0 $0x0  }
0x7b: {  	s21 =	simm.s32 @!p0 $0xBF40;
	[sflag:s19] =	ssyncadd.s32 @!p0 $0xFFFFF060;
	s19 =	sadd.s32 @!p0 $0x5500, s8  }
0x7c: {  	[tilespmem:s21], [sflag:$0x3] =	stream.indirect.gather @!p0 [hbm4b:s4+s9], $0x20, s19, s9, $0xb8;
	[tilespmem:$0x11D00] =	vst v63  }
0x7d: {  	s19 =	simm.s32 @!p0 $0x4  }
0x7e: {  	_ =	swait.ge @!p0 [sflag:s19], $0xFA0  }
0x7f: {  	[sflag:s19] =	ssyncset.done @!p0 $0x0  }
0x80: {  	s21 =	simm.s32 @!p0 $0xCEE0;
	[sflag:s19] =	ssyncadd.s32 @!p0 $0xFFFFF060;
	s19 =	sadd.s32 @!p0 $0x7980, s8  }
0x81: {  	[spmem:s2] =	stream.indirect.scatter.add.f32 @!p0 [tilespmem:s21], [sflag:$0xC], $0x20, s19, s9, $0xb8;
	[tilespmem:$0x11D00] =	vst v63  }
0x82: {  	s19 =	simm.s32 @!p0 $0xC  }
0x83: {  	_ =	swait.ge @!p0 [sflag:s19], $0xFA0  }
0x84: {  	[sflag:s19] =	ssyncset.done @!p0 $0x0  }
0x85: {  	[sflag:s19] =	ssyncadd.s32 @!p0 $0xFFFFF060;
	s19 =	sadd.s32 @!p0 $0x5580, s8  }
0x86: {  	[tilespmem:s21], [sflag:$0x4] =	stream.indirect.gather @!p0 [hbm4b:s4+s9], $0x20, s19, s9, $0xb8;
	[tilespmem:$0x11D00] =	vst v63  }
0x87: {  	_ =	swait.ge [sflag:s14], $0xFA0  }
0x88: {  	[sflag:s14] =	ssyncset.done $0x0  }
0x89: {  	s21 =	sadd.s32 $0x7A00, s7;
	s19 =	simm.s32 @p0 $0x6;
	[sflag:s14] =	ssyncadd.s32 $0xFFFFF060  }
0x8a: {  	[spmem:s2] =	stream.indirect.scatter.add.f32 [tilespmem:s24], [sflag:$0xD], $0x20, s21, s15, $0xb8;
	[tilespmem:$0x11D00] =	vst v63  }
0x8b: {  	_ =	swait.ge @p0 [sflag:s19], $0xFA0  }
0x8c: {  	[sflag:s19] =	ssyncset.done @p0 $0x0  }
0x8d: {  	s13 =	sadd.s32 @p0 $0x7A80, s13;
	[sflag:s19] =	ssyncadd.s32 @p0 $0xFFFFF060;
	s19 =	simm.s32 @p0 $0xEE20  }
0x8e: {  	[spmem:s2] =	stream.indirect.scatter.add.f32 @p0 [tilespmem:s19], [sflag:$0xE], $0x20, s13, s10, $0xb8;
	[tilespmem:$0x11D00] =	vst v63  }
0x8f: {  	s10 =	simm.s32 @!p0 $0xD  }
0x90: {  	_ =	swait.ge @!p0 [sflag:s10], $0xFA0  }
0x91: {  	[sflag:s10] =	ssyncset.done @!p0 $0x0  }
0x92: {  	s13 =	simm.s32 @!p0 $0xDE80;
	[sflag:s10] =	ssyncadd.s32 @!p0 $0xFFFFF060;
	s10 =	sadd.s32 @!p0 $0x5600, s8  }
0x93: {  	[tilespmem:s13], [sflag:$0x5] =	stream.indirect.gather @!p0 [hbm4b:s4+s9], $0x20, s10, s9, $0xb8;
	[tilespmem:$0x11D00] =	vst v63  }
0x94: {  	s10 =	simm.s32 @!p0 $0x6  }
0x95: {  	_ =	swait.ge @!p0 [sflag:s10], $0xFA0  }
0x96: {  	[sflag:s10] =	ssyncset.done @!p0 $0x0  }
0x97: {  	s13 =	simm.s32 @!p0 $0xEE20;
	[sflag:s10] =	ssyncadd.s32 @!p0 $0xFFFFF060;
	s10 =	sadd.s32 @!p0 $0x7A80, s8  }
0x98: {  	[spmem:s2] =	stream.indirect.scatter.add.f32 @!p0 [tilespmem:s13], [sflag:$0xE], $0x20, s10, s9, $0xb8;
	[tilespmem:$0x11D00] =	vst v63  }
0x99: {  	s10 =	simm.s32 @!p0 $0xE  }
0x9a: {  	_ =	swait.ge @!p0 [sflag:s10], $0xFA0  }
0x9b: {  	[sflag:s10] =	ssyncset.done @!p0 $0x0  }
0x9c: {  	s8 =	sadd.s32 @!p0 $0x5680, s8;
	[sflag:s10] =	ssyncadd.s32 @!p0 $0xFFFFF060  }
0x9d: {  	[tilespmem:s13], [sflag:$0x6] =	stream.indirect.gather @!p0 [hbm4b:s4+s9], $0x20, s8, s9, $0xb8;
	[tilespmem:$0x11D00] =	vst v63  }
.Ltmp2:
0x9e: {  	_ = 	snop;
	(pc) =	sbr.rel @p0 .LBB2_4-.Ltmp2, $4  }
0x9f: {  	_ =	swait.ge [sflag:s17], $0xFA0  }
0xa0: {  	[sflag:s17] =	ssyncset.done $0x0  }
0xa1: {  	s21 =	sadd.s32 $0x7B00, s7;
	s8 =	sadd.s32 $0x7B80, s7;
	[sflag:s17] =	ssyncadd.s32 $0xFFFFF060  }
0xa2: {  	[spmem:s2] =	stream.indirect.scatter.add.f32 [tilespmem:s29], [sflag:$0xF], $0x20, s21, s15, $0xb8;
	[tilespmem:$0x11D00] =	vst v63  }
0xa3: {  	_ =	swait.ge [sflag:s28], $0xFA0  }
0xa4: {  	[sflag:s28] =	ssyncset.done $0x0  }
0xa5: {  	s9 =	sadd.s32 $0x5700, s7;
	[sflag:s28] =	ssyncadd.s32 $0xFFFFF060  }
0xa6: {  	[tilespmem:s29], [sflag:$0x7] =	stream.indirect.gather [hbm4b:s4+s15], $0x20, s9, s15, $0xb8;
	[tilespmem:$0x11D00] =	vst v63  }
0xa7: {  	_ =	swait.ge [sflag:s18], $0xFA0  }
0xa8: {  	[sflag:s18] =	ssyncset.done $0x0  }
0xa9: {  	[sflag:s18] =	ssyncadd.s32 $0xFFFFF060  }
0xaa: {  	[spmem:s2] =	stream.indirect.scatter.add.f32 [tilespmem:s31], [sflag:$0x10], $0x20, s8, s15, $0xb8;
	[tilespmem:$0x11D00] =	vst v63  }
.Ltmp3:
0xab: {  	_ = 	snop;
	(pc) =	sbr.rel .LBB2_2-.Ltmp3, $4  }
0xac: {  	_ =	swait.ge [sflag:s30], $0xFA0  }
0xad: {  	[sflag:s30] =	ssyncset.done $0x0  }
0xae: {  	s21 =	sadd.s32 $0x5780, s7;
	s5 =	sadd.s32 $0x1000, s5;
	[sflag:s30] =	ssyncadd.s32 $0xFFFFF060  }
0xaf: {  	[tilespmem:s31], [sflag:$0x8] =	stream.indirect.gather [hbm4b:s4+s15], $0x20, s21, s15, $0xb8;
	[tilespmem:$0x11D00] =	vst v63  }
.LBB2_5:
0xb0: {  	_ =	sfence.sel $0x180000  }
0xb1: {  	[bflag:$0x0] =	sbarrier.arrive $0xFFFF  }
0xb2: {  	_ =	strace $0x9000004D  }
0xb3: {  	s0 =	stileid.u32;
	[bflag:$0x2] =	sbarrier.arrive $0xFFFF  }
0xb4: {  	p0 =	sne.s32 s0, $0x0;
	s0 =	rddreg [dreg:$0x2]  }
0xb5: {  	s0 =	sadd.s32 @!p0 $0x100000, s0  }
0xb6: {  	[sflag:s0] =	ssyncadd.tile.s32 @!p0 $0x1;
	_ =	shalt  }
.Lfunc_end2:
_tile_overlayer_lowered:
.L_overlay_start_2:
0xb7: {  	(tag) =	ssettag $0x2  }
0xb8: {  	s0 =	rddreg [dreg:$0x0];
	s2 =	stileid.u32  }
0xb9: {  	s1 =	rddreg [dreg:$0x1];
	p0 =	sne.s32 s2, $0x0  }
0xba: {  	s3 =	rddreg [dreg:$0x2];
	[bflag:$0x3] =	sbarrier.arrive $0xFFFF;
	s2 =	simm.s32 @!p0 $0x1C11  }
0xbb: {  	[timem:s3], [sflag:s2] =	dma.local @!p0 [hbm:s0], s1  }
0xbc: {  	s0 =	simm.s32 @!p0 $0x11  }
0xbd: {  	_ =	swait.ge @!p0 [sflag:s0], s1  }
0xbe: {  	s1 =	ssub.s32 @!p0 $0x0, s1;
	[sflag:s0] =	ssyncset.done @!p0 $0x0  }
0xbf: {  	[sflag:s0] =	ssyncadd.s32 @!p0 s1  }
0xc0: {  	[bflag:$0x3] =	sbarrier.arrive $0xFFFF  }
0xc1: {  	_ =	shalt  }

// kernel: kernel.9.cloned.1.call-start
scs
__scs_entry_jumppad:
0x0: {  	(pc) =	sbr.rel $0x88, $3  }
0x1: {  	(tag) =	ssettag $0x0;
	lr =	simm.s32 $0x1  }
0x2: {  	[smem:$0x3F99] =	sst lr;
	_ =	strace $0xD0000000  }
0x3: {  	_ = 	snop  }
0x4: {  	_ = 	snop  }
0x5: {  	_ = 	snop  }
0x6: {  	_ = 	snop  }
0x7: {  	_ = 	snop  }
__scs_overlays_trampoline_lowered:
0x8: {  	[smem:$0x3FA8] =	sst s0  }
0x9: {  	[smem:$0x3FA9] =	sst s1  }
0xa: {  	[smem:$0x3FAA] =	sst s2  }
0xb: {  	[smem:$0x3FAB] =	sst s3  }
0xc: {  	[smem:$0x3FAC] =	sst s4  }
0xd: {  	[smem:$0x3FAD] =	sst s5  }
0xe: {  	[smem:$0x3FAE] =	sst s6  }
0xf: {  	[smem:$0x3FAF] =	sst s7  }
0x10: {  	[smem:$0x3FB0] =	sst s8  }
0x11: {  	[smem:$0x3FB1] =	sst s9;
	s0 =	simm.s32 @!p0 $0x0  }
0x12: {  	s1 =	sld [smem:$0x3F97];
	s0 =	simm.s32 @p0 $0x1  }
0x13: {  	[smem:$0x3FB2] =	sst s0;
	s0 =	simm.s32 @!p1 $0x0  }
0x14: {  	s2 =	sld [smem:$0x3F96];
	s0 =	simm.s32 @p1 $0x1  }
0x15: {  	[smem:$0x3FB3] =	sst s0;
	s0 =	simm.s32 @!p2 $0x0  }
0x16: {  	s3 =	sld [smem:$0x3FDB];
	s0 =	simm.s32 @p2 $0x1  }
0x17: {  	s4 =	simm.s32 $0x1BF5;
	[smem:$0x3FB5] =	sst s0  }
0x18: {  	s0 =	sld [smem:$0x3F98];
	_ =	swait.ge [sflag:s4], $0x0  }
0x19: {  	s7 =	sld [smem:$0x3F99]  }
0x1a: {  	s8 =	sadd.s32 $0xFFFFE003, lr  }
0x1b: {  	s9 =	sadd.s32 $0xFFFFFEF7, lr;
	s5 =	simm.s32 $0xFFFFFFFF;
	p2 =	slt.u32 s8, $0xFFFFF086  }
0x1c: {  	p1 =	slt.u32 s9, $0xF7A;
	s5 =	simm.s32 @!p2 $0x0  }
0x1d: {  	s5 =	simm.s32 @p1 $0x1;
	p0 =	seq.s32 s7, s2  }
0x1e: {  	s7 =	smul.u32 @!p0 $0xF7A, s2;
	p2 =	seq.s32 @!p0 s5, $0x0  }
0x1f: {  	s9 =	smul.u32 $0xF7A, s1;
	s8 =	simm.s32 @!p0 $0x1BF5;
	p2 =	por !p2, p0  }
0x20: {  	[sflag:s8] =	ssyncset.s32 @!p0 $0xFFFFF086;
	s6 =	sadd.s32 @!p0 s3, s7;
	s7 =	simm.s32 @!p0 $0x108  }
0x21: {  	s3 =	sadd.s32 s3, s9;
	s6 =	sadd.s32 @!p0 $0x88, s6;
	s7 =	simm.s32 @p2 $0x1082  }
0x22: {  	[simem:s7], [sflag:s8] =	dma.local @!p0 [hbm:s6], $0xF7A  }
0x23: {  	s9 =	sor.u32 $0xD0000000, s2;
	s6 =	simm.s32 $0x108;
	_ =	swait.ge @!p0 [sflag:s8], $0x0  }
0x24: {  	s3 =	sadd.s32 $0x88, s3;
	s6 =	simm.s32 @!p1 $0x1082;
	[sflag:s4] =	ssyncset.s32 $0xFFFFF086  }
0x25: {  	[simem:s6], [sflag:s4] =	dma.local [hbm:s3], $0xF7A  }
0x26: {  	[smem:$0x3F99] =	sst s1;
	(tag) =	ssettag s2;
	_ =	strace s9  }
0x27: {  	s1 =	sld [smem:$0x3FA9]  }
0x28: {  	s2 =	sld [smem:$0x3FAA]  }
0x29: {  	s4 =	sld [smem:$0x3FAC]  }
0x2a: {  	p0 =	seq.s32 s5, $0x0;
	s5 =	sld [smem:$0x3FAD]  }
0x2b: {  	s6 =	sld [smem:$0x3FAE]  }
0x2c: {  	s7 =	sld [smem:$0x3FAF]  }
0x2d: {  	s3 =	simm.s32 $0x108;
	s8 =	sld [smem:$0x3FB0]  }
0x2e: {  	s3 =	simm.s32 @!p0 $0x1082;
	s9 =	sld [smem:$0x3FB1]  }
0x2f: {  	lr =	sadd.s32 s0, s3;
	s0 =	sld [smem:$0x3FA8]  }
0x30: {  	s3 =	sld [smem:$0x3FAB]  }
0x31: {  	[smem:$0x3FB4] =	sst s10  }
0x32: {  	s10 =	sld [smem:$0x3FB2];
	_ =	sdelay $0x3  }
0x33: {  	p0 =	seq.s32 s10, $0x1;
	s10 =	sld [smem:$0x3FB4];
	_ =	sdelay $0x3  }
0x34: {  	[smem:$0x3FB4] =	sst s10  }
0x35: {  	s10 =	sld [smem:$0x3FB3];
	_ =	sdelay $0x3  }
0x36: {  	p1 =	seq.s32 s10, $0x1;
	s10 =	sld [smem:$0x3FB4];
	_ =	sdelay $0x3  }
0x37: {  	[smem:$0x3FB4] =	sst s10  }
0x38: {  	s10 =	sld [smem:$0x3FB5]  }
0x39: {  	_ = 	snop;
	(pc) =	sbr.ind lr, $3  }
0x3a: {  	_ = 	snop  }
0x3b: {  	_ = 	snop  }
0x3c: {  	p2 =	seq.s32 s10, $0x1;
	s10 =	sld [smem:$0x3FB4]  }
0x3d: {  	_ =	shalt  }
0x3e: {  	_ =	shalt  }
0x3f: {  	_ =	shalt  }
0x40: {  	_ =	shalt  }
0x41: {  	_ =	shalt  }
0x42: {  	_ =	shalt  }
0x43: {  	_ =	shalt  }
0x44: {  	_ =	shalt  }
0x45: {  	_ =	shalt  }
0x46: {  	_ =	shalt  }
0x47: {  	_ =	shalt  }
0x48: {  	_ =	shalt  }
0x49: {  	_ =	shalt  }
0x4a: {  	_ =	shalt  }
0x4b: {  	_ =	shalt  }
0x4c: {  	_ =	shalt  }
0x4d: {  	_ =	shalt  }
0x4e: {  	_ =	shalt  }
0x4f: {  	_ =	shalt  }
0x50: {  	_ =	shalt  }
0x51: {  	_ =	shalt  }
0x52: {  	_ =	shalt  }
0x53: {  	_ =	shalt  }
0x54: {  	_ =	shalt  }
0x55: {  	_ =	shalt  }
0x56: {  	_ =	shalt  }
0x57: {  	_ =	shalt  }
0x58: {  	_ =	shalt  }
0x59: {  	_ =	shalt  }
0x5a: {  	_ =	shalt  }
0x5b: {  	_ =	shalt  }
0x5c: {  	_ =	shalt  }
0x5d: {  	_ =	shalt  }
0x5e: {  	_ =	shalt  }
0x5f: {  	_ =	shalt  }
0x60: {  	_ =	shalt  }
0x61: {  	_ =	shalt  }
0x62: {  	_ =	shalt  }
0x63: {  	_ =	shalt  }
0x64: {  	_ =	shalt  }
0x65: {  	_ =	shalt  }
0x66: {  	_ =	shalt  }
0x67: {  	_ =	shalt  }
0x68: {  	_ =	shalt  }
0x69: {  	_ =	shalt  }
0x6a: {  	_ =	shalt  }
0x6b: {  	_ =	shalt  }
0x6c: {  	_ =	shalt  }
0x6d: {  	_ =	shalt  }
0x6e: {  	_ =	shalt  }
0x6f: {  	_ =	shalt  }
0x70: {  	_ =	shalt  }
0x71: {  	_ =	shalt  }
0x72: {  	_ =	shalt  }
0x73: {  	_ =	shalt  }
0x74: {  	_ =	shalt  }
0x75: {  	_ =	shalt  }
0x76: {  	_ =	shalt  }
0x77: {  	_ =	shalt  }
0x78: {  	_ =	shalt  }
0x79: {  	_ =	shalt  }
0x7a: {  	_ =	shalt  }
0x7b: {  	_ =	shalt  }
0x7c: {  	_ =	shalt  }
0x7d: {  	_ =	shalt  }
0x7e: {  	_ =	shalt  }
0x7f: {  	_ =	shalt  }
0x80: {  	_ =	shalt  }
0x81: {  	_ =	shalt  }
0x82: {  	_ =	shalt  }
0x83: {  	_ =	shalt  }
0x84: {  	_ =	shalt  }
0x85: {  	_ =	shalt  }
0x86: {  	_ =	shalt  }
0x87: {  	_ =	shalt  }
.Lfunc_end0:
.L_simem_size_0:
called_computation_lowered:
.L_overlay_start_0:
0x88: {  	s2 =	sld [smem:$0x3FD9]  }
0x89: {  	s3 =	sld [smem:$0x3FFE];
	_ =	sdelay $0x1  }
0x8a: {  	s1 =	srdreg.scid  }
0x8b: {  	s0 =	sand.u32 $0x1, s1  }
0x8c: {  	s16 =	sshll.u32 s0, $0xA;
	s2 =	sadd.s32 s3, s2  }
0x8d: {  	s2 =	sadd.s32 s2, s16  }
0x8e: {  	[smem:$0x3FC0] =	sst s2  }
0x8f: {  	_ = 	snop  }
0x90: {  	(tm) =	ssettm $0x1  }
0x91: {  	s17 =	sld [smem:$0x3FFB];
	_ =	sdelay $0x3  }
0x92: {  	_ =	strace s17  }
0x93: {  	s2 =	sld [smem:$0x3FFC];
	_ =	sdelay $0x3  }
0x94: {  	_ =	strace s2  }
0x95: {  	s2 =	sld [smem:$0x3FFD];
	_ =	sdelay $0x3  }
0x96: {  	_ =	strace s2  }
0x97: {  	_ =	strace $0x8FFFFFFF  }
0x98: {  	s18 =	sld [smem:$0x3FDB];
	_ =	sdelay $0x1  }
0x99: {  	s19 =	simm.s32 $_scs_section_size  }
0x9a: {  	s4 =	simm.s32 $_size__tile_overlayer_lowered;
	s5 =	simm.s32 $_tile_overlayer_lowered  }
0x9b: {  	s22 =	simm.s32 $0x1BFF;
	s21 =	sshll.u32 s5, $0x1;
	s2 =	sadd.s32 s19, s18  }
0x9c: {  	s6 =	simm.s32 $0x0;
	s20 =	sshll.u32 s4, $0x1;
	s4 =	sadd.s32 s21, s2  }
0x9d: {  	[timem:s6], [sflag:s22] =	dma.local [hbm:s4], s20  }
0x9e: {  	_ =	swait.ge [sflag:s22], s20  }
0x9f: {  	s3 =	ssub.s32 $0x0, s20;
	[sflag:s22] =	ssyncset.done $0x0  }
0xa0: {  	[sflag:s22] =	ssyncadd.s32 s3;
	_ =	sdelay $0x1  }
0xa1: {  	s23 =	simm.s32 $0x1B8B  }
0xa2: {  	_ =	swait.ge [sflag:s23], $0x1  }
0xa3: {  	[sflag:s23] =	ssyncset.done $0x0  }
0xa4: {  	s25 =	simm.s32 $0x1B8E;
	s24 =	sld [smem:$0x3FFE];
	[sflag:s23] =	ssyncadd.s32 $0xFFFFFFFF  }
0xa5: {  	s26 =	simm.s32 $execute0_lowered;
	[smem:$0x3FD2] =	sst s25  }
0xa6: {  	s4 =	sshll.u32 s26, $0x1;
	_ =	strace $0x80000046;
	[dreg:$0x1] =	wrdreg $0xFFFFFFFF  }
0xa7: {  	s28 =	simm.s32 $_size_execute0_lowered;
	s2 =	sadd.s32 s2, s4;
	[dreg:$0x0] =	wrdreg $0x0  }
0xa8: {  	s4 =	sshll.u32 s28, $0x1;
	[dreg:$0x2] =	wrdreg s2  }
0xa9: {  	[dreg:$0x3] =	wrdreg s4  }
0xaa: {  	[dreg:$0x4] =	wrdreg $0xC0  }
0xab: {  	_ =	task [dreg:s6], $0x5FFFF  }
0xac: {  	[dreg:$0x1] =	wrdreg $0xFFFFFFFF  }
0xad: {  	[dreg:$0x0] =	wrdreg $0x60  }
0xae: {  	[dreg:$0x2] =	wrdreg s24  }
0xaf: {  	[dreg:$0x3] =	wrdreg $0x9  }
0xb0: {  	_ =	task.clear_ibuf [dreg:s6], $0x4FFFF;
	_ =	strace $0x90000046  }
0xb1: {  	s29 =	simm.s32 $0x9;
	_ =	strace $0x80000048  }
0xb2: {  	_ =	swait.ge [sflag:s29], $0x1  }
0xb3: {  	[sflag:s29] =	ssyncadd.s32 $0xFFFFFFFF  }
0xb4: {  	_ =	strace $0x90000048  }
0xb5: {  	_ =	sfence  }
0xb6: {  	s30 =	sld [smem:$0x0];
	_ =	sdelay $0x2  }
0xb7: {  	s31 =	sshll.u32 s1, $0xD;
	s1 =	sshrl.u32 s1, $0x2  }
0xb8: {  	s3 =	sand.u32 $0x4000, s31;
	s1 =	sadd.s32 s1, s30  }
0xb9: {  	s0 =	sor.u32 s3, s0;
	s1 =	sshll.u32 s1, $0x11  }
0xba: {  	s0 =	sor.u32 s1, s0  }
0xbb: {  	s0 =	sadd.s32 $0x8F2B, s0  }
0xbc: {  	[sflag:s0] =	ssyncadd.remote.s32 $0x1  }
0xbd: {  	_ =	sfence.sel $0xFFFF  }
0xbe: {  	[dreg:$0x0] =	wrdreg $0xFFFFFFFF;
	(pc) =	sbr.abs _section_cstart, $3  }
0xbf: {  	[dreg:$0x1] =	wrdreg $0xFFFFFFFF  }
0xc0: {  	_ =	task.clear_ibuf [dreg:s6], $0x2FFFF;
	_ =	strace $0x9FFFFFFF  }
0xc1: {  	(tm) =	ssettm $0x7FFFFFFF  }
tec
execute0_lowered:
.L_overlay_start_1:
0x0: {  	(tag) =	ssettag $0x1  }
0x1: {  	s0 =	srdreg.scid  }
0x2: {  	s3 =	sand.u32 $0x1, s0  }
0x3: {  	s4 =	rddreg [dreg:$0x0];
	s0 =	stileid.u32;
	s1 =	sshll.u32 s3, $0x4  }
0x4: {  	s2 =	simm.s32 $0x0;
	s8 =	simm.s32 $0x0;
	s5 =	sor.u32 s0, s1  }
0x5: {  	[smem:$0x7FF] =	sst s2;
	s3 =	ssub.s32 $0x2, s3;
	s6 =	smul.u32 $0x4E2, s5  }
0x6: {  	s1 =	rddreg [dreg:$0x1];
	s7 =	sshrl.u32 s3, $0x1;
	s5 =	smul.u32 $0x500, s5  }
0x7: {  	_ =	strace $0x80000047;
	s31 =	ssub.s32 s3, s7;
	s7 =	simm.s32 $0x1  }
0x8: {  	s6 =	sadd.s32 s6, s4;
	s4 =	sadd.s32 s5, s4;
	s5 =	smax.u32 s31, $0x1  }
0x9: {  	v0 =	vimm.f32 $0.0e+00;
	v1 =	vimm.f32 $1.000000000e+00;
	s3 =	sadd.s32 $0x1A00, s6;
	s4 =	sadd.s32 $0xB800, s4;
	s6 =	simm.s32 $0x2800  }
.LBB2_1:
0xa: {  	s9 =	simm.s32 $0x40;
	s10 =	simm.s32 $0x0  }
.LBB2_2:
0xb: {  	p0 =	sne.s32 s9, $0x9FC0;
	[tilespmem:s10+$0x0] =	vst v0;
	s10 =	smov.u32 s9;
	s9 =	sadd.s32 $0x40, s9  }
.Ltmp0:
0xc: {  	(pc) =	sbr.rel @p0 .LBB2_2-.Ltmp0, $2  }
0xd: {  	_ =	sdelay $0x2  }
0xe: {  	s10 =	sshra.s32 s10, $0x2  }
0xf: {  	[tilespmem:s10+$0x0] =	vst v0;
	s9 =	simm.s32 $0x0  }
0x10: {  	[tilespmem:s6], [sflag:$0x1] =	stream.linear.gather [hbm4b:s3+s9], $0x2710, $0x38;
	[tilespmem:$0x4F10] =	vst v63  }
0x11: {  	_ =	swait.ge [sflag:s7], $0x2710  }
0x12: {  	[sflag:s7] =	ssyncset.done $0x0  }
0x13: {  	s10 =	simm.s32 $0x0;
	s9 =	simm.s32 $0x40;
	[sflag:s7] =	ssyncadd.s32 $0xFFFFD8F0  }
.LBB2_4:
0x14: {  	p0 =	sne.s32 s9, $0x9C00;
	v2 =	vld [tilespmem:s10+$0x2800];
	_ =	sdelay $0x3  }
.Ltmp1:
0x15: {  	(pc) =	sbr.rel @p0 .LBB2_4-.Ltmp1, $2  }
0x16: {  	_ =	sdelay $0x2  }
0x17: {  	s10 =	sshra.s32 s9, $0x2;
	s9 =	sadd.s32 $0x40, s9;
	[tilespmem:v2+s2+$0x0] =	vst.idx.add.f32.msk $0xffff, v1  }
0x18: {  	v2 =	vld [tilespmem:s10+$0x2800];
	_ =	sdelay $0x5  }
0x19: {  	s8 =	sadd.s32 $0x1, s8  }
0x1a: {  	p0 =	sne.s32 s8, s5  }
.Ltmp2:
0x1b: {  	[tilespmem:v2+s2+$0x0] =	vst.idx.add.f32.msk $0xffff, v1;
	(pc) =	sbr.rel @p0 .LBB2_1-.Ltmp2, $4  }
0x1c: {  	[hbm4b:s4+s2] =	stream.linear.scatter [tilespmem:s2], [sflag:$0x1], $0x2800, $0x38;
	[tilespmem:$0x4F10] =	vst v63  }
0x1d: {  	_ =	swait.ge [sflag:s7], $0x2800  }
0x1e: {  	[sflag:s7] =	ssyncset.done $0x0  }
0x1f: {  	[sflag:s7] =	ssyncadd.s32 $0xFFFFD800  }
0x20: {  	_ =	sfence.sel $0x180000  }
0x21: {  	[bflag:$0x0] =	sbarrier.arrive $0xFFFF  }
0x22: {  	p0 =	sne.s32 s0, $0x0;
	_ =	strace $0x90000047  }
0x23: {  	s0 =	sadd.s32 @!p0 $0x100000, s1;
	[bflag:$0x2] =	sbarrier.arrive $0xFFFF  }
0x24: {  	[sflag:s0] =	ssyncadd.tile.s32 @!p0 $0x1;
	_ =	shalt  }
.Lfunc_end2:
_tile_overlayer_lowered:
.L_overlay_start_2:
0x25: {  	(tag) =	ssettag $0x2  }
0x26: {  	s0 =	rddreg [dreg:$0x0];
	s2 =	stileid.u32  }
0x27: {  	s1 =	rddreg [dreg:$0x1];
	p0 =	sne.s32 s2, $0x0  }
0x28: {  	s3 =	rddreg [dreg:$0x2];
	[bflag:$0x3] =	sbarrier.arrive $0xFFFF;
	s2 =	simm.s32 @!p0 $0x1C01  }
0x29: {  	[timem:s3], [sflag:s2] =	dma.local @!p0 [hbm:s0], s1  }
0x2a: {  	s0 =	simm.s32 @!p0 $0x1  }
0x2b: {  	_ =	swait.ge @!p0 [sflag:s0], s1  }
0x2c: {  	s1 =	ssub.s32 @!p0 $0x0, s1;
	[sflag:s0] =	ssyncset.done @!p0 $0x0  }
0x2d: {  	[sflag:s0] =	ssyncadd.s32 @!p0 s1  }
0x2e: {  	[bflag:$0x3] =	sbarrier.arrive $0xFFFF  }
0x2f: {  	_ =	shalt  }

</sc_bundles>
